<compile_context>
chip_gen: v7x
topology: tpu7x:2x2x1
jax: 0.10.2.dev20260603
libtpu: 0.0.44.dev20260713+nightly
codegen_flags: <defaults>
</compile_context>

<pallas_src>
import functools

import jax
import jax.numpy as jnp
from jax import lax
from jax.experimental import pallas as pl
from jax.experimental.pallas import tpu as pltpu
from jax.experimental.pallas import tpu_sc as plsc

LANES = 16
CHUNK = 128
NC = 2
NS = 16
NW = NC * NS


def _cdiv(a, b):
    return (a + b - 1) // b


def _row_pieces(rows):
    pieces = []
    left = rows
    while left > 0:
        sz = min(CHUNK, left)
        pieces.append(sz)
        left -= sz
    return pieces


def _sc_mesh():
    return plsc.VectorSubcoreMesh(core_axis_name="c", subcore_axis_name="s")


@functools.lru_cache(maxsize=None)
def _make_deg_kernel(n_pad, cc2):
    rpt = n_pad // NS

    @functools.partial(
        pl.kernel,
        out_type=jax.ShapeDtypeStruct((NC, n_pad, LANES), jnp.float32),
        mesh=_sc_mesh(),
        compiler_params=pltpu.CompilerParams(use_tc_tiling_on_sc=False),
        scratch_types=[
            pltpu.VMEM((cc2, CHUNK), jnp.int32),
            pltpu.VMEM((cc2, CHUNK), jnp.int32),
            pltpu.VMEM((CHUNK, LANES), jnp.float32),
            pltpu.VMEM((CHUNK, LANES), jnp.float32),
            pltpu.VMEM((rpt, LANES), jnp.float32),
            pltpu.VMEM_SHARED((n_pad, LANES), jnp.float32),
        ],
    )
    def deg_kernel(src_hbm, dst_hbm, deg_hbm,
                   srcv, dstv, onesa_v, onesb_v, zv, deg_sh):
        cid = lax.axis_index("c")
        sid = lax.axis_index("s")
        wid = sid * NC + cid
        pltpu.sync_copy(src_hbm.at[wid], srcv)
        pltpu.sync_copy(dst_hbm.at[wid], dstv)

        lo = jnp.where(lax.iota(jnp.int32, LANES) < LANES // 2, 1.0, 0.0)
        hi = 1.0 - lo

        def _fill(i, _):
            onesa_v[i] = lo
            onesb_v[i] = hi
            return 0

        lax.fori_loop(0, CHUNK, _fill, 0)

        def _fillz(i, _):
            zv[i] = jnp.zeros((LANES,), jnp.float32)
            return 0

        lax.fori_loop(0, rpt, _fillz, 0)

        r0 = sid * rpt
        pltpu.sync_copy(zv, deg_sh.at[pl.ds(r0, rpt)])
        plsc.subcore_barrier()

        def _body(c, _):
            pltpu.sync_copy(onesa_v, deg_sh.at[srcv.at[c]], add=True)
            pltpu.sync_copy(onesb_v, deg_sh.at[dstv.at[c]], add=True)
            return 0

        lax.fori_loop(0, cc2, _body, 0)
        plsc.subcore_barrier()

        pltpu.sync_copy(deg_sh.at[pl.ds(r0, rpt)], zv)
        pltpu.sync_copy(zv, deg_hbm.at[cid, pl.ds(r0, rpt)])

    return deg_kernel


@functools.lru_cache(maxsize=None)
def _make_pass_kernel(n_pad, d, cc, cc2, nhalves):
    rpt = n_pad // NS
    pieces = _row_pieces(rpt)
    npairs = (cc + 2) // 2

    @functools.partial(
        pl.kernel,
        out_type=[jax.ShapeDtypeStruct((NC, n_pad, d), jnp.float32)
                  for _ in range(nhalves)],
        mesh=_sc_mesh(),
        compiler_params=pltpu.CompilerParams(use_tc_tiling_on_sc=False),
        scratch_types=[
            pltpu.VMEM((cc2, CHUNK), jnp.int32),
            pltpu.VMEM((cc2, CHUNK), jnp.int32),
            pltpu.VMEM((CHUNK, d), jnp.float32),
            pltpu.VMEM((CHUNK, d), jnp.float32),
            pltpu.VMEM_SHARED((n_pad, d), jnp.float32),
            pltpu.SemaphoreType.DMA,
            pltpu.SemaphoreType.DMA,
        ],
    )
    def pass_kernel(*args):
        tabs = args[:nhalves]
        src_hbm, dst_hbm = args[nhalves], args[nhalves + 1]
        outs = args[nhalves + 2:2 * nhalves + 2]
        srcv, dstv, bufa, bufb, acc_sh, sema, semb = args[2 * nhalves + 2:]
        cid = lax.axis_index("c")
        sid = lax.axis_index("s")
        wid = sid * NC + cid
        pltpu.sync_copy(src_hbm.at[wid], srcv)
        pltpu.sync_copy(dst_hbm.at[wid], dstv)
        r0 = sid * rpt

        for tab_hbm, out_hbm in zip(tabs, outs):
            def _fz(i, _):
                for k in range(d // LANES):
                    bufa[i, pl.ds(k * LANES, LANES)] = jnp.zeros(
                        (LANES,), jnp.float32)
                return 0

            lax.fori_loop(0, CHUNK, _fz, 0)
            off = 0
            for sz in pieces:
                pltpu.sync_copy(bufa.at[pl.ds(0, sz)],
                                acc_sh.at[pl.ds(r0 + off, sz)])
                off += sz
            plsc.subcore_barrier()

            pltpu.async_copy(tab_hbm.at[srcv.at[0]], bufa, sema)
            pltpu.async_copy(tab_hbm.at[srcv.at[1]], bufb, semb)

            def _body(i, _):
                c0 = 2 * i
                c1 = c0 + 1
                pltpu.make_async_copy(
                    tab_hbm.at[srcv.at[c0]], bufa, sema).wait()
                pltpu.sync_copy(bufa, acc_sh.at[dstv.at[c0]], add=True)
                pltpu.async_copy(tab_hbm.at[srcv.at[c0 + 2]], bufa, sema)
                pltpu.make_async_copy(
                    tab_hbm.at[srcv.at[c1]], bufb, semb).wait()
                pltpu.sync_copy(bufb, acc_sh.at[dstv.at[c1]], add=True)
                pltpu.async_copy(tab_hbm.at[srcv.at[c1 + 2]], bufb, semb)
                return 0

            lax.fori_loop(0, npairs, _body, 0)
            pltpu.make_async_copy(
                tab_hbm.at[srcv.at[cc + 2]], bufa, sema).wait()
            pltpu.make_async_copy(
                tab_hbm.at[srcv.at[cc + 3]], bufb, semb).wait()
            plsc.subcore_barrier()

            off = 0
            for sz in pieces:
                pltpu.sync_copy(acc_sh.at[pl.ds(r0 + off, sz)],
                                bufa.at[pl.ds(0, sz)])
                pltpu.sync_copy(bufa.at[pl.ds(0, sz)],
                                out_hbm.at[cid, pl.ds(r0 + off, sz)])
                off += sz

    return pass_kernel


def _tc_scale(x_pad, deg):
    n_pad, d = x_pad.shape
    d2 = d // 2

    def body(x_ref, dg_ref, o0_ref, o1_ref):
        do = dg_ref[0, :, 0:1] + dg_ref[1, :, 0:1]
        nsrc = lax.rsqrt(jnp.maximum(do, 1.0))
        v = x_ref[...] * nsrc
        o0_ref[...] = v[:, :d2]
        o1_ref[...] = v[:, d2:]

    return pl.pallas_call(
        body,
        out_shape=[jax.ShapeDtypeStruct((n_pad, d2), jnp.float32),
                   jax.ShapeDtypeStruct((n_pad, d2), jnp.float32)],
    )(x_pad, deg)


def _tc_mid(agg0, agg1, deg, w1, b1, w2):
    n_pad = agg0.shape[1]
    d2 = agg0.shape[2]
    c_dim = w2.shape[1]

    def body(a0_ref, a1_ref, dg_ref, w1_ref, b1_ref, w2_ref, o_ref):
        a0 = a0_ref[0] + a0_ref[1]
        a1 = a1_ref[0] + a1_ref[1]
        di = dg_ref[0, :, 8:9] + dg_ref[1, :, 8:9]
        nd = lax.rsqrt(jnp.maximum(di, 1.0))
        do = dg_ref[0, :, 0:1] + dg_ref[1, :, 0:1]
        nsrc = lax.rsqrt(jnp.maximum(do, 1.0))
        h1 = (jnp.dot(a0 * nd, w1_ref[0:d2, :],
                      preferred_element_type=jnp.float32)
              + jnp.dot(a1 * nd, w1_ref[d2:, :],
                        preferred_element_type=jnp.float32)
              + b1_ref[...])
        h1 = jnp.maximum(h1, 0.0)
        o_ref[...] = jnp.dot(h1 * nsrc, w2_ref[...],
                             preferred_element_type=jnp.float32)

    return pl.pallas_call(
        body,
        out_shape=jax.ShapeDtypeStruct((n_pad, c_dim), jnp.float32),
    )(agg0, agg1, deg, w1, b1, w2)


def _tc_final(agg, deg, b2, n):
    c_dim = agg.shape[2]

    def body(agg_ref, dg_ref, b2_ref, o_ref):
        a = agg_ref[0, :n] + agg_ref[1, :n]
        di = dg_ref[0, :n, 8:9] + dg_ref[1, :n, 8:9]
        nd = lax.rsqrt(jnp.maximum(di, 1.0))
        o_ref[...] = a * nd + b2_ref[...]

    return pl.pallas_call(
        body,
        out_shape=jax.ShapeDtypeStruct((n, c_dim), jnp.float32),
    )(agg, deg, b2)


def kernel(x, edge_index, W1, b1, W2, b2):
    n, d_in = x.shape
    e = edge_index.shape[1]

    n_pad = _cdiv(n + 1, 128) * 128

    cc = _cdiv(e, NW * CHUNK)
    cc += cc % 2
    cc2 = cc + 4
    e_pad = NW * cc * CHUNK

    src = edge_index[0].astype(jnp.int32)
    dst = edge_index[1].astype(jnp.int32)
    ndump = n_pad - n
    pad = n + (jnp.arange(e_pad - e, dtype=jnp.int32) % ndump)
    dummy = n + (jnp.arange(NW * (cc2 - cc) * CHUNK, dtype=jnp.int32)
                 % ndump).reshape(NW, cc2 - cc, CHUNK)
    src_a = jnp.concatenate(
        [jnp.concatenate([src, pad]).reshape(NW, cc, CHUNK), dummy], axis=1)
    dst_a = jnp.concatenate(
        [jnp.concatenate([dst, pad]).reshape(NW, cc, CHUNK), dummy], axis=1)

    x_pad = jnp.pad(x, ((0, n_pad - n), (0, 0)))

    deg = _make_deg_kernel(n_pad, cc2)(src_a, dst_a)
    h0, h1 = _tc_scale(x_pad, deg)
    agg0, agg1 = _make_pass_kernel(n_pad, d_in // 2, cc, cc2, 2)(
        h0, h1, src_a, dst_a)
    p = _tc_mid(agg0, agg1, deg, W1, b1.reshape(1, -1), W2)
    (agg2,) = _make_pass_kernel(n_pad, W2.shape[1], cc, cc2, 1)(
        p, src_a, dst_a)
    return _tc_final(agg2, deg, b2.reshape(1, -1), n)

# --- scband reference (transcript-rebuilt; emitter-appended) ---
"""Pipeline reference for scband-graph-cn-66271345377540 (READ-ONLY COPY).

The authoritative reference and input builder live on the scoring server;
editing this copy changes nothing except your own understanding.
"""

import jax, jax.numpy as jnp
import numpy as np

N = 10000
E = 320000
D_IN = 128
H = 128
C = 16


def setup_inputs(seed: int = 0) -> dict:
    key = jax.random.key(seed)
    k1, k2, k3, k4 = jax.random.split(key, 4)
    x = jax.random.normal(k1, (N, D_IN), dtype=jnp.float32)
    edge_index = jax.random.randint(k2, (2, E), 0, N)
    W1 = jax.random.normal(k3, (D_IN, H), dtype=jnp.float32) * (1.0 / np.sqrt(D_IN))
    b1 = jnp.zeros((H,), dtype=jnp.float32)
    W2 = jax.random.normal(k4, (H, C), dtype=jnp.float32) * (1.0 / np.sqrt(H))
    b2 = jnp.zeros((C,), dtype=jnp.float32)
    return {"x": x, "edge_index": edge_index, "W1": W1, "b1": b1, "W2": W2, "b2": b2}


def _graph_conv(x, src, dst, W, b, n):
    # DGL GraphConv with norm='both': D_out^{-1/2} on src side, aggregate, D_in^{-1/2} on dst side
    ones = jnp.ones((src.shape[0],), dtype=x.dtype)
    deg_out = jax.ops.segment_sum(ones, src, num_segments=n)
    deg_in = jax.ops.segment_sum(ones, dst, num_segments=n)
    norm_src = jnp.where(deg_out > 0, deg_out, 1.0) ** -0.5
    norm_dst = jnp.where(deg_in > 0, deg_in, 1.0) ** -0.5
    h = x * norm_src[:, None]
    m = jnp.take(h, src, axis=0)
    agg = jax.ops.segment_sum(m, dst, num_segments=n)
    agg = agg * norm_dst[:, None]
    return agg @ W + b


def reference(x, edge_index, W1, b1, W2, b2):
    src = edge_index[0]
    dst = edge_index[1]
    h = _graph_conv(x, src, dst, W1, b1, N)
    h = jax.nn.relu(h)
    h = jax.lax.stop_gradient(h)  # mirrors h.detach() in the torch module
    out = _graph_conv(h, src, dst, W2, b2, N)
    return out

if __name__ == "__main__":
    import jax
    _d = setup_inputs()
    print(jax.jit(kernel)(*tuple(_d.values())))

</pallas_src>

<mosaic_0001>
#map = affine_map<(d0, d1) -> (0, 0)>
#map1 = affine_map<(d0, d1) -> (0, 0, 0)>
module attributes {stable_mosaic.version = 14 : i64} {
  func.func @pass_kernel(%arg0: i32, %arg1: i32, %arg2: memref<10112x16xf32, #tpu.memory_space<hbm>>, %arg3: memref<32x84x128xi32, #tpu.memory_space<hbm>>, %arg4: memref<32x84x128xi32, #tpu.memory_space<hbm>>, %arg5: memref<2x10112x16xf32, #tpu.memory_space<hbm>>, %arg6: memref<84x128xi32, #tpu.memory_space<vmem>>, %arg7: memref<84x128xi32, #tpu.memory_space<vmem>>, %arg8: memref<128x16xf32, #tpu.memory_space<vmem>>, %arg9: memref<128x16xf32, #tpu.memory_space<vmem>>, %arg10: memref<10112x16xf32, #tpu.memory_space<vmem_shared>>, %arg11: memref<!tpu.dma_semaphore, #tpu.memory_space<semaphore_mem>>, %arg12: memref<!tpu.dma_semaphore, #tpu.memory_space<semaphore_mem>>) attributes {dimension_semantics = [#tpu.dimension_semantics<core_parallel>, #tpu.dimension_semantics<subcore_parallel>], iteration_bounds = array<i64: 2, 16>, scalar_prefetch = 0 : i64, scratch_operands = 7 : i64, tpu.core_type = #tpu.core_type<sc_vector_subcore>, window_params = [{transform_indices = #map}, {transform_indices = #map1}, {transform_indices = #map1}, {transform_indices = #map1}]} {
    %mul3A = arith.constant 2 : i32
    %mul3A_0 = arith.muli %arg1, %mul3A : i32
    %add3A = arith.addi %mul3A_0, %arg0 : i32
    "tpu.region"() ({
      %run_scoped3A = tpu.sem_alloc : memref<!tpu.dma_semaphore, #tpu.memory_space<semaphore_mem>>
      %dma_start3A_73 = arith.constant 0 : i32
      %dma_start3A_74 = arith.constant 0 : i32
      %dma_start3A_75 = tpu.memref_slice %arg3[%add3A, %dma_start3A_73, %dma_start3A_74] : memref<32x84x128xi32, #tpu.memory_space<hbm>> -> memref<1x84x128xi32, #tpu.memory_space<hbm>>
      %dma_start3A_76 = tpu.memref_squeeze %dma_start3A_75 : memref<1x84x128xi32, #tpu.memory_space<hbm>> -> memref<84x128xi32, #tpu.memory_space<hbm>>
      %dma_start3A_77 = arith.constant 0 : i32
      %dma_start3A_78 = arith.constant 0 : i32
      %dma_start3A_79 = tpu.memref_slice %arg3[%add3A, %dma_start3A_77, %dma_start3A_78] : memref<32x84x128xi32, #tpu.memory_space<hbm>> -> memref<1x84x128xi32, #tpu.memory_space<hbm>>
      %dma_start3A_80 = tpu.memref_squeeze %dma_start3A_79 : memref<1x84x128xi32, #tpu.memory_space<hbm>> -> memref<84x128xi32, #tpu.memory_space<hbm>>
      tpu.enqueue_dma source(%dma_start3A_80 : memref<84x128xi32, #tpu.memory_space<hbm>>) target(%arg6 : memref<84x128xi32, #tpu.memory_space<vmem>>) target_semaphore(%run_scoped3A : memref<!tpu.dma_semaphore, #tpu.memory_space<semaphore_mem>>)
      %dma_wait3A_81 = arith.constant 0 : i32
      %dma_wait3A_82 = arith.constant 0 : i32
      %dma_wait3A_83 = tpu.memref_slice %arg3[%add3A, %dma_wait3A_81, %dma_wait3A_82] : memref<32x84x128xi32, #tpu.memory_space<hbm>> -> memref<1x84x128xi32, #tpu.memory_space<hbm>>
      %dma_wait3A_84 = tpu.memref_squeeze %dma_wait3A_83 : memref<1x84x128xi32, #tpu.memory_space<hbm>> -> memref<84x128xi32, #tpu.memory_space<hbm>>
      %dma_wait3A_85 = arith.constant 0 : i32
      %dma_wait3A_86 = arith.constant 0 : i32
      %dma_wait3A_87 = tpu.memref_slice %arg3[%add3A, %dma_wait3A_85, %dma_wait3A_86] : memref<32x84x128xi32, #tpu.memory_space<hbm>> -> memref<1x84x128xi32, #tpu.memory_space<hbm>>
      %dma_wait3A_88 = tpu.memref_squeeze %dma_wait3A_87 : memref<1x84x128xi32, #tpu.memory_space<hbm>> -> memref<84x128xi32, #tpu.memory_space<hbm>>
      tpu.wait_dma2 semaphore(%run_scoped3A : memref<!tpu.dma_semaphore, #tpu.memory_space<semaphore_mem>>) src(%dma_wait3A_88 : memref<84x128xi32, #tpu.memory_space<hbm>>) dst(%arg6 : memref<84x128xi32, #tpu.memory_space<vmem>>)
      tpu.yield
    }) : () -> ()
    "tpu.region"() ({
      %run_scoped3A = tpu.sem_alloc : memref<!tpu.dma_semaphore, #tpu.memory_space<semaphore_mem>>
      %dma_start3A_73 = arith.constant 0 : i32
      %dma_start3A_74 = arith.constant 0 : i32
      %dma_start3A_75 = tpu.memref_slice %arg4[%add3A, %dma_start3A_73, %dma_start3A_74] : memref<32x84x128xi32, #tpu.memory_space<hbm>> -> memref<1x84x128xi32, #tpu.memory_space<hbm>>
      %dma_start3A_76 = tpu.memref_squeeze %dma_start3A_75 : memref<1x84x128xi32, #tpu.memory_space<hbm>> -> memref<84x128xi32, #tpu.memory_space<hbm>>
      %dma_start3A_77 = arith.constant 0 : i32
      %dma_start3A_78 = arith.constant 0 : i32
      %dma_start3A_79 = tpu.memref_slice %arg4[%add3A, %dma_start3A_77, %dma_start3A_78] : memref<32x84x128xi32, #tpu.memory_space<hbm>> -> memref<1x84x128xi32, #tpu.memory_space<hbm>>
      %dma_start3A_80 = tpu.memref_squeeze %dma_start3A_79 : memref<1x84x128xi32, #tpu.memory_space<hbm>> -> memref<84x128xi32, #tpu.memory_space<hbm>>
      tpu.enqueue_dma source(%dma_start3A_80 : memref<84x128xi32, #tpu.memory_space<hbm>>) target(%arg7 : memref<84x128xi32, #tpu.memory_space<vmem>>) target_semaphore(%run_scoped3A : memref<!tpu.dma_semaphore, #tpu.memory_space<semaphore_mem>>)
      %dma_wait3A_81 = arith.constant 0 : i32
      %dma_wait3A_82 = arith.constant 0 : i32
      %dma_wait3A_83 = tpu.memref_slice %arg4[%add3A, %dma_wait3A_81, %dma_wait3A_82] : memref<32x84x128xi32, #tpu.memory_space<hbm>> -> memref<1x84x128xi32, #tpu.memory_space<hbm>>
      %dma_wait3A_84 = tpu.memref_squeeze %dma_wait3A_83 : memref<1x84x128xi32, #tpu.memory_space<hbm>> -> memref<84x128xi32, #tpu.memory_space<hbm>>
      %dma_wait3A_85 = arith.constant 0 : i32
      %dma_wait3A_86 = arith.constant 0 : i32
      %dma_wait3A_87 = tpu.memref_slice %arg4[%add3A, %dma_wait3A_85, %dma_wait3A_86] : memref<32x84x128xi32, #tpu.memory_space<hbm>> -> memref<1x84x128xi32, #tpu.memory_space<hbm>>
      %dma_wait3A_88 = tpu.memref_squeeze %dma_wait3A_87 : memref<1x84x128xi32, #tpu.memory_space<hbm>> -> memref<84x128xi32, #tpu.memory_space<hbm>>
      tpu.wait_dma2 semaphore(%run_scoped3A : memref<!tpu.dma_semaphore, #tpu.memory_space<semaphore_mem>>) src(%dma_wait3A_88 : memref<84x128xi32, #tpu.memory_space<hbm>>) dst(%arg7 : memref<84x128xi32, #tpu.memory_space<vmem>>)
      tpu.yield
    }) : () -> ()
    %mul3A_1 = arith.constant 632 : i32
    %mul3A_2 = arith.muli %arg1, %mul3A_1 : i32
    %scan3A = arith.constant 0 : i32
    %scan3A_3 = arith.constant 0 : i32
    %scan3A_4 = arith.constant 128 : i32
    %scan3A_5 = arith.addi %scan3A_3, %scan3A_4 : i32
    %scan3A_6 = arith.constant 1 : i32
    %scan3A_7 = scf.for %scan3A_73 = %scan3A_3 to %scan3A_5 step %scan3A_6 iter_args(%scan3A_74 = %scan3A) -> (i32)  : i32 {
      %broadcast_in_dim3A = arith.constant 0.000000e+00 : f32
      %broadcast_in_dim3A_75 = vector.broadcast %broadcast_in_dim3A : f32 to vector<16xf32>
      %swap3A = arith.index_cast %scan3A_73 : i32 to index
      %swap3A_76 = arith.constant 0 : index
      %swap3A_77 = tpu.vector_load %arg8[%swap3A, %swap3A_76] {strides = array<i32>} : memref<128x16xf32, #tpu.memory_space<vmem>>, vector<1x16xf32>,
      %swap3A_78 = vector.shape_cast %swap3A_77 : vector<1x16xf32> to vector<16xf32>
      %swap3A_79 = vector.shape_cast %broadcast_in_dim3A_75 : vector<16xf32> to vector<1x16xf32>
      tpu.vector_store %arg8[%swap3A, %swap3A_76], %swap3A_79 {strides = array<i32>} : memref<128x16xf32, #tpu.memory_space<vmem>>, vector<1x16xf32>,
      %scan3A_80 = arith.constant 0 : i32
      scf.yield %scan3A_80 : i32
    }
    %scan3A_8 = arith.constant 128 : i32
    %add3A_9 = arith.constant 0 : i32
    %add3A_10 = arith.addi %mul3A_2, %add3A_9 : i32
    "tpu.region"() ({
      %run_scoped3A = tpu.sem_alloc : memref<!tpu.dma_semaphore, #tpu.memory_space<semaphore_mem>>
      %dma_start3A_73 = arith.constant 0 : i32
      %dma_start3A_74 = arith.constant 0 : i32
      %dma_start3A_75 = tpu.memref_slice %arg8[%dma_start3A_73, %dma_start3A_74] : memref<128x16xf32, #tpu.memory_space<vmem>> -> memref<128x16xf32, #tpu.memory_space<vmem>>
      %dma_start3A_76 = arith.constant 0 : i32
      %dma_start3A_77 = tpu.memref_slice %arg10[%add3A_10, %dma_start3A_76] : memref<10112x16xf32, #tpu.memory_space<vmem_shared>> -> memref<128x16xf32, #tpu.memory_space<vmem_shared>>
      %dma_start3A_78 = arith.constant 0 : i32
      %dma_start3A_79 = tpu.memref_slice %arg10[%add3A_10, %dma_start3A_78] : memref<10112x16xf32, #tpu.memory_space<vmem_shared>> -> memref<128x16xf32, #tpu.memory_space<vmem_shared>>
      %dma_start3A_80 = arith.constant 0 : i32
      %dma_start3A_81 = arith.constant 0 : i32
      %dma_start3A_82 = tpu.memref_slice %arg8[%dma_start3A_80, %dma_start3A_81] : memref<128x16xf32, #tpu.memory_space<vmem>> -> memref<128x16xf32, #tpu.memory_space<vmem>>
      tpu.enqueue_dma source(%dma_start3A_82 : memref<128x16xf32, #tpu.memory_space<vmem>>) target(%dma_start3A_79 : memref<128x16xf32, #tpu.memory_space<vmem_shared>>) target_semaphore(%run_scoped3A : memref<!tpu.dma_semaphore, #tpu.memory_space<semaphore_mem>>)
      %dma_wait3A_83 = arith.constant 0 : i32
      %dma_wait3A_84 = arith.constant 0 : i32
      %dma_wait3A_85 = tpu.memref_slice %arg8[%dma_wait3A_83, %dma_wait3A_84] : memref<128x16xf32, #tpu.memory_space<vmem>> -> memref<128x16xf32, #tpu.memory_space<vmem>>
      %dma_wait3A_86 = arith.constant 0 : i32
      %dma_wait3A_87 = tpu.memref_slice %arg10[%add3A_10, %dma_wait3A_86] : memref<10112x16xf32, #tpu.memory_space<vmem_shared>> -> memref<128x16xf32, #tpu.memory_space<vmem_shared>>
      %dma_wait3A_88 = arith.constant 0 : i32
      %dma_wait3A_89 = tpu.memref_slice %arg10[%add3A_10, %dma_wait3A_88] : memref<10112x16xf32, #tpu.memory_space<vmem_shared>> -> memref<128x16xf32, #tpu.memory_space<vmem_shared>>
      %dma_wait3A_90 = arith.constant 0 : i32
      %dma_wait3A_91 = arith.constant 0 : i32
      %dma_wait3A_92 = tpu.memref_slice %arg8[%dma_wait3A_90, %dma_wait3A_91] : memref<128x16xf32, #tpu.memory_space<vmem>> -> memref<128x16xf32, #tpu.memory_space<vmem>>
      tpu.wait_dma2 semaphore(%run_scoped3A : memref<!tpu.dma_semaphore, #tpu.memory_space<semaphore_mem>>) src(%dma_wait3A_92 : memref<128x16xf32, #tpu.memory_space<vmem>>) dst(%dma_wait3A_89 : memref<128x16xf32, #tpu.memory_space<vmem_shared>>)
      tpu.yield
    }) : () -> ()
    %add3A_11 = arith.constant 128 : i32
    %add3A_12 = arith.addi %mul3A_2, %add3A_11 : i32
    "tpu.region"() ({
      %run_scoped3A = tpu.sem_alloc : memref<!tpu.dma_semaphore, #tpu.memory_space<semaphore_mem>>
      %dma_start3A_73 = arith.constant 0 : i32
      %dma_start3A_74 = arith.constant 0 : i32
      %dma_start3A_75 = tpu.memref_slice %arg8[%dma_start3A_73, %dma_start3A_74] : memref<128x16xf32, #tpu.memory_space<vmem>> -> memref<128x16xf32, #tpu.memory_space<vmem>>
      %dma_start3A_76 = arith.constant 0 : i32
      %dma_start3A_77 = tpu.memref_slice %arg10[%add3A_12, %dma_start3A_76] : memref<10112x16xf32, #tpu.memory_space<vmem_shared>> -> memref<128x16xf32, #tpu.memory_space<vmem_shared>>
      %dma_start3A_78 = arith.constant 0 : i32
      %dma_start3A_79 = tpu.memref_slice %arg10[%add3A_12, %dma_start3A_78] : memref<10112x16xf32, #tpu.memory_space<vmem_shared>> -> memref<128x16xf32, #tpu.memory_space<vmem_shared>>
      %dma_start3A_80 = arith.constant 0 : i32
      %dma_start3A_81 = arith.constant 0 : i32
      %dma_start3A_82 = tpu.memref_slice %arg8[%dma_start3A_80, %dma_start3A_81] : memref<128x16xf32, #tpu.memory_space<vmem>> -> memref<128x16xf32, #tpu.memory_space<vmem>>
      tpu.enqueue_dma source(%dma_start3A_82 : memref<128x16xf32, #tpu.memory_space<vmem>>) target(%dma_start3A_79 : memref<128x16xf32, #tpu.memory_space<vmem_shared>>) target_semaphore(%run_scoped3A : memref<!tpu.dma_semaphore, #tpu.memory_space<semaphore_mem>>)
      %dma_wait3A_83 = arith.constant 0 : i32
      %dma_wait3A_84 = arith.constant 0 : i32
      %dma_wait3A_85 = tpu.memref_slice %arg8[%dma_wait3A_83, %dma_wait3A_84] : memref<128x16xf32, #tpu.memory_space<vmem>> -> memref<128x16xf32, #tpu.memory_space<vmem>>
      %dma_wait3A_86 = arith.constant 0 : i32
      %dma_wait3A_87 = tpu.memref_slice %arg10[%add3A_12, %dma_wait3A_86] : memref<10112x16xf32, #tpu.memory_space<vmem_shared>> -> memref<128x16xf32, #tpu.memory_space<vmem_shared>>
      %dma_wait3A_88 = arith.constant 0 : i32
      %dma_wait3A_89 = tpu.memref_slice %arg10[%add3A_12, %dma_wait3A_88] : memref<10112x16xf32, #tpu.memory_space<vmem_shared>> -> memref<128x16xf32, #tpu.memory_space<vmem_shared>>
      %dma_wait3A_90 = arith.constant 0 : i32
      %dma_wait3A_91 = arith.constant 0 : i32
      %dma_wait3A_92 = tpu.memref_slice %arg8[%dma_wait3A_90, %dma_wait3A_91] : memref<128x16xf32, #tpu.memory_space<vmem>> -> memref<128x16xf32, #tpu.memory_space<vmem>>
      tpu.wait_dma2 semaphore(%run_scoped3A : memref<!tpu.dma_semaphore, #tpu.memory_space<semaphore_mem>>) src(%dma_wait3A_92 : memref<128x16xf32, #tpu.memory_space<vmem>>) dst(%dma_wait3A_89 : memref<128x16xf32, #tpu.memory_space<vmem_shared>>)
      tpu.yield
    }) : () -> ()
    %add3A_13 = arith.constant 256 : i32
    %add3A_14 = arith.addi %mul3A_2, %add3A_13 : i32
    "tpu.region"() ({
      %run_scoped3A = tpu.sem_alloc : memref<!tpu.dma_semaphore, #tpu.memory_space<semaphore_mem>>
      %dma_start3A_73 = arith.constant 0 : i32
      %dma_start3A_74 = arith.constant 0 : i32
      %dma_start3A_75 = tpu.memref_slice %arg8[%dma_start3A_73, %dma_start3A_74] : memref<128x16xf32, #tpu.memory_space<vmem>> -> memref<128x16xf32, #tpu.memory_space<vmem>>
      %dma_start3A_76 = arith.constant 0 : i32
      %dma_start3A_77 = tpu.memref_slice %arg10[%add3A_14, %dma_start3A_76] : memref<10112x16xf32, #tpu.memory_space<vmem_shared>> -> memref<128x16xf32, #tpu.memory_space<vmem_shared>>
      %dma_start3A_78 = arith.constant 0 : i32
      %dma_start3A_79 = tpu.memref_slice %arg10[%add3A_14, %dma_start3A_78] : memref<10112x16xf32, #tpu.memory_space<vmem_shared>> -> memref<128x16xf32, #tpu.memory_space<vmem_shared>>
      %dma_start3A_80 = arith.constant 0 : i32
      %dma_start3A_81 = arith.constant 0 : i32
      %dma_start3A_82 = tpu.memref_slice %arg8[%dma_start3A_80, %dma_start3A_81] : memref<128x16xf32, #tpu.memory_space<vmem>> -> memref<128x16xf32, #tpu.memory_space<vmem>>
      tpu.enqueue_dma source(%dma_start3A_82 : memref<128x16xf32, #tpu.memory_space<vmem>>) target(%dma_start3A_79 : memref<128x16xf32, #tpu.memory_space<vmem_shared>>) target_semaphore(%run_scoped3A : memref<!tpu.dma_semaphore, #tpu.memory_space<semaphore_mem>>)
      %dma_wait3A_83 = arith.constant 0 : i32
      %dma_wait3A_84 = arith.constant 0 : i32
      %dma_wait3A_85 = tpu.memref_slice %arg8[%dma_wait3A_83, %dma_wait3A_84] : memref<128x16xf32, #tpu.memory_space<vmem>> -> memref<128x16xf32, #tpu.memory_space<vmem>>
      %dma_wait3A_86 = arith.constant 0 : i32
      %dma_wait3A_87 = tpu.memref_slice %arg10[%add3A_14, %dma_wait3A_86] : memref<10112x16xf32, #tpu.memory_space<vmem_shared>> -> memref<128x16xf32, #tpu.memory_space<vmem_shared>>
      %dma_wait3A_88 = arith.constant 0 : i32
      %dma_wait3A_89 = tpu.memref_slice %arg10[%add3A_14, %dma_wait3A_88] : memref<10112x16xf32, #tpu.memory_space<vmem_shared>> -> memref<128x16xf32, #tpu.memory_space<vmem_shared>>
      %dma_wait3A_90 = arith.constant 0 : i32
      %dma_wait3A_91 = arith.constant 0 : i32
      %dma_wait3A_92 = tpu.memref_slice %arg8[%dma_wait3A_90, %dma_wait3A_91] : memref<128x16xf32, #tpu.memory_space<vmem>> -> memref<128x16xf32, #tpu.memory_space<vmem>>
      tpu.wait_dma2 semaphore(%run_scoped3A : memref<!tpu.dma_semaphore, #tpu.memory_space<semaphore_mem>>) src(%dma_wait3A_92 : memref<128x16xf32, #tpu.memory_space<vmem>>) dst(%dma_wait3A_89 : memref<128x16xf32, #tpu.memory_space<vmem_shared>>)
      tpu.yield
    }) : () -> ()
    %add3A_15 = arith.constant 384 : i32
    %add3A_16 = arith.addi %mul3A_2, %add3A_15 : i32
    "tpu.region"() ({
      %run_scoped3A = tpu.sem_alloc : memref<!tpu.dma_semaphore, #tpu.memory_space<semaphore_mem>>
      %dma_start3A_73 = arith.constant 0 : i32
      %dma_start3A_74 = arith.constant 0 : i32
      %dma_start3A_75 = tpu.memref_slice %arg8[%dma_start3A_73, %dma_start3A_74] : memref<128x16xf32, #tpu.memory_space<vmem>> -> memref<128x16xf32, #tpu.memory_space<vmem>>
      %dma_start3A_76 = arith.constant 0 : i32
      %dma_start3A_77 = tpu.memref_slice %arg10[%add3A_16, %dma_start3A_76] : memref<10112x16xf32, #tpu.memory_space<vmem_shared>> -> memref<128x16xf32, #tpu.memory_space<vmem_shared>>
      %dma_start3A_78 = arith.constant 0 : i32
      %dma_start3A_79 = tpu.memref_slice %arg10[%add3A_16, %dma_start3A_78] : memref<10112x16xf32, #tpu.memory_space<vmem_shared>> -> memref<128x16xf32, #tpu.memory_space<vmem_shared>>
      %dma_start3A_80 = arith.constant 0 : i32
      %dma_start3A_81 = arith.constant 0 : i32
      %dma_start3A_82 = tpu.memref_slice %arg8[%dma_start3A_80, %dma_start3A_81] : memref<128x16xf32, #tpu.memory_space<vmem>> -> memref<128x16xf32, #tpu.memory_space<vmem>>
      tpu.enqueue_dma source(%dma_start3A_82 : memref<128x16xf32, #tpu.memory_space<vmem>>) target(%dma_start3A_79 : memref<128x16xf32, #tpu.memory_space<vmem_shared>>) target_semaphore(%run_scoped3A : memref<!tpu.dma_semaphore, #tpu.memory_space<semaphore_mem>>)
      %dma_wait3A_83 = arith.constant 0 : i32
      %dma_wait3A_84 = arith.constant 0 : i32
      %dma_wait3A_85 = tpu.memref_slice %arg8[%dma_wait3A_83, %dma_wait3A_84] : memref<128x16xf32, #tpu.memory_space<vmem>> -> memref<128x16xf32, #tpu.memory_space<vmem>>
      %dma_wait3A_86 = arith.constant 0 : i32
      %dma_wait3A_87 = tpu.memref_slice %arg10[%add3A_16, %dma_wait3A_86] : memref<10112x16xf32, #tpu.memory_space<vmem_shared>> -> memref<128x16xf32, #tpu.memory_space<vmem_shared>>
      %dma_wait3A_88 = arith.constant 0 : i32
      %dma_wait3A_89 = tpu.memref_slice %arg10[%add3A_16, %dma_wait3A_88] : memref<10112x16xf32, #tpu.memory_space<vmem_shared>> -> memref<128x16xf32, #tpu.memory_space<vmem_shared>>
      %dma_wait3A_90 = arith.constant 0 : i32
      %dma_wait3A_91 = arith.constant 0 : i32
      %dma_wait3A_92 = tpu.memref_slice %arg8[%dma_wait3A_90, %dma_wait3A_91] : memref<128x16xf32, #tpu.memory_space<vmem>> -> memref<128x16xf32, #tpu.memory_space<vmem>>
      tpu.wait_dma2 semaphore(%run_scoped3A : memref<!tpu.dma_semaphore, #tpu.memory_space<semaphore_mem>>) src(%dma_wait3A_92 : memref<128x16xf32, #tpu.memory_space<vmem>>) dst(%dma_wait3A_89 : memref<128x16xf32, #tpu.memory_space<vmem_shared>>)
      tpu.yield
    }) : () -> ()
    %add3A_17 = arith.constant 512 : i32
    %add3A_18 = arith.addi %mul3A_2, %add3A_17 : i32
    "tpu.region"() ({
      %run_scoped3A = tpu.sem_alloc : memref<!tpu.dma_semaphore, #tpu.memory_space<semaphore_mem>>
      %dma_start3A_73 = arith.constant 0 : i32
      %dma_start3A_74 = arith.constant 0 : i32
      %dma_start3A_75 = tpu.memref_slice %arg8[%dma_start3A_73, %dma_start3A_74] : memref<128x16xf32, #tpu.memory_space<vmem>> -> memref<120x16xf32, #tpu.memory_space<vmem>>
      %dma_start3A_76 = arith.constant 0 : i32
      %dma_start3A_77 = tpu.memref_slice %arg10[%add3A_18, %dma_start3A_76] : memref<10112x16xf32, #tpu.memory_space<vmem_shared>> -> memref<120x16xf32, #tpu.memory_space<vmem_shared>>
      %dma_start3A_78 = arith.constant 0 : i32
      %dma_start3A_79 = tpu.memref_slice %arg10[%add3A_18, %dma_start3A_78] : memref<10112x16xf32, #tpu.memory_space<vmem_shared>> -> memref<120x16xf32, #tpu.memory_space<vmem_shared>>
      %dma_start3A_80 = arith.constant 0 : i32
      %dma_start3A_81 = arith.constant 0 : i32
      %dma_start3A_82 = tpu.memref_slice %arg8[%dma_start3A_80, %dma_start3A_81] : memref<128x16xf32, #tpu.memory_space<vmem>> -> memref<120x16xf32, #tpu.memory_space<vmem>>
      tpu.enqueue_dma source(%dma_start3A_82 : memref<120x16xf32, #tpu.memory_space<vmem>>) target(%dma_start3A_79 : memref<120x16xf32, #tpu.memory_space<vmem_shared>>) target_semaphore(%run_scoped3A : memref<!tpu.dma_semaphore, #tpu.memory_space<semaphore_mem>>)
      %dma_wait3A_83 = arith.constant 0 : i32
      %dma_wait3A_84 = arith.constant 0 : i32
      %dma_wait3A_85 = tpu.memref_slice %arg8[%dma_wait3A_83, %dma_wait3A_84] : memref<128x16xf32, #tpu.memory_space<vmem>> -> memref<120x16xf32, #tpu.memory_space<vmem>>
      %dma_wait3A_86 = arith.constant 0 : i32
      %dma_wait3A_87 = tpu.memref_slice %arg10[%add3A_18, %dma_wait3A_86] : memref<10112x16xf32, #tpu.memory_space<vmem_shared>> -> memref<120x16xf32, #tpu.memory_space<vmem_shared>>
      %dma_wait3A_88 = arith.constant 0 : i32
      %dma_wait3A_89 = tpu.memref_slice %arg10[%add3A_18, %dma_wait3A_88] : memref<10112x16xf32, #tpu.memory_space<vmem_shared>> -> memref<120x16xf32, #tpu.memory_space<vmem_shared>>
      %dma_wait3A_90 = arith.constant 0 : i32
      %dma_wait3A_91 = arith.constant 0 : i32
      %dma_wait3A_92 = tpu.memref_slice %arg8[%dma_wait3A_90, %dma_wait3A_91] : memref<128x16xf32, #tpu.memory_space<vmem>> -> memref<120x16xf32, #tpu.memory_space<vmem>>
      tpu.wait_dma2 semaphore(%run_scoped3A : memref<!tpu.dma_semaphore, #tpu.memory_space<semaphore_mem>>) src(%dma_wait3A_92 : memref<120x16xf32, #tpu.memory_space<vmem>>) dst(%dma_wait3A_89 : memref<120x16xf32, #tpu.memory_space<vmem_shared>>)
      tpu.yield
    }) : () -> ()
    %barrier3A = arith.constant 0 : index
    tpu.barrier barrier_id(%barrier3A)
    %dma_start3A = arith.constant 0 : i32
    %dma_start3A_19 = arith.constant 0 : i32
    %dma_start3A_20 = tpu.memref_slice %arg6[%dma_start3A, %dma_start3A_19] : memref<84x128xi32, #tpu.memory_space<vmem>> -> memref<1x128xi32, #tpu.memory_space<vmem>>
    %dma_start3A_21 = tpu.memref_squeeze %dma_start3A_20 : memref<1x128xi32, #tpu.memory_space<vmem>> -> memref<128xi32, #tpu.memory_space<vmem>>
    %dma_start3A_22 = arith.constant 0 : i32
    %dma_start3A_23 = arith.constant 0 : i32
    %dma_start3A_24 = tpu.memref_slice %arg2[%dma_start3A_22, %dma_start3A_23] : memref<10112x16xf32, #tpu.memory_space<hbm>> -> memref<10112x16xf32, #tpu.memory_space<hbm>>
    tpu.enqueue_indirect_dma source(%dma_start3A_24 : memref<10112x16xf32, #tpu.memory_space<hbm>>) target(%arg8 : memref<128x16xf32, #tpu.memory_space<vmem>>) offsets(%dma_start3A_21 : memref<128xi32, #tpu.memory_space<vmem>>) semaphore(%arg11 : memref<!tpu.dma_semaphore, #tpu.memory_space<semaphore_mem>>)
    %dma_start3A_25 = arith.constant 1 : i32
    %dma_start3A_26 = arith.constant 0 : i32
    %dma_start3A_27 = tpu.memref_slice %arg6[%dma_start3A_25, %dma_start3A_26] : memref<84x128xi32, #tpu.memory_space<vmem>> -> memref<1x128xi32, #tpu.memory_space<vmem>>
    %dma_start3A_28 = tpu.memref_squeeze %dma_start3A_27 : memref<1x128xi32, #tpu.memory_space<vmem>> -> memref<128xi32, #tpu.memory_space<vmem>>
    %dma_start3A_29 = arith.constant 0 : i32
    %dma_start3A_30 = arith.constant 0 : i32
    %dma_start3A_31 = tpu.memref_slice %arg2[%dma_start3A_29, %dma_start3A_30] : memref<10112x16xf32, #tpu.memory_space<hbm>> -> memref<10112x16xf32, #tpu.memory_space<hbm>>
    tpu.enqueue_indirect_dma source(%dma_start3A_31 : memref<10112x16xf32, #tpu.memory_space<hbm>>) target(%arg9 : memref<128x16xf32, #tpu.memory_space<vmem>>) offsets(%dma_start3A_28 : memref<128xi32, #tpu.memory_space<vmem>>) semaphore(%arg12 : memref<!tpu.dma_semaphore, #tpu.memory_space<semaphore_mem>>)
    %scan3A_32 = arith.constant 0 : i32
    %scan3A_33 = arith.constant 0 : i32
    %scan3A_34 = arith.constant 41 : i32
    %scan3A_35 = arith.addi %scan3A_33, %scan3A_34 : i32
    %scan3A_36 = arith.constant 1 : i32
    %scan3A_37 = scf.for %scan3A_73 = %scan3A_33 to %scan3A_35 step %scan3A_36 iter_args(%scan3A_74 = %scan3A_32) -> (i32)  : i32 {
      %mul3A_75 = arith.constant 2 : i32
      %mul3A_76 = arith.muli %mul3A_75, %scan3A_73 : i32
      %add3A_77 = arith.constant 1 : i32
      %add3A_78 = arith.addi %mul3A_76, %add3A_77 : i32
      %dma_wait3A_79 = arith.constant 0 : i32
      %dma_wait3A_80 = tpu.memref_slice %arg6[%mul3A_76, %dma_wait3A_79] : memref<84x128xi32, #tpu.memory_space<vmem>> -> memref<1x128xi32, #tpu.memory_space<vmem>>
      %dma_wait3A_81 = tpu.memref_squeeze %dma_wait3A_80 : memref<1x128xi32, #tpu.memory_space<vmem>> -> memref<128xi32, #tpu.memory_space<vmem>>
      %dma_wait3A_82 = arith.constant 0 : i32
      %dma_wait3A_83 = arith.constant 0 : i32
      %dma_wait3A_84 = tpu.memref_slice %arg2[%dma_wait3A_82, %dma_wait3A_83] : memref<10112x16xf32, #tpu.memory_space<hbm>> -> memref<10112x16xf32, #tpu.memory_space<hbm>>
      tpu.wait_indirect_dma semaphore(%arg11 : memref<!tpu.dma_semaphore, #tpu.memory_space<semaphore_mem>>) src(%dma_wait3A_84 : memref<10112x16xf32, #tpu.memory_space<hbm>>) dst(%arg8 : memref<128x16xf32, #tpu.memory_space<vmem>>)
      "tpu.region"() ({
        %run_scoped3A = tpu.sem_alloc : memref<!tpu.dma_semaphore, #tpu.memory_space<semaphore_mem>>
        %dma_start3A_108 = arith.constant 0 : i32
        %dma_start3A_109 = tpu.memref_slice %arg7[%mul3A_76, %dma_start3A_108] : memref<84x128xi32, #tpu.memory_space<vmem>> -> memref<1x128xi32, #tpu.memory_space<vmem>>
        %dma_start3A_110 = tpu.memref_squeeze %dma_start3A_109 : memref<1x128xi32, #tpu.memory_space<vmem>> -> memref<128xi32, #tpu.memory_space<vmem>>
        %dma_start3A_111 = arith.constant 0 : i32
        %dma_start3A_112 = arith.constant 0 : i32
        %dma_start3A_113 = tpu.memref_slice %arg10[%dma_start3A_111, %dma_start3A_112] : memref<10112x16xf32, #tpu.memory_space<vmem_shared>> -> memref<10112x16xf32, #tpu.memory_space<vmem_shared>>
        tpu.enqueue_indirect_dma source(%arg8 : memref<128x16xf32, #tpu.memory_space<vmem>>) target(%dma_start3A_113 : memref<10112x16xf32, #tpu.memory_space<vmem_shared>>) offsets(%dma_start3A_110 : memref<128xi32, #tpu.memory_space<vmem>>) semaphore(%run_scoped3A : memref<!tpu.dma_semaphore, #tpu.memory_space<semaphore_mem>>) {add = true}
        %dma_wait3A_114 = arith.constant 0 : i32
        %dma_wait3A_115 = tpu.memref_slice %arg7[%mul3A_76, %dma_wait3A_114] : memref<84x128xi32, #tpu.memory_space<vmem>> -> memref<1x128xi32, #tpu.memory_space<vmem>>
        %dma_wait3A_116 = tpu.memref_squeeze %dma_wait3A_115 : memref<1x128xi32, #tpu.memory_space<vmem>> -> memref<128xi32, #tpu.memory_space<vmem>>
        %dma_wait3A_117 = arith.constant 0 : i32
        %dma_wait3A_118 = arith.constant 0 : i32
        %dma_wait3A_119 = tpu.memref_slice %arg10[%dma_wait3A_117, %dma_wait3A_118] : memref<10112x16xf32, #tpu.memory_space<vmem_shared>> -> memref<10112x16xf32, #tpu.memory_space<vmem_shared>>
        tpu.wait_indirect_dma semaphore(%run_scoped3A : memref<!tpu.dma_semaphore, #tpu.memory_space<semaphore_mem>>) src(%arg8 : memref<128x16xf32, #tpu.memory_space<vmem>>) dst(%dma_wait3A_119 : memref<10112x16xf32, #tpu.memory_space<vmem_shared>>)
        tpu.yield
      }) : () -> ()
      %add3A_85 = arith.constant 2 : i32
      %add3A_86 = arith.addi %mul3A_76, %add3A_85 : i32
      %dma_start3A_87 = arith.constant 0 : i32
      %dma_start3A_88 = tpu.memref_slice %arg6[%add3A_86, %dma_start3A_87] : memref<84x128xi32, #tpu.memory_space<vmem>> -> memref<1x128xi32, #tpu.memory_space<vmem>>
      %dma_start3A_89 = tpu.memref_squeeze %dma_start3A_88 : memref<1x128xi32, #tpu.memory_space<vmem>> -> memref<128xi32, #tpu.memory_space<vmem>>
      %dma_start3A_90 = arith.constant 0 : i32
      %dma_start3A_91 = arith.constant 0 : i32
      %dma_start3A_92 = tpu.memref_slice %arg2[%dma_start3A_90, %dma_start3A_91] : memref<10112x16xf32, #tpu.memory_space<hbm>> -> memref<10112x16xf32, #tpu.memory_space<hbm>>
      tpu.enqueue_indirect_dma source(%dma_start3A_92 : memref<10112x16xf32, #tpu.memory_space<hbm>>) target(%arg8 : memref<128x16xf32, #tpu.memory_space<vmem>>) offsets(%dma_start3A_89 : memref<128xi32, #tpu.memory_space<vmem>>) semaphore(%arg11 : memref<!tpu.dma_semaphore, #tpu.memory_space<semaphore_mem>>)
      %dma_wait3A_93 = arith.constant 0 : i32
      %dma_wait3A_94 = tpu.memref_slice %arg6[%add3A_78, %dma_wait3A_93] : memref<84x128xi32, #tpu.memory_space<vmem>> -> memref<1x128xi32, #tpu.memory_space<vmem>>
      %dma_wait3A_95 = tpu.memref_squeeze %dma_wait3A_94 : memref<1x128xi32, #tpu.memory_space<vmem>> -> memref<128xi32, #tpu.memory_space<vmem>>
      %dma_wait3A_96 = arith.constant 0 : i32
      %dma_wait3A_97 = arith.constant 0 : i32
      %dma_wait3A_98 = tpu.memref_slice %arg2[%dma_wait3A_96, %dma_wait3A_97] : memref<10112x16xf32, #tpu.memory_space<hbm>> -> memref<10112x16xf32, #tpu.memory_space<hbm>>
      tpu.wait_indirect_dma semaphore(%arg12 : memref<!tpu.dma_semaphore, #tpu.memory_space<semaphore_mem>>) src(%dma_wait3A_98 : memref<10112x16xf32, #tpu.memory_space<hbm>>) dst(%arg9 : memref<128x16xf32, #tpu.memory_space<vmem>>)
      "tpu.region"() ({
        %run_scoped3A = tpu.sem_alloc : memref<!tpu.dma_semaphore, #tpu.memory_space<semaphore_mem>>
        %dma_start3A_108 = arith.constant 0 : i32
        %dma_start3A_109 = tpu.memref_slice %arg7[%add3A_78, %dma_start3A_108] : memref<84x128xi32, #tpu.memory_space<vmem>> -> memref<1x128xi32, #tpu.memory_space<vmem>>
        %dma_start3A_110 = tpu.memref_squeeze %dma_start3A_109 : memref<1x128xi32, #tpu.memory_space<vmem>> -> memref<128xi32, #tpu.memory_space<vmem>>
        %dma_start3A_111 = arith.constant 0 : i32
        %dma_start3A_112 = arith.constant 0 : i32
        %dma_start3A_113 = tpu.memref_slice %arg10[%dma_start3A_111, %dma_start3A_112] : memref<10112x16xf32, #tpu.memory_space<vmem_shared>> -> memref<10112x16xf32, #tpu.memory_space<vmem_shared>>
        tpu.enqueue_indirect_dma source(%arg9 : memref<128x16xf32, #tpu.memory_space<vmem>>) target(%dma_start3A_113 : memref<10112x16xf32, #tpu.memory_space<vmem_shared>>) offsets(%dma_start3A_110 : memref<128xi32, #tpu.memory_space<vmem>>) semaphore(%run_scoped3A : memref<!tpu.dma_semaphore, #tpu.memory_space<semaphore_mem>>) {add = true}
        %dma_wait3A_114 = arith.constant 0 : i32
        %dma_wait3A_115 = tpu.memref_slice %arg7[%add3A_78, %dma_wait3A_114] : memref<84x128xi32, #tpu.memory_space<vmem>> -> memref<1x128xi32, #tpu.memory_space<vmem>>
        %dma_wait3A_116 = tpu.memref_squeeze %dma_wait3A_115 : memref<1x128xi32, #tpu.memory_space<vmem>> -> memref<128xi32, #tpu.memory_space<vmem>>
        %dma_wait3A_117 = arith.constant 0 : i32
        %dma_wait3A_118 = arith.constant 0 : i32
        %dma_wait3A_119 = tpu.memref_slice %arg10[%dma_wait3A_117, %dma_wait3A_118] : memref<10112x16xf32, #tpu.memory_space<vmem_shared>> -> memref<10112x16xf32, #tpu.memory_space<vmem_shared>>
        tpu.wait_indirect_dma semaphore(%run_scoped3A : memref<!tpu.dma_semaphore, #tpu.memory_space<semaphore_mem>>) src(%arg9 : memref<128x16xf32, #tpu.memory_space<vmem>>) dst(%dma_wait3A_119 : memref<10112x16xf32, #tpu.memory_space<vmem_shared>>)
        tpu.yield
      }) : () -> ()
      %add3A_99 = arith.constant 2 : i32
      %add3A_100 = arith.addi %add3A_78, %add3A_99 : i32
      %dma_start3A_101 = arith.constant 0 : i32
      %dma_start3A_102 = tpu.memref_slice %arg6[%add3A_100, %dma_start3A_101] : memref<84x128xi32, #tpu.memory_space<vmem>> -> memref<1x128xi32, #tpu.memory_space<vmem>>
      %dma_start3A_103 = tpu.memref_squeeze %dma_start3A_102 : memref<1x128xi32, #tpu.memory_space<vmem>> -> memref<128xi32, #tpu.memory_space<vmem>>
      %dma_start3A_104 = arith.constant 0 : i32
      %dma_start3A_105 = arith.constant 0 : i32
      %dma_start3A_106 = tpu.memref_slice %arg2[%dma_start3A_104, %dma_start3A_105] : memref<10112x16xf32, #tpu.memory_space<hbm>> -> memref<10112x16xf32, #tpu.memory_space<hbm>>
      tpu.enqueue_indirect_dma source(%dma_start3A_106 : memref<10112x16xf32, #tpu.memory_space<hbm>>) target(%arg9 : memref<128x16xf32, #tpu.memory_space<vmem>>) offsets(%dma_start3A_103 : memref<128xi32, #tpu.memory_space<vmem>>) semaphore(%arg12 : memref<!tpu.dma_semaphore, #tpu.memory_space<semaphore_mem>>)
      %scan3A_107 = arith.constant 0 : i32
      scf.yield %scan3A_107 : i32
    }
    %scan3A_38 = arith.constant 41 : i32
    %dma_wait3A = arith.constant 82 : i32
    %dma_wait3A_39 = arith.constant 0 : i32
    %dma_wait3A_40 = tpu.memref_slice %arg6[%dma_wait3A, %dma_wait3A_39] : memref<84x128xi32, #tpu.memory_space<vmem>> -> memref<1x128xi32, #tpu.memory_space<vmem>>
    %dma_wait3A_41 = tpu.memref_squeeze %dma_wait3A_40 : memref<1x128xi32, #tpu.memory_space<vmem>> -> memref<128xi32, #tpu.memory_space<vmem>>
    %dma_wait3A_42 = arith.constant 0 : i32
    %dma_wait3A_43 = arith.constant 0 : i32
    %dma_wait3A_44 = tpu.memref_slice %arg2[%dma_wait3A_42, %dma_wait3A_43] : memref<10112x16xf32, #tpu.memory_space<hbm>> -> memref<10112x16xf32, #tpu.memory_space<hbm>>
    tpu.wait_indirect_dma semaphore(%arg11 : memref<!tpu.dma_semaphore, #tpu.memory_space<semaphore_mem>>) src(%dma_wait3A_44 : memref<10112x16xf32, #tpu.memory_space<hbm>>) dst(%arg8 : memref<128x16xf32, #tpu.memory_space<vmem>>)
    %dma_wait3A_45 = arith.constant 83 : i32
    %dma_wait3A_46 = arith.constant 0 : i32
    %dma_wait3A_47 = tpu.memref_slice %arg6[%dma_wait3A_45, %dma_wait3A_46] : memref<84x128xi32, #tpu.memory_space<vmem>> -> memref<1x128xi32, #tpu.memory_space<vmem>>
    %dma_wait3A_48 = tpu.memref_squeeze %dma_wait3A_47 : memref<1x128xi32, #tpu.memory_space<vmem>> -> memref<128xi32, #tpu.memory_space<vmem>>
    %dma_wait3A_49 = arith.constant 0 : i32
    %dma_wait3A_50 = arith.constant 0 : i32
    %dma_wait3A_51 = tpu.memref_slice %arg2[%dma_wait3A_49, %dma_wait3A_50] : memref<10112x16xf32, #tpu.memory_space<hbm>> -> memref<10112x16xf32, #tpu.memory_space<hbm>>
    tpu.wait_indirect_dma semaphore(%arg12 : memref<!tpu.dma_semaphore, #tpu.memory_space<semaphore_mem>>) src(%dma_wait3A_51 : memref<10112x16xf32, #tpu.memory_space<hbm>>) dst(%arg9 : memref<128x16xf32, #tpu.memory_space<vmem>>)
    %barrier3A_52 = arith.constant 0 : index
    tpu.barrier barrier_id(%barrier3A_52)
    %add3A_53 = arith.constant 0 : i32
    %add3A_54 = arith.addi %mul3A_2, %add3A_53 : i32
    "tpu.region"() ({
      %run_scoped3A = tpu.sem_alloc : memref<!tpu.dma_semaphore, #tpu.memory_space<semaphore_mem>>
      %dma_start3A_73 = arith.constant 0 : i32
      %dma_start3A_74 = arith.constant 0 : i32
      %dma_start3A_75 = tpu.memref_slice %arg8[%dma_start3A_73, %dma_start3A_74] : memref<128x16xf32, #tpu.memory_space<vmem>> -> memref<128x16xf32, #tpu.memory_space<vmem>>
      %dma_start3A_76 = arith.constant 0 : i32
      %dma_start3A_77 = tpu.memref_slice %arg10[%add3A_54, %dma_start3A_76] : memref<10112x16xf32, #tpu.memory_space<vmem_shared>> -> memref<128x16xf32, #tpu.memory_space<vmem_shared>>
      %dma_start3A_78 = arith.constant 0 : i32
      %dma_start3A_79 = arith.constant 0 : i32
      %dma_start3A_80 = tpu.memref_slice %arg8[%dma_start3A_78, %dma_start3A_79] : memref<128x16xf32, #tpu.memory_space<vmem>> -> memref<128x16xf32, #tpu.memory_space<vmem>>
      %dma_start3A_81 = arith.constant 0 : i32
      %dma_start3A_82 = tpu.memref_slice %arg10[%add3A_54, %dma_start3A_81] : memref<10112x16xf32, #tpu.memory_space<vmem_shared>> -> memref<128x16xf32, #tpu.memory_space<vmem_shared>>
      tpu.enqueue_dma source(%dma_start3A_82 : memref<128x16xf32, #tpu.memory_space<vmem_shared>>) target(%dma_start3A_80 : memref<128x16xf32, #tpu.memory_space<vmem>>) target_semaphore(%run_scoped3A : memref<!tpu.dma_semaphore, #tpu.memory_space<semaphore_mem>>)
      %dma_wait3A_83 = arith.constant 0 : i32
      %dma_wait3A_84 = arith.constant 0 : i32
      %dma_wait3A_85 = tpu.memref_slice %arg8[%dma_wait3A_83, %dma_wait3A_84] : memref<128x16xf32, #tpu.memory_space<vmem>> -> memref<128x16xf32, #tpu.memory_space<vmem>>
      %dma_wait3A_86 = arith.constant 0 : i32
      %dma_wait3A_87 = tpu.memref_slice %arg10[%add3A_54, %dma_wait3A_86] : memref<10112x16xf32, #tpu.memory_space<vmem_shared>> -> memref<128x16xf32, #tpu.memory_space<vmem_shared>>
      %dma_wait3A_88 = arith.constant 0 : i32
      %dma_wait3A_89 = arith.constant 0 : i32
      %dma_wait3A_90 = tpu.memref_slice %arg8[%dma_wait3A_88, %dma_wait3A_89] : memref<128x16xf32, #tpu.memory_space<vmem>> -> memref<128x16xf32, #tpu.memory_space<vmem>>
      %dma_wait3A_91 = arith.constant 0 : i32
      %dma_wait3A_92 = tpu.memref_slice %arg10[%add3A_54, %dma_wait3A_91] : memref<10112x16xf32, #tpu.memory_space<vmem_shared>> -> memref<128x16xf32, #tpu.memory_space<vmem_shared>>
      tpu.wait_dma2 semaphore(%run_scoped3A : memref<!tpu.dma_semaphore, #tpu.memory_space<semaphore_mem>>) src(%dma_wait3A_92 : memref<128x16xf32, #tpu.memory_space<vmem_shared>>) dst(%dma_wait3A_90 : memref<128x16xf32, #tpu.memory_space<vmem>>)
      tpu.yield
    }) : () -> ()
    %add3A_55 = arith.constant 0 : i32
    %add3A_56 = arith.addi %mul3A_2, %add3A_55 : i32
    "tpu.region"() ({
      %run_scoped3A = tpu.sem_alloc : memref<!tpu.dma_semaphore, #tpu.memory_space<semaphore_mem>>
      %dma_start3A_73 = arith.constant 0 : i32
      %dma_start3A_74 = arith.constant 0 : i32
      %dma_start3A_75 = tpu.memref_slice %arg8[%dma_start3A_73, %dma_start3A_74] : memref<128x16xf32, #tpu.memory_space<vmem>> -> memref<128x16xf32, #tpu.memory_space<vmem>>
      %dma_start3A_76 = arith.constant 0 : i32
      %dma_start3A_77 = tpu.memref_slice %arg5[%arg0, %add3A_56, %dma_start3A_76] : memref<2x10112x16xf32, #tpu.memory_space<hbm>> -> memref<1x128x16xf32, #tpu.memory_space<hbm>>
      %dma_start3A_78 = tpu.memref_squeeze %dma_start3A_77 : memref<1x128x16xf32, #tpu.memory_space<hbm>> -> memref<128x16xf32, #tpu.memory_space<hbm>>
      %dma_start3A_79 = arith.constant 0 : i32
      %dma_start3A_80 = tpu.memref_slice %arg5[%arg0, %add3A_56, %dma_start3A_79] : memref<2x10112x16xf32, #tpu.memory_space<hbm>> -> memref<1x128x16xf32, #tpu.memory_space<hbm>>
      %dma_start3A_81 = tpu.memref_squeeze %dma_start3A_80 : memref<1x128x16xf32, #tpu.memory_space<hbm>> -> memref<128x16xf32, #tpu.memory_space<hbm>>
      %dma_start3A_82 = arith.constant 0 : i32
      %dma_start3A_83 = arith.constant 0 : i32
      %dma_start3A_84 = tpu.memref_slice %arg8[%dma_start3A_82, %dma_start3A_83] : memref<128x16xf32, #tpu.memory_space<vmem>> -> memref<128x16xf32, #tpu.memory_space<vmem>>
      tpu.enqueue_dma source(%dma_start3A_84 : memref<128x16xf32, #tpu.memory_space<vmem>>) target(%dma_start3A_81 : memref<128x16xf32, #tpu.memory_space<hbm>>) target_semaphore(%run_scoped3A : memref<!tpu.dma_semaphore, #tpu.memory_space<semaphore_mem>>)
      %dma_wait3A_85 = arith.constant 0 : i32
      %dma_wait3A_86 = arith.constant 0 : i32
      %dma_wait3A_87 = tpu.memref_slice %arg8[%dma_wait3A_85, %dma_wait3A_86] : memref<128x16xf32, #tpu.memory_space<vmem>> -> memref<128x16xf32, #tpu.memory_space<vmem>>
      %dma_wait3A_88 = arith.constant 0 : i32
      %dma_wait3A_89 = tpu.memref_slice %arg5[%arg0, %add3A_56, %dma_wait3A_88] : memref<2x10112x16xf32, #tpu.memory_space<hbm>> -> memref<1x128x16xf32, #tpu.memory_space<hbm>>
      %dma_wait3A_90 = tpu.memref_squeeze %dma_wait3A_89 : memref<1x128x16xf32, #tpu.memory_space<hbm>> -> memref<128x16xf32, #tpu.memory_space<hbm>>
      %dma_wait3A_91 = arith.constant 0 : i32
      %dma_wait3A_92 = tpu.memref_slice %arg5[%arg0, %add3A_56, %dma_wait3A_91] : memref<2x10112x16xf32, #tpu.memory_space<hbm>> -> memref<1x128x16xf32, #tpu.memory_space<hbm>>
      %dma_wait3A_93 = tpu.memref_squeeze %dma_wait3A_92 : memref<1x128x16xf32, #tpu.memory_space<hbm>> -> memref<128x16xf32, #tpu.memory_space<hbm>>
      %dma_wait3A_94 = arith.constant 0 : i32
      %dma_wait3A_95 = arith.constant 0 : i32
      %dma_wait3A_96 = tpu.memref_slice %arg8[%dma_wait3A_94, %dma_wait3A_95] : memref<128x16xf32, #tpu.memory_space<vmem>> -> memref<128x16xf32, #tpu.memory_space<vmem>>
      tpu.wait_dma2 semaphore(%run_scoped3A : memref<!tpu.dma_semaphore, #tpu.memory_space<semaphore_mem>>) src(%dma_wait3A_96 : memref<128x16xf32, #tpu.memory_space<vmem>>) dst(%dma_wait3A_93 : memref<128x16xf32, #tpu.memory_space<hbm>>)
      tpu.yield
    }) : () -> ()
    %add3A_57 = arith.constant 128 : i32
    %add3A_58 = arith.addi %mul3A_2, %add3A_57 : i32
    "tpu.region"() ({
      %run_scoped3A = tpu.sem_alloc : memref<!tpu.dma_semaphore, #tpu.memory_space<semaphore_mem>>
      %dma_start3A_73 = arith.constant 0 : i32
      %dma_start3A_74 = arith.constant 0 : i32
      %dma_start3A_75 = tpu.memref_slice %arg8[%dma_start3A_73, %dma_start3A_74] : memref<128x16xf32, #tpu.memory_space<vmem>> -> memref<128x16xf32, #tpu.memory_space<vmem>>
      %dma_start3A_76 = arith.constant 0 : i32
      %dma_start3A_77 = tpu.memref_slice %arg10[%add3A_58, %dma_start3A_76] : memref<10112x16xf32, #tpu.memory_space<vmem_shared>> -> memref<128x16xf32, #tpu.memory_space<vmem_shared>>
      %dma_start3A_78 = arith.constant 0 : i32
      %dma_start3A_79 = arith.constant 0 : i32
      %dma_start3A_80 = tpu.memref_slice %arg8[%dma_start3A_78, %dma_start3A_79] : memref<128x16xf32, #tpu.memory_space<vmem>> -> memref<128x16xf32, #tpu.memory_space<vmem>>
      %dma_start3A_81 = arith.constant 0 : i32
      %dma_start3A_82 = tpu.memref_slice %arg10[%add3A_58, %dma_start3A_81] : memref<10112x16xf32, #tpu.memory_space<vmem_shared>> -> memref<128x16xf32, #tpu.memory_space<vmem_shared>>
      tpu.enqueue_dma source(%dma_start3A_82 : memref<128x16xf32, #tpu.memory_space<vmem_shared>>) target(%dma_start3A_80 : memref<128x16xf32, #tpu.memory_space<vmem>>) target_semaphore(%run_scoped3A : memref<!tpu.dma_semaphore, #tpu.memory_space<semaphore_mem>>)
      %dma_wait3A_83 = arith.constant 0 : i32
      %dma_wait3A_84 = arith.constant 0 : i32
      %dma_wait3A_85 = tpu.memref_slice %arg8[%dma_wait3A_83, %dma_wait3A_84] : memref<128x16xf32, #tpu.memory_space<vmem>> -> memref<128x16xf32, #tpu.memory_space<vmem>>
      %dma_wait3A_86 = arith.constant 0 : i32
      %dma_wait3A_87 = tpu.memref_slice %arg10[%add3A_58, %dma_wait3A_86] : memref<10112x16xf32, #tpu.memory_space<vmem_shared>> -> memref<128x16xf32, #tpu.memory_space<vmem_shared>>
      %dma_wait3A_88 = arith.constant 0 : i32
      %dma_wait3A_89 = arith.constant 0 : i32
      %dma_wait3A_90 = tpu.memref_slice %arg8[%dma_wait3A_88, %dma_wait3A_89] : memref<128x16xf32, #tpu.memory_space<vmem>> -> memref<128x16xf32, #tpu.memory_space<vmem>>
      %dma_wait3A_91 = arith.constant 0 : i32
      %dma_wait3A_92 = tpu.memref_slice %arg10[%add3A_58, %dma_wait3A_91] : memref<10112x16xf32, #tpu.memory_space<vmem_shared>> -> memref<128x16xf32, #tpu.memory_space<vmem_shared>>
      tpu.wait_dma2 semaphore(%run_scoped3A : memref<!tpu.dma_semaphore, #tpu.memory_space<semaphore_mem>>) src(%dma_wait3A_92 : memref<128x16xf32, #tpu.memory_space<vmem_shared>>) dst(%dma_wait3A_90 : memref<128x16xf32, #tpu.memory_space<vmem>>)
      tpu.yield
    }) : () -> ()
    %add3A_59 = arith.constant 128 : i32
    %add3A_60 = arith.addi %mul3A_2, %add3A_59 : i32
    "tpu.region"() ({
      %run_scoped3A = tpu.sem_alloc : memref<!tpu.dma_semaphore, #tpu.memory_space<semaphore_mem>>
      %dma_start3A_73 = arith.constant 0 : i32
      %dma_start3A_74 = arith.constant 0 : i32
      %dma_start3A_75 = tpu.memref_slice %arg8[%dma_start3A_73, %dma_start3A_74] : memref<128x16xf32, #tpu.memory_space<vmem>> -> memref<128x16xf32, #tpu.memory_space<vmem>>
      %dma_start3A_76 = arith.constant 0 : i32
      %dma_start3A_77 = tpu.memref_slice %arg5[%arg0, %add3A_60, %dma_start3A_76] : memref<2x10112x16xf32, #tpu.memory_space<hbm>> -> memref<1x128x16xf32, #tpu.memory_space<hbm>>
      %dma_start3A_78 = tpu.memref_squeeze %dma_start3A_77 : memref<1x128x16xf32, #tpu.memory_space<hbm>> -> memref<128x16xf32, #tpu.memory_space<hbm>>
      %dma_start3A_79 = arith.constant 0 : i32
      %dma_start3A_80 = tpu.memref_slice %arg5[%arg0, %add3A_60, %dma_start3A_79] : memref<2x10112x16xf32, #tpu.memory_space<hbm>> -> memref<1x128x16xf32, #tpu.memory_space<hbm>>
      %dma_start3A_81 = tpu.memref_squeeze %dma_start3A_80 : memref<1x128x16xf32, #tpu.memory_space<hbm>> -> memref<128x16xf32, #tpu.memory_space<hbm>>
      %dma_start3A_82 = arith.constant 0 : i32
      %dma_start3A_83 = arith.constant 0 : i32
      %dma_start3A_84 = tpu.memref_slice %arg8[%dma_start3A_82, %dma_start3A_83] : memref<128x16xf32, #tpu.memory_space<vmem>> -> memref<128x16xf32, #tpu.memory_space<vmem>>
      tpu.enqueue_dma source(%dma_start3A_84 : memref<128x16xf32, #tpu.memory_space<vmem>>) target(%dma_start3A_81 : memref<128x16xf32, #tpu.memory_space<hbm>>) target_semaphore(%run_scoped3A : memref<!tpu.dma_semaphore, #tpu.memory_space<semaphore_mem>>)
      %dma_wait3A_85 = arith.constant 0 : i32
      %dma_wait3A_86 = arith.constant 0 : i32
      %dma_wait3A_87 = tpu.memref_slice %arg8[%dma_wait3A_85, %dma_wait3A_86] : memref<128x16xf32, #tpu.memory_space<vmem>> -> memref<128x16xf32, #tpu.memory_space<vmem>>
      %dma_wait3A_88 = arith.constant 0 : i32
      %dma_wait3A_89 = tpu.memref_slice %arg5[%arg0, %add3A_60, %dma_wait3A_88] : memref<2x10112x16xf32, #tpu.memory_space<hbm>> -> memref<1x128x16xf32, #tpu.memory_space<hbm>>
      %dma_wait3A_90 = tpu.memref_squeeze %dma_wait3A_89 : memref<1x128x16xf32, #tpu.memory_space<hbm>> -> memref<128x16xf32, #tpu.memory_space<hbm>>
      %dma_wait3A_91 = arith.constant 0 : i32
      %dma_wait3A_92 = tpu.memref_slice %arg5[%arg0, %add3A_60, %dma_wait3A_91] : memref<2x10112x16xf32, #tpu.memory_space<hbm>> -> memref<1x128x16xf32, #tpu.memory_space<hbm>>
      %dma_wait3A_93 = tpu.memref_squeeze %dma_wait3A_92 : memref<1x128x16xf32, #tpu.memory_space<hbm>> -> memref<128x16xf32, #tpu.memory_space<hbm>>
      %dma_wait3A_94 = arith.constant 0 : i32
      %dma_wait3A_95 = arith.constant 0 : i32
      %dma_wait3A_96 = tpu.memref_slice %arg8[%dma_wait3A_94, %dma_wait3A_95] : memref<128x16xf32, #tpu.memory_space<vmem>> -> memref<128x16xf32, #tpu.memory_space<vmem>>
      tpu.wait_dma2 semaphore(%run_scoped3A : memref<!tpu.dma_semaphore, #tpu.memory_space<semaphore_mem>>) src(%dma_wait3A_96 : memref<128x16xf32, #tpu.memory_space<vmem>>) dst(%dma_wait3A_93 : memref<128x16xf32, #tpu.memory_space<hbm>>)
      tpu.yield
    }) : () -> ()
    %add3A_61 = arith.constant 256 : i32
    %add3A_62 = arith.addi %mul3A_2, %add3A_61 : i32
    "tpu.region"() ({
      %run_scoped3A = tpu.sem_alloc : memref<!tpu.dma_semaphore, #tpu.memory_space<semaphore_mem>>
      %dma_start3A_73 = arith.constant 0 : i32
      %dma_start3A_74 = arith.constant 0 : i32
      %dma_start3A_75 = tpu.memref_slice %arg8[%dma_start3A_73, %dma_start3A_74] : memref<128x16xf32, #tpu.memory_space<vmem>> -> memref<128x16xf32, #tpu.memory_space<vmem>>
      %dma_start3A_76 = arith.constant 0 : i32
      %dma_start3A_77 = tpu.memref_slice %arg10[%add3A_62, %dma_start3A_76] : memref<10112x16xf32, #tpu.memory_space<vmem_shared>> -> memref<128x16xf32, #tpu.memory_space<vmem_shared>>
      %dma_start3A_78 = arith.constant 0 : i32
      %dma_start3A_79 = arith.constant 0 : i32
      %dma_start3A_80 = tpu.memref_slice %arg8[%dma_start3A_78, %dma_start3A_79] : memref<128x16xf32, #tpu.memory_space<vmem>> -> memref<128x16xf32, #tpu.memory_space<vmem>>
      %dma_start3A_81 = arith.constant 0 : i32
      %dma_start3A_82 = tpu.memref_slice %arg10[%add3A_62, %dma_start3A_81] : memref<10112x16xf32, #tpu.memory_space<vmem_shared>> -> memref<128x16xf32, #tpu.memory_space<vmem_shared>>
      tpu.enqueue_dma source(%dma_start3A_82 : memref<128x16xf32, #tpu.memory_space<vmem_shared>>) target(%dma_start3A_80 : memref<128x16xf32, #tpu.memory_space<vmem>>) target_semaphore(%run_scoped3A : memref<!tpu.dma_semaphore, #tpu.memory_space<semaphore_mem>>)
      %dma_wait3A_83 = arith.constant 0 : i32
      %dma_wait3A_84 = arith.constant 0 : i32
      %dma_wait3A_85 = tpu.memref_slice %arg8[%dma_wait3A_83, %dma_wait3A_84] : memref<128x16xf32, #tpu.memory_space<vmem>> -> memref<128x16xf32, #tpu.memory_space<vmem>>
      %dma_wait3A_86 = arith.constant 0 : i32
      %dma_wait3A_87 = tpu.memref_slice %arg10[%add3A_62, %dma_wait3A_86] : memref<10112x16xf32, #tpu.memory_space<vmem_shared>> -> memref<128x16xf32, #tpu.memory_space<vmem_shared>>
      %dma_wait3A_88 = arith.constant 0 : i32
      %dma_wait3A_89 = arith.constant 0 : i32
      %dma_wait3A_90 = tpu.memref_slice %arg8[%dma_wait3A_88, %dma_wait3A_89] : memref<128x16xf32, #tpu.memory_space<vmem>> -> memref<128x16xf32, #tpu.memory_space<vmem>>
      %dma_wait3A_91 = arith.constant 0 : i32
      %dma_wait3A_92 = tpu.memref_slice %arg10[%add3A_62, %dma_wait3A_91] : memref<10112x16xf32, #tpu.memory_space<vmem_shared>> -> memref<128x16xf32, #tpu.memory_space<vmem_shared>>
      tpu.wait_dma2 semaphore(%run_scoped3A : memref<!tpu.dma_semaphore, #tpu.memory_space<semaphore_mem>>) src(%dma_wait3A_92 : memref<128x16xf32, #tpu.memory_space<vmem_shared>>) dst(%dma_wait3A_90 : memref<128x16xf32, #tpu.memory_space<vmem>>)
      tpu.yield
    }) : () -> ()
    %add3A_63 = arith.constant 256 : i32
    %add3A_64 = arith.addi %mul3A_2, %add3A_63 : i32
    "tpu.region"() ({
      %run_scoped3A = tpu.sem_alloc : memref<!tpu.dma_semaphore, #tpu.memory_space<semaphore_mem>>
      %dma_start3A_73 = arith.constant 0 : i32
      %dma_start3A_74 = arith.constant 0 : i32
      %dma_start3A_75 = tpu.memref_slice %arg8[%dma_start3A_73, %dma_start3A_74] : memref<128x16xf32, #tpu.memory_space<vmem>> -> memref<128x16xf32, #tpu.memory_space<vmem>>
      %dma_start3A_76 = arith.constant 0 : i32
      %dma_start3A_77 = tpu.memref_slice %arg5[%arg0, %add3A_64, %dma_start3A_76] : memref<2x10112x16xf32, #tpu.memory_space<hbm>> -> memref<1x128x16xf32, #tpu.memory_space<hbm>>
      %dma_start3A_78 = tpu.memref_squeeze %dma_start3A_77 : memref<1x128x16xf32, #tpu.memory_space<hbm>> -> memref<128x16xf32, #tpu.memory_space<hbm>>
      %dma_start3A_79 = arith.constant 0 : i32
      %dma_start3A_80 = tpu.memref_slice %arg5[%arg0, %add3A_64, %dma_start3A_79] : memref<2x10112x16xf32, #tpu.memory_space<hbm>> -> memref<1x128x16xf32, #tpu.memory_space<hbm>>
      %dma_start3A_81 = tpu.memref_squeeze %dma_start3A_80 : memref<1x128x16xf32, #tpu.memory_space<hbm>> -> memref<128x16xf32, #tpu.memory_space<hbm>>
      %dma_start3A_82 = arith.constant 0 : i32
      %dma_start3A_83 = arith.constant 0 : i32
      %dma_start3A_84 = tpu.memref_slice %arg8[%dma_start3A_82, %dma_start3A_83] : memref<128x16xf32, #tpu.memory_space<vmem>> -> memref<128x16xf32, #tpu.memory_space<vmem>>
      tpu.enqueue_dma source(%dma_start3A_84 : memref<128x16xf32, #tpu.memory_space<vmem>>) target(%dma_start3A_81 : memref<128x16xf32, #tpu.memory_space<hbm>>) target_semaphore(%run_scoped3A : memref<!tpu.dma_semaphore, #tpu.memory_space<semaphore_mem>>)
      %dma_wait3A_85 = arith.constant 0 : i32
      %dma_wait3A_86 = arith.constant 0 : i32
      %dma_wait3A_87 = tpu.memref_slice %arg8[%dma_wait3A_85, %dma_wait3A_86] : memref<128x16xf32, #tpu.memory_space<vmem>> -> memref<128x16xf32, #tpu.memory_space<vmem>>
      %dma_wait3A_88 = arith.constant 0 : i32
      %dma_wait3A_89 = tpu.memref_slice %arg5[%arg0, %add3A_64, %dma_wait3A_88] : memref<2x10112x16xf32, #tpu.memory_space<hbm>> -> memref<1x128x16xf32, #tpu.memory_space<hbm>>
      %dma_wait3A_90 = tpu.memref_squeeze %dma_wait3A_89 : memref<1x128x16xf32, #tpu.memory_space<hbm>> -> memref<128x16xf32, #tpu.memory_space<hbm>>
      %dma_wait3A_91 = arith.constant 0 : i32
      %dma_wait3A_92 = tpu.memref_slice %arg5[%arg0, %add3A_64, %dma_wait3A_91] : memref<2x10112x16xf32, #tpu.memory_space<hbm>> -> memref<1x128x16xf32, #tpu.memory_space<hbm>>
      %dma_wait3A_93 = tpu.memref_squeeze %dma_wait3A_92 : memref<1x128x16xf32, #tpu.memory_space<hbm>> -> memref<128x16xf32, #tpu.memory_space<hbm>>
      %dma_wait3A_94 = arith.constant 0 : i32
      %dma_wait3A_95 = arith.constant 0 : i32
      %dma_wait3A_96 = tpu.memref_slice %arg8[%dma_wait3A_94, %dma_wait3A_95] : memref<128x16xf32, #tpu.memory_space<vmem>> -> memref<128x16xf32, #tpu.memory_space<vmem>>
      tpu.wait_dma2 semaphore(%run_scoped3A : memref<!tpu.dma_semaphore, #tpu.memory_space<semaphore_mem>>) src(%dma_wait3A_96 : memref<128x16xf32, #tpu.memory_space<vmem>>) dst(%dma_wait3A_93 : memref<128x16xf32, #tpu.memory_space<hbm>>)
      tpu.yield
    }) : () -> ()
    %add3A_65 = arith.constant 384 : i32
    %add3A_66 = arith.addi %mul3A_2, %add3A_65 : i32
    "tpu.region"() ({
      %run_scoped3A = tpu.sem_alloc : memref<!tpu.dma_semaphore, #tpu.memory_space<semaphore_mem>>
      %dma_start3A_73 = arith.constant 0 : i32
      %dma_start3A_74 = arith.constant 0 : i32
      %dma_start3A_75 = tpu.memref_slice %arg8[%dma_start3A_73, %dma_start3A_74] : memref<128x16xf32, #tpu.memory_space<vmem>> -> memref<128x16xf32, #tpu.memory_space<vmem>>
      %dma_start3A_76 = arith.constant 0 : i32
      %dma_start3A_77 = tpu.memref_slice %arg10[%add3A_66, %dma_start3A_76] : memref<10112x16xf32, #tpu.memory_space<vmem_shared>> -> memref<128x16xf32, #tpu.memory_space<vmem_shared>>
      %dma_start3A_78 = arith.constant 0 : i32
      %dma_start3A_79 = arith.constant 0 : i32
      %dma_start3A_80 = tpu.memref_slice %arg8[%dma_start3A_78, %dma_start3A_79] : memref<128x16xf32, #tpu.memory_space<vmem>> -> memref<128x16xf32, #tpu.memory_space<vmem>>
      %dma_start3A_81 = arith.constant 0 : i32
      %dma_start3A_82 = tpu.memref_slice %arg10[%add3A_66, %dma_start3A_81] : memref<10112x16xf32, #tpu.memory_space<vmem_shared>> -> memref<128x16xf32, #tpu.memory_space<vmem_shared>>
      tpu.enqueue_dma source(%dma_start3A_82 : memref<128x16xf32, #tpu.memory_space<vmem_shared>>) target(%dma_start3A_80 : memref<128x16xf32, #tpu.memory_space<vmem>>) target_semaphore(%run_scoped3A : memref<!tpu.dma_semaphore, #tpu.memory_space<semaphore_mem>>)
      %dma_wait3A_83 = arith.constant 0 : i32
      %dma_wait3A_84 = arith.constant 0 : i32
      %dma_wait3A_85 = tpu.memref_slice %arg8[%dma_wait3A_83, %dma_wait3A_84] : memref<128x16xf32, #tpu.memory_space<vmem>> -> memref<128x16xf32, #tpu.memory_space<vmem>>
      %dma_wait3A_86 = arith.constant 0 : i32
      %dma_wait3A_87 = tpu.memref_slice %arg10[%add3A_66, %dma_wait3A_86] : memref<10112x16xf32, #tpu.memory_space<vmem_shared>> -> memref<128x16xf32, #tpu.memory_space<vmem_shared>>
      %dma_wait3A_88 = arith.constant 0 : i32
      %dma_wait3A_89 = arith.constant 0 : i32
      %dma_wait3A_90 = tpu.memref_slice %arg8[%dma_wait3A_88, %dma_wait3A_89] : memref<128x16xf32, #tpu.memory_space<vmem>> -> memref<128x16xf32, #tpu.memory_space<vmem>>
      %dma_wait3A_91 = arith.constant 0 : i32
      %dma_wait3A_92 = tpu.memref_slice %arg10[%add3A_66, %dma_wait3A_91] : memref<10112x16xf32, #tpu.memory_space<vmem_shared>> -> memref<128x16xf32, #tpu.memory_space<vmem_shared>>
      tpu.wait_dma2 semaphore(%run_scoped3A : memref<!tpu.dma_semaphore, #tpu.memory_space<semaphore_mem>>) src(%dma_wait3A_92 : memref<128x16xf32, #tpu.memory_space<vmem_shared>>) dst(%dma_wait3A_90 : memref<128x16xf32, #tpu.memory_space<vmem>>)
      tpu.yield
    }) : () -> ()
    %add3A_67 = arith.constant 384 : i32
    %add3A_68 = arith.addi %mul3A_2, %add3A_67 : i32
    "tpu.region"() ({
      %run_scoped3A = tpu.sem_alloc : memref<!tpu.dma_semaphore, #tpu.memory_space<semaphore_mem>>
      %dma_start3A_73 = arith.constant 0 : i32
      %dma_start3A_74 = arith.constant 0 : i32
      %dma_start3A_75 = tpu.memref_slice %arg8[%dma_start3A_73, %dma_start3A_74] : memref<128x16xf32, #tpu.memory_space<vmem>> -> memref<128x16xf32, #tpu.memory_space<vmem>>
      %dma_start3A_76 = arith.constant 0 : i32
      %dma_start3A_77 = tpu.memref_slice %arg5[%arg0, %add3A_68, %dma_start3A_76] : memref<2x10112x16xf32, #tpu.memory_space<hbm>> -> memref<1x128x16xf32, #tpu.memory_space<hbm>>
      %dma_start3A_78 = tpu.memref_squeeze %dma_start3A_77 : memref<1x128x16xf32, #tpu.memory_space<hbm>> -> memref<128x16xf32, #tpu.memory_space<hbm>>
      %dma_start3A_79 = arith.constant 0 : i32
      %dma_start3A_80 = tpu.memref_slice %arg5[%arg0, %add3A_68, %dma_start3A_79] : memref<2x10112x16xf32, #tpu.memory_space<hbm>> -> memref<1x128x16xf32, #tpu.memory_space<hbm>>
      %dma_start3A_81 = tpu.memref_squeeze %dma_start3A_80 : memref<1x128x16xf32, #tpu.memory_space<hbm>> -> memref<128x16xf32, #tpu.memory_space<hbm>>
      %dma_start3A_82 = arith.constant 0 : i32
      %dma_start3A_83 = arith.constant 0 : i32
      %dma_start3A_84 = tpu.memref_slice %arg8[%dma_start3A_82, %dma_start3A_83] : memref<128x16xf32, #tpu.memory_space<vmem>> -> memref<128x16xf32, #tpu.memory_space<vmem>>
      tpu.enqueue_dma source(%dma_start3A_84 : memref<128x16xf32, #tpu.memory_space<vmem>>) target(%dma_start3A_81 : memref<128x16xf32, #tpu.memory_space<hbm>>) target_semaphore(%run_scoped3A : memref<!tpu.dma_semaphore, #tpu.memory_space<semaphore_mem>>)
      %dma_wait3A_85 = arith.constant 0 : i32
      %dma_wait3A_86 = arith.constant 0 : i32
      %dma_wait3A_87 = tpu.memref_slice %arg8[%dma_wait3A_85, %dma_wait3A_86] : memref<128x16xf32, #tpu.memory_space<vmem>> -> memref<128x16xf32, #tpu.memory_space<vmem>>
      %dma_wait3A_88 = arith.constant 0 : i32
      %dma_wait3A_89 = tpu.memref_slice %arg5[%arg0, %add3A_68, %dma_wait3A_88] : memref<2x10112x16xf32, #tpu.memory_space<hbm>> -> memref<1x128x16xf32, #tpu.memory_space<hbm>>
      %dma_wait3A_90 = tpu.memref_squeeze %dma_wait3A_89 : memref<1x128x16xf32, #tpu.memory_space<hbm>> -> memref<128x16xf32, #tpu.memory_space<hbm>>
      %dma_wait3A_91 = arith.constant 0 : i32
      %dma_wait3A_92 = tpu.memref_slice %arg5[%arg0, %add3A_68, %dma_wait3A_91] : memref<2x10112x16xf32, #tpu.memory_space<hbm>> -> memref<1x128x16xf32, #tpu.memory_space<hbm>>
      %dma_wait3A_93 = tpu.memref_squeeze %dma_wait3A_92 : memref<1x128x16xf32, #tpu.memory_space<hbm>> -> memref<128x16xf32, #tpu.memory_space<hbm>>
      %dma_wait3A_94 = arith.constant 0 : i32
      %dma_wait3A_95 = arith.constant 0 : i32
      %dma_wait3A_96 = tpu.memref_slice %arg8[%dma_wait3A_94, %dma_wait3A_95] : memref<128x16xf32, #tpu.memory_space<vmem>> -> memref<128x16xf32, #tpu.memory_space<vmem>>
      tpu.wait_dma2 semaphore(%run_scoped3A : memref<!tpu.dma_semaphore, #tpu.memory_space<semaphore_mem>>) src(%dma_wait3A_96 : memref<128x16xf32, #tpu.memory_space<vmem>>) dst(%dma_wait3A_93 : memref<128x16xf32, #tpu.memory_space<hbm>>)
      tpu.yield
    }) : () -> ()
    %add3A_69 = arith.constant 512 : i32
    %add3A_70 = arith.addi %mul3A_2, %add3A_69 : i32
    "tpu.region"() ({
      %run_scoped3A = tpu.sem_alloc : memref<!tpu.dma_semaphore, #tpu.memory_space<semaphore_mem>>
      %dma_start3A_73 = arith.constant 0 : i32
      %dma_start3A_74 = arith.constant 0 : i32
      %dma_start3A_75 = tpu.memref_slice %arg8[%dma_start3A_73, %dma_start3A_74] : memref<128x16xf32, #tpu.memory_space<vmem>> -> memref<120x16xf32, #tpu.memory_space<vmem>>
      %dma_start3A_76 = arith.constant 0 : i32
      %dma_start3A_77 = tpu.memref_slice %arg10[%add3A_70, %dma_start3A_76] : memref<10112x16xf32, #tpu.memory_space<vmem_shared>> -> memref<120x16xf32, #tpu.memory_space<vmem_shared>>
      %dma_start3A_78 = arith.constant 0 : i32
      %dma_start3A_79 = arith.constant 0 : i32
      %dma_start3A_80 = tpu.memref_slice %arg8[%dma_start3A_78, %dma_start3A_79] : memref<128x16xf32, #tpu.memory_space<vmem>> -> memref<120x16xf32, #tpu.memory_space<vmem>>
      %dma_start3A_81 = arith.constant 0 : i32
      %dma_start3A_82 = tpu.memref_slice %arg10[%add3A_70, %dma_start3A_81] : memref<10112x16xf32, #tpu.memory_space<vmem_shared>> -> memref<120x16xf32, #tpu.memory_space<vmem_shared>>
      tpu.enqueue_dma source(%dma_start3A_82 : memref<120x16xf32, #tpu.memory_space<vmem_shared>>) target(%dma_start3A_80 : memref<120x16xf32, #tpu.memory_space<vmem>>) target_semaphore(%run_scoped3A : memref<!tpu.dma_semaphore, #tpu.memory_space<semaphore_mem>>)
      %dma_wait3A_83 = arith.constant 0 : i32
      %dma_wait3A_84 = arith.constant 0 : i32
      %dma_wait3A_85 = tpu.memref_slice %arg8[%dma_wait3A_83, %dma_wait3A_84] : memref<128x16xf32, #tpu.memory_space<vmem>> -> memref<120x16xf32, #tpu.memory_space<vmem>>
      %dma_wait3A_86 = arith.constant 0 : i32
      %dma_wait3A_87 = tpu.memref_slice %arg10[%add3A_70, %dma_wait3A_86] : memref<10112x16xf32, #tpu.memory_space<vmem_shared>> -> memref<120x16xf32, #tpu.memory_space<vmem_shared>>
      %dma_wait3A_88 = arith.constant 0 : i32
      %dma_wait3A_89 = arith.constant 0 : i32
      %dma_wait3A_90 = tpu.memref_slice %arg8[%dma_wait3A_88, %dma_wait3A_89] : memref<128x16xf32, #tpu.memory_space<vmem>> -> memref<120x16xf32, #tpu.memory_space<vmem>>
      %dma_wait3A_91 = arith.constant 0 : i32
      %dma_wait3A_92 = tpu.memref_slice %arg10[%add3A_70, %dma_wait3A_91] : memref<10112x16xf32, #tpu.memory_space<vmem_shared>> -> memref<120x16xf32, #tpu.memory_space<vmem_shared>>
      tpu.wait_dma2 semaphore(%run_scoped3A : memref<!tpu.dma_semaphore, #tpu.memory_space<semaphore_mem>>) src(%dma_wait3A_92 : memref<120x16xf32, #tpu.memory_space<vmem_shared>>) dst(%dma_wait3A_90 : memref<120x16xf32, #tpu.memory_space<vmem>>)
      tpu.yield
    }) : () -> ()
    %add3A_71 = arith.constant 512 : i32
    %add3A_72 = arith.addi %mul3A_2, %add3A_71 : i32
    "tpu.region"() ({
      %run_scoped3A = tpu.sem_alloc : memref<!tpu.dma_semaphore, #tpu.memory_space<semaphore_mem>>
      %dma_start3A_73 = arith.constant 0 : i32
      %dma_start3A_74 = arith.constant 0 : i32
      %dma_start3A_75 = tpu.memref_slice %arg8[%dma_start3A_73, %dma_start3A_74] : memref<128x16xf32, #tpu.memory_space<vmem>> -> memref<120x16xf32, #tpu.memory_space<vmem>>
      %dma_start3A_76 = arith.constant 0 : i32
      %dma_start3A_77 = tpu.memref_slice %arg5[%arg0, %add3A_72, %dma_start3A_76] : memref<2x10112x16xf32, #tpu.memory_space<hbm>> -> memref<1x120x16xf32, #tpu.memory_space<hbm>>
      %dma_start3A_78 = tpu.memref_squeeze %dma_start3A_77 : memref<1x120x16xf32, #tpu.memory_space<hbm>> -> memref<120x16xf32, #tpu.memory_space<hbm>>
      %dma_start3A_79 = arith.constant 0 : i32
      %dma_start3A_80 = tpu.memref_slice %arg5[%arg0, %add3A_72, %dma_start3A_79] : memref<2x10112x16xf32, #tpu.memory_space<hbm>> -> memref<1x120x16xf32, #tpu.memory_space<hbm>>
      %dma_start3A_81 = tpu.memref_squeeze %dma_start3A_80 : memref<1x120x16xf32, #tpu.memory_space<hbm>> -> memref<120x16xf32, #tpu.memory_space<hbm>>
      %dma_start3A_82 = arith.constant 0 : i32
      %dma_start3A_83 = arith.constant 0 : i32
      %dma_start3A_84 = tpu.memref_slice %arg8[%dma_start3A_82, %dma_start3A_83] : memref<128x16xf32, #tpu.memory_space<vmem>> -> memref<120x16xf32, #tpu.memory_space<vmem>>
      tpu.enqueue_dma source(%dma_start3A_84 : memref<120x16xf32, #tpu.memory_space<vmem>>) target(%dma_start3A_81 : memref<120x16xf32, #tpu.memory_space<hbm>>) target_semaphore(%run_scoped3A : memref<!tpu.dma_semaphore, #tpu.memory_space<semaphore_mem>>)
      %dma_wait3A_85 = arith.constant 0 : i32
      %dma_wait3A_86 = arith.constant 0 : i32
      %dma_wait3A_87 = tpu.memref_slice %arg8[%dma_wait3A_85, %dma_wait3A_86] : memref<128x16xf32, #tpu.memory_space<vmem>> -> memref<120x16xf32, #tpu.memory_space<vmem>>
      %dma_wait3A_88 = arith.constant 0 : i32
      %dma_wait3A_89 = tpu.memref_slice %arg5[%arg0, %add3A_72, %dma_wait3A_88] : memref<2x10112x16xf32, #tpu.memory_space<hbm>> -> memref<1x120x16xf32, #tpu.memory_space<hbm>>
      %dma_wait3A_90 = tpu.memref_squeeze %dma_wait3A_89 : memref<1x120x16xf32, #tpu.memory_space<hbm>> -> memref<120x16xf32, #tpu.memory_space<hbm>>
      %dma_wait3A_91 = arith.constant 0 : i32
      %dma_wait3A_92 = tpu.memref_slice %arg5[%arg0, %add3A_72, %dma_wait3A_91] : memref<2x10112x16xf32, #tpu.memory_space<hbm>> -> memref<1x120x16xf32, #tpu.memory_space<hbm>>
      %dma_wait3A_93 = tpu.memref_squeeze %dma_wait3A_92 : memref<1x120x16xf32, #tpu.memory_space<hbm>> -> memref<120x16xf32, #tpu.memory_space<hbm>>
      %dma_wait3A_94 = arith.constant 0 : i32
      %dma_wait3A_95 = arith.constant 0 : i32
      %dma_wait3A_96 = tpu.memref_slice %arg8[%dma_wait3A_94, %dma_wait3A_95] : memref<128x16xf32, #tpu.memory_space<vmem>> -> memref<120x16xf32, #tpu.memory_space<vmem>>
      tpu.wait_dma2 semaphore(%run_scoped3A : memref<!tpu.dma_semaphore, #tpu.memory_space<semaphore_mem>>) src(%dma_wait3A_96 : memref<120x16xf32, #tpu.memory_space<vmem>>) dst(%dma_wait3A_93 : memref<120x16xf32, #tpu.memory_space<hbm>>)
      tpu.yield
    }) : () -> ()
    return
  }
}

#map = affine_map<(d0, d1) -> (0, 0, 0)>
module attributes {stable_mosaic.version = 14 : i64} {
  func.func @deg_kernel(%arg0: i32, %arg1: i32, %arg2: memref<32x84x128xi32, #tpu.memory_space<hbm>>, %arg3: memref<32x84x128xi32, #tpu.memory_space<hbm>>, %arg4: memref<2x10112x16xf32, #tpu.memory_space<hbm>>, %arg5: memref<84x128xi32, #tpu.memory_space<vmem>>, %arg6: memref<84x128xi32, #tpu.memory_space<vmem>>, %arg7: memref<128x16xf32, #tpu.memory_space<vmem>>, %arg8: memref<128x16xf32, #tpu.memory_space<vmem>>, %arg9: memref<632x16xf32, #tpu.memory_space<vmem>>, %arg10: memref<10112x16xf32, #tpu.memory_space<vmem_shared>>) attributes {dimension_semantics = [#tpu.dimension_semantics<core_parallel>, #tpu.dimension_semantics<subcore_parallel>], iteration_bounds = array<i64: 2, 16>, scalar_prefetch = 0 : i64, scratch_operands = 6 : i64, tpu.core_type = #tpu.core_type<sc_vector_subcore>, window_params = [{transform_indices = #map}, {transform_indices = #map}, {transform_indices = #map}]} {
    %mul3A = arith.constant 2 : i32
    %mul3A_0 = arith.muli %arg1, %mul3A : i32
    %add3A = arith.addi %mul3A_0, %arg0 : i32
    "tpu.region"() ({
      %run_scoped3A = tpu.sem_alloc : memref<!tpu.dma_semaphore, #tpu.memory_space<semaphore_mem>>
      %dma_start3A = arith.constant 0 : i32
      %dma_start3A_30 = arith.constant 0 : i32
      %dma_start3A_31 = tpu.memref_slice %arg2[%add3A, %dma_start3A, %dma_start3A_30] : memref<32x84x128xi32, #tpu.memory_space<hbm>> -> memref<1x84x128xi32, #tpu.memory_space<hbm>>
      %dma_start3A_32 = tpu.memref_squeeze %dma_start3A_31 : memref<1x84x128xi32, #tpu.memory_space<hbm>> -> memref<84x128xi32, #tpu.memory_space<hbm>>
      %dma_start3A_33 = arith.constant 0 : i32
      %dma_start3A_34 = arith.constant 0 : i32
      %dma_start3A_35 = tpu.memref_slice %arg2[%add3A, %dma_start3A_33, %dma_start3A_34] : memref<32x84x128xi32, #tpu.memory_space<hbm>> -> memref<1x84x128xi32, #tpu.memory_space<hbm>>
      %dma_start3A_36 = tpu.memref_squeeze %dma_start3A_35 : memref<1x84x128xi32, #tpu.memory_space<hbm>> -> memref<84x128xi32, #tpu.memory_space<hbm>>
      tpu.enqueue_dma source(%dma_start3A_36 : memref<84x128xi32, #tpu.memory_space<hbm>>) target(%arg5 : memref<84x128xi32, #tpu.memory_space<vmem>>) target_semaphore(%run_scoped3A : memref<!tpu.dma_semaphore, #tpu.memory_space<semaphore_mem>>)
      %dma_wait3A = arith.constant 0 : i32
      %dma_wait3A_37 = arith.constant 0 : i32
      %dma_wait3A_38 = tpu.memref_slice %arg2[%add3A, %dma_wait3A, %dma_wait3A_37] : memref<32x84x128xi32, #tpu.memory_space<hbm>> -> memref<1x84x128xi32, #tpu.memory_space<hbm>>
      %dma_wait3A_39 = tpu.memref_squeeze %dma_wait3A_38 : memref<1x84x128xi32, #tpu.memory_space<hbm>> -> memref<84x128xi32, #tpu.memory_space<hbm>>
      %dma_wait3A_40 = arith.constant 0 : i32
      %dma_wait3A_41 = arith.constant 0 : i32
      %dma_wait3A_42 = tpu.memref_slice %arg2[%add3A, %dma_wait3A_40, %dma_wait3A_41] : memref<32x84x128xi32, #tpu.memory_space<hbm>> -> memref<1x84x128xi32, #tpu.memory_space<hbm>>
      %dma_wait3A_43 = tpu.memref_squeeze %dma_wait3A_42 : memref<1x84x128xi32, #tpu.memory_space<hbm>> -> memref<84x128xi32, #tpu.memory_space<hbm>>
      tpu.wait_dma2 semaphore(%run_scoped3A : memref<!tpu.dma_semaphore, #tpu.memory_space<semaphore_mem>>) src(%dma_wait3A_43 : memref<84x128xi32, #tpu.memory_space<hbm>>) dst(%arg5 : memref<84x128xi32, #tpu.memory_space<vmem>>)
      tpu.yield
    }) : () -> ()
    "tpu.region"() ({
      %run_scoped3A = tpu.sem_alloc : memref<!tpu.dma_semaphore, #tpu.memory_space<semaphore_mem>>
      %dma_start3A = arith.constant 0 : i32
      %dma_start3A_30 = arith.constant 0 : i32
      %dma_start3A_31 = tpu.memref_slice %arg3[%add3A, %dma_start3A, %dma_start3A_30] : memref<32x84x128xi32, #tpu.memory_space<hbm>> -> memref<1x84x128xi32, #tpu.memory_space<hbm>>
      %dma_start3A_32 = tpu.memref_squeeze %dma_start3A_31 : memref<1x84x128xi32, #tpu.memory_space<hbm>> -> memref<84x128xi32, #tpu.memory_space<hbm>>
      %dma_start3A_33 = arith.constant 0 : i32
      %dma_start3A_34 = arith.constant 0 : i32
      %dma_start3A_35 = tpu.memref_slice %arg3[%add3A, %dma_start3A_33, %dma_start3A_34] : memref<32x84x128xi32, #tpu.memory_space<hbm>> -> memref<1x84x128xi32, #tpu.memory_space<hbm>>
      %dma_start3A_36 = tpu.memref_squeeze %dma_start3A_35 : memref<1x84x128xi32, #tpu.memory_space<hbm>> -> memref<84x128xi32, #tpu.memory_space<hbm>>
      tpu.enqueue_dma source(%dma_start3A_36 : memref<84x128xi32, #tpu.memory_space<hbm>>) target(%arg6 : memref<84x128xi32, #tpu.memory_space<vmem>>) target_semaphore(%run_scoped3A : memref<!tpu.dma_semaphore, #tpu.memory_space<semaphore_mem>>)
      %dma_wait3A = arith.constant 0 : i32
      %dma_wait3A_37 = arith.constant 0 : i32
      %dma_wait3A_38 = tpu.memref_slice %arg3[%add3A, %dma_wait3A, %dma_wait3A_37] : memref<32x84x128xi32, #tpu.memory_space<hbm>> -> memref<1x84x128xi32, #tpu.memory_space<hbm>>
      %dma_wait3A_39 = tpu.memref_squeeze %dma_wait3A_38 : memref<1x84x128xi32, #tpu.memory_space<hbm>> -> memref<84x128xi32, #tpu.memory_space<hbm>>
      %dma_wait3A_40 = arith.constant 0 : i32
      %dma_wait3A_41 = arith.constant 0 : i32
      %dma_wait3A_42 = tpu.memref_slice %arg3[%add3A, %dma_wait3A_40, %dma_wait3A_41] : memref<32x84x128xi32, #tpu.memory_space<hbm>> -> memref<1x84x128xi32, #tpu.memory_space<hbm>>
      %dma_wait3A_43 = tpu.memref_squeeze %dma_wait3A_42 : memref<1x84x128xi32, #tpu.memory_space<hbm>> -> memref<84x128xi32, #tpu.memory_space<hbm>>
      tpu.wait_dma2 semaphore(%run_scoped3A : memref<!tpu.dma_semaphore, #tpu.memory_space<semaphore_mem>>) src(%dma_wait3A_43 : memref<84x128xi32, #tpu.memory_space<hbm>>) dst(%arg6 : memref<84x128xi32, #tpu.memory_space<vmem>>)
      tpu.yield
    }) : () -> ()
    %iota3A = tpu.iota {dimensions = array<i32: 0>} : vector<16xi32>
    %lt3A = arith.constant 8 : i32
    %lt3A_1 = vector.broadcast %lt3A : i32 to vector<16xi32>
    %lt3A_2 = arith.cmpi slt, %iota3A, %lt3A_1 : vector<16xi32>
    %jit3A = arith.constant 1.000000e+00 : f32
    %jit3A_3 = arith.constant 0.000000e+00 : f32
    %broadcast_in_dim3A = vector.broadcast %jit3A : f32 to vector<16xf32>
    %broadcast_in_dim3A_4 = vector.broadcast %jit3A_3 : f32 to vector<16xf32>
    %select_n3A = arith.select %lt3A_2, %broadcast_in_dim3A, %broadcast_in_dim3A_4 : vector<16xi1>, vector<16xf32>
    %sub3A = arith.constant 1.000000e+00 : f32
    %sub3A_5 = vector.broadcast %sub3A : f32 to vector<16xf32>
    %sub3A_6 = arith.subf %sub3A_5, %select_n3A : vector<16xf32>
    %scan3A = arith.constant 0 : i32
    %scan3A_7 = arith.constant 0 : i32
    %scan3A_8 = arith.constant 128 : i32
    %scan3A_9 = arith.addi %scan3A_7, %scan3A_8 : i32
    %scan3A_10 = arith.constant 1 : i32
    %scan3A_11 = scf.for %scan3A_30 = %scan3A_7 to %scan3A_9 step %scan3A_10 iter_args(%scan3A_31 = %scan3A) -> (i32)  : i32 {
      %swap3A = arith.index_cast %scan3A_30 : i32 to index
      %swap3A_32 = arith.constant 0 : index
      %swap3A_33 = tpu.vector_load %arg7[%swap3A, %swap3A_32] {strides = array<i32>} : memref<128x16xf32, #tpu.memory_space<vmem>>, vector<1x16xf32>,
      %swap3A_34 = vector.shape_cast %swap3A_33 : vector<1x16xf32> to vector<16xf32>
      %swap3A_35 = vector.shape_cast %select_n3A : vector<16xf32> to vector<1x16xf32>
      tpu.vector_store %arg7[%swap3A, %swap3A_32], %swap3A_35 {strides = array<i32>} : memref<128x16xf32, #tpu.memory_space<vmem>>, vector<1x16xf32>,
      %swap3A_36 = arith.index_cast %scan3A_30 : i32 to index
      %swap3A_37 = arith.constant 0 : index
      %swap3A_38 = tpu.vector_load %arg8[%swap3A_36, %swap3A_37] {strides = array<i32>} : memref<128x16xf32, #tpu.memory_space<vmem>>, vector<1x16xf32>,
      %swap3A_39 = vector.shape_cast %swap3A_38 : vector<1x16xf32> to vector<16xf32>
      %swap3A_40 = vector.shape_cast %sub3A_6 : vector<16xf32> to vector<1x16xf32>
      tpu.vector_store %arg8[%swap3A_36, %swap3A_37], %swap3A_40 {strides = array<i32>} : memref<128x16xf32, #tpu.memory_space<vmem>>, vector<1x16xf32>,
      %scan3A_41 = arith.constant 0 : i32
      scf.yield %scan3A_41 : i32
    }
    %scan3A_12 = arith.constant 128 : i32
    %scan3A_13 = arith.constant 0 : i32
    %scan3A_14 = arith.constant 0 : i32
    %scan3A_15 = arith.constant 632 : i32
    %scan3A_16 = arith.addi %scan3A_14, %scan3A_15 : i32
    %scan3A_17 = arith.constant 1 : i32
    %scan3A_18 = scf.for %scan3A_30 = %scan3A_14 to %scan3A_16 step %scan3A_17 iter_args(%scan3A_31 = %scan3A_13) -> (i32)  : i32 {
      %broadcast_in_dim3A_32 = arith.constant 0.000000e+00 : f32
      %broadcast_in_dim3A_33 = vector.broadcast %broadcast_in_dim3A_32 : f32 to vector<16xf32>
      %swap3A = arith.index_cast %scan3A_30 : i32 to index
      %swap3A_34 = arith.constant 0 : index
      %swap3A_35 = tpu.vector_load %arg9[%swap3A, %swap3A_34] {strides = array<i32>} : memref<632x16xf32, #tpu.memory_space<vmem>>, vector<1x16xf32>,
      %swap3A_36 = vector.shape_cast %swap3A_35 : vector<1x16xf32> to vector<16xf32>
      %swap3A_37 = vector.shape_cast %broadcast_in_dim3A_33 : vector<16xf32> to vector<1x16xf32>
      tpu.vector_store %arg9[%swap3A, %swap3A_34], %swap3A_37 {strides = array<i32>} : memref<632x16xf32, #tpu.memory_space<vmem>>, vector<1x16xf32>,
      %scan3A_38 = arith.constant 0 : i32
      scf.yield %scan3A_38 : i32
    }
    %scan3A_19 = arith.constant 632 : i32
    %mul3A_20 = arith.constant 632 : i32
    %mul3A_21 = arith.muli %arg1, %mul3A_20 : i32
    "tpu.region"() ({
      %run_scoped3A = tpu.sem_alloc : memref<!tpu.dma_semaphore, #tpu.memory_space<semaphore_mem>>
      %dma_start3A = arith.constant 0 : i32
      %dma_start3A_30 = tpu.memref_slice %arg10[%mul3A_21, %dma_start3A] : memref<10112x16xf32, #tpu.memory_space<vmem_shared>> -> memref<632x16xf32, #tpu.memory_space<vmem_shared>>
      %dma_start3A_31 = arith.constant 0 : i32
      %dma_start3A_32 = tpu.memref_slice %arg10[%mul3A_21, %dma_start3A_31] : memref<10112x16xf32, #tpu.memory_space<vmem_shared>> -> memref<632x16xf32, #tpu.memory_space<vmem_shared>>
      tpu.enqueue_dma source(%arg9 : memref<632x16xf32, #tpu.memory_space<vmem>>) target(%dma_start3A_32 : memref<632x16xf32, #tpu.memory_space<vmem_shared>>) target_semaphore(%run_scoped3A : memref<!tpu.dma_semaphore, #tpu.memory_space<semaphore_mem>>)
      %dma_wait3A = arith.constant 0 : i32
      %dma_wait3A_33 = tpu.memref_slice %arg10[%mul3A_21, %dma_wait3A] : memref<10112x16xf32, #tpu.memory_space<vmem_shared>> -> memref<632x16xf32, #tpu.memory_space<vmem_shared>>
      %dma_wait3A_34 = arith.constant 0 : i32
      %dma_wait3A_35 = tpu.memref_slice %arg10[%mul3A_21, %dma_wait3A_34] : memref<10112x16xf32, #tpu.memory_space<vmem_shared>> -> memref<632x16xf32, #tpu.memory_space<vmem_shared>>
      tpu.wait_dma2 semaphore(%run_scoped3A : memref<!tpu.dma_semaphore, #tpu.memory_space<semaphore_mem>>) src(%arg9 : memref<632x16xf32, #tpu.memory_space<vmem>>) dst(%dma_wait3A_35 : memref<632x16xf32, #tpu.memory_space<vmem_shared>>)
      tpu.yield
    }) : () -> ()
    %barrier3A = arith.constant 0 : index
    tpu.barrier barrier_id(%barrier3A)
    %scan3A_22 = arith.constant 0 : i32
    %scan3A_23 = arith.constant 0 : i32
    %scan3A_24 = arith.constant 84 : i32
    %scan3A_25 = arith.addi %scan3A_23, %scan3A_24 : i32
    %scan3A_26 = arith.constant 1 : i32
    %scan3A_27 = scf.for %scan3A_30 = %scan3A_23 to %scan3A_25 step %scan3A_26 iter_args(%scan3A_31 = %scan3A_22) -> (i32)  : i32 {
      "tpu.region"() ({
        %run_scoped3A = tpu.sem_alloc : memref<!tpu.dma_semaphore, #tpu.memory_space<semaphore_mem>>
        %dma_start3A = arith.constant 0 : i32
        %dma_start3A_33 = tpu.memref_slice %arg5[%scan3A_30, %dma_start3A] : memref<84x128xi32, #tpu.memory_space<vmem>> -> memref<1x128xi32, #tpu.memory_space<vmem>>
        %dma_start3A_34 = tpu.memref_squeeze %dma_start3A_33 : memref<1x128xi32, #tpu.memory_space<vmem>> -> memref<128xi32, #tpu.memory_space<vmem>>
        %dma_start3A_35 = arith.constant 0 : i32
        %dma_start3A_36 = arith.constant 0 : i32
        %dma_start3A_37 = tpu.memref_slice %arg10[%dma_start3A_35, %dma_start3A_36] : memref<10112x16xf32, #tpu.memory_space<vmem_shared>> -> memref<10112x16xf32, #tpu.memory_space<vmem_shared>>
        tpu.enqueue_indirect_dma source(%arg7 : memref<128x16xf32, #tpu.memory_space<vmem>>) target(%dma_start3A_37 : memref<10112x16xf32, #tpu.memory_space<vmem_shared>>) offsets(%dma_start3A_34 : memref<128xi32, #tpu.memory_space<vmem>>) semaphore(%run_scoped3A : memref<!tpu.dma_semaphore, #tpu.memory_space<semaphore_mem>>) {add = true}
        %dma_wait3A = arith.constant 0 : i32
        %dma_wait3A_38 = tpu.memref_slice %arg5[%scan3A_30, %dma_wait3A] : memref<84x128xi32, #tpu.memory_space<vmem>> -> memref<1x128xi32, #tpu.memory_space<vmem>>
        %dma_wait3A_39 = tpu.memref_squeeze %dma_wait3A_38 : memref<1x128xi32, #tpu.memory_space<vmem>> -> memref<128xi32, #tpu.memory_space<vmem>>
        %dma_wait3A_40 = arith.constant 0 : i32
        %dma_wait3A_41 = arith.constant 0 : i32
        %dma_wait3A_42 = tpu.memref_slice %arg10[%dma_wait3A_40, %dma_wait3A_41] : memref<10112x16xf32, #tpu.memory_space<vmem_shared>> -> memref<10112x16xf32, #tpu.memory_space<vmem_shared>>
        tpu.wait_indirect_dma semaphore(%run_scoped3A : memref<!tpu.dma_semaphore, #tpu.memory_space<semaphore_mem>>) src(%arg7 : memref<128x16xf32, #tpu.memory_space<vmem>>) dst(%dma_wait3A_42 : memref<10112x16xf32, #tpu.memory_space<vmem_shared>>)
        tpu.yield
      }) : () -> ()
      "tpu.region"() ({
        %run_scoped3A = tpu.sem_alloc : memref<!tpu.dma_semaphore, #tpu.memory_space<semaphore_mem>>
        %dma_start3A = arith.constant 0 : i32
        %dma_start3A_33 = tpu.memref_slice %arg6[%scan3A_30, %dma_start3A] : memref<84x128xi32, #tpu.memory_space<vmem>> -> memref<1x128xi32, #tpu.memory_space<vmem>>
        %dma_start3A_34 = tpu.memref_squeeze %dma_start3A_33 : memref<1x128xi32, #tpu.memory_space<vmem>> -> memref<128xi32, #tpu.memory_space<vmem>>
        %dma_start3A_35 = arith.constant 0 : i32
        %dma_start3A_36 = arith.constant 0 : i32
        %dma_start3A_37 = tpu.memref_slice %arg10[%dma_start3A_35, %dma_start3A_36] : memref<10112x16xf32, #tpu.memory_space<vmem_shared>> -> memref<10112x16xf32, #tpu.memory_space<vmem_shared>>
        tpu.enqueue_indirect_dma source(%arg8 : memref<128x16xf32, #tpu.memory_space<vmem>>) target(%dma_start3A_37 : memref<10112x16xf32, #tpu.memory_space<vmem_shared>>) offsets(%dma_start3A_34 : memref<128xi32, #tpu.memory_space<vmem>>) semaphore(%run_scoped3A : memref<!tpu.dma_semaphore, #tpu.memory_space<semaphore_mem>>) {add = true}
        %dma_wait3A = arith.constant 0 : i32
        %dma_wait3A_38 = tpu.memref_slice %arg6[%scan3A_30, %dma_wait3A] : memref<84x128xi32, #tpu.memory_space<vmem>> -> memref<1x128xi32, #tpu.memory_space<vmem>>
        %dma_wait3A_39 = tpu.memref_squeeze %dma_wait3A_38 : memref<1x128xi32, #tpu.memory_space<vmem>> -> memref<128xi32, #tpu.memory_space<vmem>>
        %dma_wait3A_40 = arith.constant 0 : i32
        %dma_wait3A_41 = arith.constant 0 : i32
        %dma_wait3A_42 = tpu.memref_slice %arg10[%dma_wait3A_40, %dma_wait3A_41] : memref<10112x16xf32, #tpu.memory_space<vmem_shared>> -> memref<10112x16xf32, #tpu.memory_space<vmem_shared>>
        tpu.wait_indirect_dma semaphore(%run_scoped3A : memref<!tpu.dma_semaphore, #tpu.memory_space<semaphore_mem>>) src(%arg8 : memref<128x16xf32, #tpu.memory_space<vmem>>) dst(%dma_wait3A_42 : memref<10112x16xf32, #tpu.memory_space<vmem_shared>>)
        tpu.yield
      }) : () -> ()
      %scan3A_32 = arith.constant 0 : i32
      scf.yield %scan3A_32 : i32
    }
    %scan3A_28 = arith.constant 84 : i32
    %barrier3A_29 = arith.constant 0 : index
    tpu.barrier barrier_id(%barrier3A_29)
    "tpu.region"() ({
      %run_scoped3A = tpu.sem_alloc : memref<!tpu.dma_semaphore, #tpu.memory_space<semaphore_mem>>
      %dma_start3A = arith.constant 0 : i32
      %dma_start3A_30 = tpu.memref_slice %arg10[%mul3A_21, %dma_start3A] : memref<10112x16xf32, #tpu.memory_space<vmem_shared>> -> memref<632x16xf32, #tpu.memory_space<vmem_shared>>
      %dma_start3A_31 = arith.constant 0 : i32
      %dma_start3A_32 = tpu.memref_slice %arg10[%mul3A_21, %dma_start3A_31] : memref<10112x16xf32, #tpu.memory_space<vmem_shared>> -> memref<632x16xf32, #tpu.memory_space<vmem_shared>>
      tpu.enqueue_dma source(%dma_start3A_32 : memref<632x16xf32, #tpu.memory_space<vmem_shared>>) target(%arg9 : memref<632x16xf32, #tpu.memory_space<vmem>>) target_semaphore(%run_scoped3A : memref<!tpu.dma_semaphore, #tpu.memory_space<semaphore_mem>>)
      %dma_wait3A = arith.constant 0 : i32
      %dma_wait3A_33 = tpu.memref_slice %arg10[%mul3A_21, %dma_wait3A] : memref<10112x16xf32, #tpu.memory_space<vmem_shared>> -> memref<632x16xf32, #tpu.memory_space<vmem_shared>>
      %dma_wait3A_34 = arith.constant 0 : i32
      %dma_wait3A_35 = tpu.memref_slice %arg10[%mul3A_21, %dma_wait3A_34] : memref<10112x16xf32, #tpu.memory_space<vmem_shared>> -> memref<632x16xf32, #tpu.memory_space<vmem_shared>>
      tpu.wait_dma2 semaphore(%run_scoped3A : memref<!tpu.dma_semaphore, #tpu.memory_space<semaphore_mem>>) src(%dma_wait3A_35 : memref<632x16xf32, #tpu.memory_space<vmem_shared>>) dst(%arg9 : memref<632x16xf32, #tpu.memory_space<vmem>>)
      tpu.yield
    }) : () -> ()
    "tpu.region"() ({
      %run_scoped3A = tpu.sem_alloc : memref<!tpu.dma_semaphore, #tpu.memory_space<semaphore_mem>>
      %dma_start3A = arith.constant 0 : i32
      %dma_start3A_30 = tpu.memref_slice %arg4[%arg0, %mul3A_21, %dma_start3A] : memref<2x10112x16xf32, #tpu.memory_space<hbm>> -> memref<1x632x16xf32, #tpu.memory_space<hbm>>
      %dma_start3A_31 = tpu.memref_squeeze %dma_start3A_30 : memref<1x632x16xf32, #tpu.memory_space<hbm>> -> memref<632x16xf32, #tpu.memory_space<hbm>>
      %dma_start3A_32 = arith.constant 0 : i32
      %dma_start3A_33 = tpu.memref_slice %arg4[%arg0, %mul3A_21, %dma_start3A_32] : memref<2x10112x16xf32, #tpu.memory_space<hbm>> -> memref<1x632x16xf32, #tpu.memory_space<hbm>>
      %dma_start3A_34 = tpu.memref_squeeze %dma_start3A_33 : memref<1x632x16xf32, #tpu.memory_space<hbm>> -> memref<632x16xf32, #tpu.memory_space<hbm>>
      tpu.enqueue_dma source(%arg9 : memref<632x16xf32, #tpu.memory_space<vmem>>) target(%dma_start3A_34 : memref<632x16xf32, #tpu.memory_space<hbm>>) target_semaphore(%run_scoped3A : memref<!tpu.dma_semaphore, #tpu.memory_space<semaphore_mem>>)
      %dma_wait3A = arith.constant 0 : i32
      %dma_wait3A_35 = tpu.memref_slice %arg4[%arg0, %mul3A_21, %dma_wait3A] : memref<2x10112x16xf32, #tpu.memory_space<hbm>> -> memref<1x632x16xf32, #tpu.memory_space<hbm>>
      %dma_wait3A_36 = tpu.memref_squeeze %dma_wait3A_35 : memref<1x632x16xf32, #tpu.memory_space<hbm>> -> memref<632x16xf32, #tpu.memory_space<hbm>>
      %dma_wait3A_37 = arith.constant 0 : i32
      %dma_wait3A_38 = tpu.memref_slice %arg4[%arg0, %mul3A_21, %dma_wait3A_37] : memref<2x10112x16xf32, #tpu.memory_space<hbm>> -> memref<1x632x16xf32, #tpu.memory_space<hbm>>
      %dma_wait3A_39 = tpu.memref_squeeze %dma_wait3A_38 : memref<1x632x16xf32, #tpu.memory_space<hbm>> -> memref<632x16xf32, #tpu.memory_space<hbm>>
      tpu.wait_dma2 semaphore(%run_scoped3A : memref<!tpu.dma_semaphore, #tpu.memory_space<semaphore_mem>>) src(%arg9 : memref<632x16xf32, #tpu.memory_space<vmem>>) dst(%dma_wait3A_39 : memref<632x16xf32, #tpu.memory_space<hbm>>)
      tpu.yield
    }) : () -> ()
    return
  }
}

#map = affine_map<(d0, d1) -> (0, 0)>
#map1 = affine_map<(d0, d1) -> (0, 0, 0)>
module attributes {stable_mosaic.version = 14 : i64} {
  func.func @pass_kernel(%arg0: i32, %arg1: i32, %arg2: memref<10112x64xf32, #tpu.memory_space<hbm>>, %arg3: memref<10112x64xf32, #tpu.memory_space<hbm>>, %arg4: memref<32x84x128xi32, #tpu.memory_space<hbm>>, %arg5: memref<32x84x128xi32, #tpu.memory_space<hbm>>, %arg6: memref<2x10112x64xf32, #tpu.memory_space<hbm>>, %arg7: memref<2x10112x64xf32, #tpu.memory_space<hbm>>, %arg8: memref<84x128xi32, #tpu.memory_space<vmem>>, %arg9: memref<84x128xi32, #tpu.memory_space<vmem>>, %arg10: memref<128x64xf32, #tpu.memory_space<vmem>>, %arg11: memref<128x64xf32, #tpu.memory_space<vmem>>, %arg12: memref<10112x64xf32, #tpu.memory_space<vmem_shared>>, %arg13: memref<!tpu.dma_semaphore, #tpu.memory_space<semaphore_mem>>, %arg14: memref<!tpu.dma_semaphore, #tpu.memory_space<semaphore_mem>>) attributes {dimension_semantics = [#tpu.dimension_semantics<core_parallel>, #tpu.dimension_semantics<subcore_parallel>], iteration_bounds = array<i64: 2, 16>, scalar_prefetch = 0 : i64, scratch_operands = 7 : i64, tpu.core_type = #tpu.core_type<sc_vector_subcore>, window_params = [{transform_indices = #map}, {transform_indices = #map}, {transform_indices = #map1}, {transform_indices = #map1}, {transform_indices = #map1}, {transform_indices = #map1}]} {
    %mul3A = arith.constant 2 : i32
    %mul3A_0 = arith.muli %arg1, %mul3A : i32
    %add3A = arith.addi %mul3A_0, %arg0 : i32
    "tpu.region"() ({
      %run_scoped3A = tpu.sem_alloc : memref<!tpu.dma_semaphore, #tpu.memory_space<semaphore_mem>>
      %dma_start3A_147 = arith.constant 0 : i32
      %dma_start3A_148 = arith.constant 0 : i32
      %dma_start3A_149 = tpu.memref_slice %arg4[%add3A, %dma_start3A_147, %dma_start3A_148] : memref<32x84x128xi32, #tpu.memory_space<hbm>> -> memref<1x84x128xi32, #tpu.memory_space<hbm>>
      %dma_start3A_150 = tpu.memref_squeeze %dma_start3A_149 : memref<1x84x128xi32, #tpu.memory_space<hbm>> -> memref<84x128xi32, #tpu.memory_space<hbm>>
      %dma_start3A_151 = arith.constant 0 : i32
      %dma_start3A_152 = arith.constant 0 : i32
      %dma_start3A_153 = tpu.memref_slice %arg4[%add3A, %dma_start3A_151, %dma_start3A_152] : memref<32x84x128xi32, #tpu.memory_space<hbm>> -> memref<1x84x128xi32, #tpu.memory_space<hbm>>
      %dma_start3A_154 = tpu.memref_squeeze %dma_start3A_153 : memref<1x84x128xi32, #tpu.memory_space<hbm>> -> memref<84x128xi32, #tpu.memory_space<hbm>>
      tpu.enqueue_dma source(%dma_start3A_154 : memref<84x128xi32, #tpu.memory_space<hbm>>) target(%arg8 : memref<84x128xi32, #tpu.memory_space<vmem>>) target_semaphore(%run_scoped3A : memref<!tpu.dma_semaphore, #tpu.memory_space<semaphore_mem>>)
      %dma_wait3A_155 = arith.constant 0 : i32
      %dma_wait3A_156 = arith.constant 0 : i32
      %dma_wait3A_157 = tpu.memref_slice %arg4[%add3A, %dma_wait3A_155, %dma_wait3A_156] : memref<32x84x128xi32, #tpu.memory_space<hbm>> -> memref<1x84x128xi32, #tpu.memory_space<hbm>>
      %dma_wait3A_158 = tpu.memref_squeeze %dma_wait3A_157 : memref<1x84x128xi32, #tpu.memory_space<hbm>> -> memref<84x128xi32, #tpu.memory_space<hbm>>
      %dma_wait3A_159 = arith.constant 0 : i32
      %dma_wait3A_160 = arith.constant 0 : i32
      %dma_wait3A_161 = tpu.memref_slice %arg4[%add3A, %dma_wait3A_159, %dma_wait3A_160] : memref<32x84x128xi32, #tpu.memory_space<hbm>> -> memref<1x84x128xi32, #tpu.memory_space<hbm>>
      %dma_wait3A_162 = tpu.memref_squeeze %dma_wait3A_161 : memref<1x84x128xi32, #tpu.memory_space<hbm>> -> memref<84x128xi32, #tpu.memory_space<hbm>>
      tpu.wait_dma2 semaphore(%run_scoped3A : memref<!tpu.dma_semaphore, #tpu.memory_space<semaphore_mem>>) src(%dma_wait3A_162 : memref<84x128xi32, #tpu.memory_space<hbm>>) dst(%arg8 : memref<84x128xi32, #tpu.memory_space<vmem>>)
      tpu.yield
    }) : () -> ()
    "tpu.region"() ({
      %run_scoped3A = tpu.sem_alloc : memref<!tpu.dma_semaphore, #tpu.memory_space<semaphore_mem>>
      %dma_start3A_147 = arith.constant 0 : i32
      %dma_start3A_148 = arith.constant 0 : i32
      %dma_start3A_149 = tpu.memref_slice %arg5[%add3A, %dma_start3A_147, %dma_start3A_148] : memref<32x84x128xi32, #tpu.memory_space<hbm>> -> memref<1x84x128xi32, #tpu.memory_space<hbm>>
      %dma_start3A_150 = tpu.memref_squeeze %dma_start3A_149 : memref<1x84x128xi32, #tpu.memory_space<hbm>> -> memref<84x128xi32, #tpu.memory_space<hbm>>
      %dma_start3A_151 = arith.constant 0 : i32
      %dma_start3A_152 = arith.constant 0 : i32
      %dma_start3A_153 = tpu.memref_slice %arg5[%add3A, %dma_start3A_151, %dma_start3A_152] : memref<32x84x128xi32, #tpu.memory_space<hbm>> -> memref<1x84x128xi32, #tpu.memory_space<hbm>>
      %dma_start3A_154 = tpu.memref_squeeze %dma_start3A_153 : memref<1x84x128xi32, #tpu.memory_space<hbm>> -> memref<84x128xi32, #tpu.memory_space<hbm>>
      tpu.enqueue_dma source(%dma_start3A_154 : memref<84x128xi32, #tpu.memory_space<hbm>>) target(%arg9 : memref<84x128xi32, #tpu.memory_space<vmem>>) target_semaphore(%run_scoped3A : memref<!tpu.dma_semaphore, #tpu.memory_space<semaphore_mem>>)
      %dma_wait3A_155 = arith.constant 0 : i32
      %dma_wait3A_156 = arith.constant 0 : i32
      %dma_wait3A_157 = tpu.memref_slice %arg5[%add3A, %dma_wait3A_155, %dma_wait3A_156] : memref<32x84x128xi32, #tpu.memory_space<hbm>> -> memref<1x84x128xi32, #tpu.memory_space<hbm>>
      %dma_wait3A_158 = tpu.memref_squeeze %dma_wait3A_157 : memref<1x84x128xi32, #tpu.memory_space<hbm>> -> memref<84x128xi32, #tpu.memory_space<hbm>>
      %dma_wait3A_159 = arith.constant 0 : i32
      %dma_wait3A_160 = arith.constant 0 : i32
      %dma_wait3A_161 = tpu.memref_slice %arg5[%add3A, %dma_wait3A_159, %dma_wait3A_160] : memref<32x84x128xi32, #tpu.memory_space<hbm>> -> memref<1x84x128xi32, #tpu.memory_space<hbm>>
      %dma_wait3A_162 = tpu.memref_squeeze %dma_wait3A_161 : memref<1x84x128xi32, #tpu.memory_space<hbm>> -> memref<84x128xi32, #tpu.memory_space<hbm>>
      tpu.wait_dma2 semaphore(%run_scoped3A : memref<!tpu.dma_semaphore, #tpu.memory_space<semaphore_mem>>) src(%dma_wait3A_162 : memref<84x128xi32, #tpu.memory_space<hbm>>) dst(%arg9 : memref<84x128xi32, #tpu.memory_space<vmem>>)
      tpu.yield
    }) : () -> ()
    %mul3A_1 = arith.constant 632 : i32
    %mul3A_2 = arith.muli %arg1, %mul3A_1 : i32
    %scan3A = arith.constant 0 : i32
    %scan3A_3 = arith.constant 0 : i32
    %scan3A_4 = arith.constant 128 : i32
    %scan3A_5 = arith.addi %scan3A_3, %scan3A_4 : i32
    %scan3A_6 = arith.constant 1 : i32
    %scan3A_7 = scf.for %scan3A_147 = %scan3A_3 to %scan3A_5 step %scan3A_6 iter_args(%scan3A_148 = %scan3A) -> (i32)  : i32 {
      %broadcast_in_dim3A = arith.constant 0.000000e+00 : f32
      %broadcast_in_dim3A_149 = vector.broadcast %broadcast_in_dim3A : f32 to vector<16xf32>
      %swap3A = arith.index_cast %scan3A_147 : i32 to index
      %swap3A_150 = arith.constant 0 : index
      %swap3A_151 = tpu.vector_load %arg10[%swap3A, %swap3A_150] {strides = array<i32>} : memref<128x64xf32, #tpu.memory_space<vmem>>, vector<1x16xf32>,
      %swap3A_152 = vector.shape_cast %swap3A_151 : vector<1x16xf32> to vector<16xf32>
      %swap3A_153 = vector.shape_cast %broadcast_in_dim3A_149 : vector<16xf32> to vector<1x16xf32>
      tpu.vector_store %arg10[%swap3A, %swap3A_150], %swap3A_153 {strides = array<i32>} : memref<128x64xf32, #tpu.memory_space<vmem>>, vector<1x16xf32>,
      %broadcast_in_dim3A_154 = arith.constant 0.000000e+00 : f32
      %broadcast_in_dim3A_155 = vector.broadcast %broadcast_in_dim3A_154 : f32 to vector<16xf32>
      %swap3A_156 = arith.index_cast %scan3A_147 : i32 to index
      %swap3A_157 = arith.constant 16 : index
      %swap3A_158 = tpu.vector_load %arg10[%swap3A_156, %swap3A_157] {strides = array<i32>} : memref<128x64xf32, #tpu.memory_space<vmem>>, vector<1x16xf32>,
      %swap3A_159 = vector.shape_cast %swap3A_158 : vector<1x16xf32> to vector<16xf32>
      %swap3A_160 = vector.shape_cast %broadcast_in_dim3A_155 : vector<16xf32> to vector<1x16xf32>
      tpu.vector_store %arg10[%swap3A_156, %swap3A_157], %swap3A_160 {strides = array<i32>} : memref<128x64xf32, #tpu.memory_space<vmem>>, vector<1x16xf32>,
      %broadcast_in_dim3A_161 = arith.constant 0.000000e+00 : f32
      %broadcast_in_dim3A_162 = vector.broadcast %broadcast_in_dim3A_161 : f32 to vector<16xf32>
      %swap3A_163 = arith.index_cast %scan3A_147 : i32 to index
      %swap3A_164 = arith.constant 32 : index
      %swap3A_165 = tpu.vector_load %arg10[%swap3A_163, %swap3A_164] {strides = array<i32>} : memref<128x64xf32, #tpu.memory_space<vmem>>, vector<1x16xf32>,
      %swap3A_166 = vector.shape_cast %swap3A_165 : vector<1x16xf32> to vector<16xf32>
      %swap3A_167 = vector.shape_cast %broadcast_in_dim3A_162 : vector<16xf32> to vector<1x16xf32>
      tpu.vector_store %arg10[%swap3A_163, %swap3A_164], %swap3A_167 {strides = array<i32>} : memref<128x64xf32, #tpu.memory_space<vmem>>, vector<1x16xf32>,
      %broadcast_in_dim3A_168 = arith.constant 0.000000e+00 : f32
      %broadcast_in_dim3A_169 = vector.broadcast %broadcast_in_dim3A_168 : f32 to vector<16xf32>
      %swap3A_170 = arith.index_cast %scan3A_147 : i32 to index
      %swap3A_171 = arith.constant 48 : index
      %swap3A_172 = tpu.vector_load %arg10[%swap3A_170, %swap3A_171] {strides = array<i32>} : memref<128x64xf32, #tpu.memory_space<vmem>>, vector<1x16xf32>,
      %swap3A_173 = vector.shape_cast %swap3A_172 : vector<1x16xf32> to vector<16xf32>
      %swap3A_174 = vector.shape_cast %broadcast_in_dim3A_169 : vector<16xf32> to vector<1x16xf32>
      tpu.vector_store %arg10[%swap3A_170, %swap3A_171], %swap3A_174 {strides = array<i32>} : memref<128x64xf32, #tpu.memory_space<vmem>>, vector<1x16xf32>,
      %scan3A_175 = arith.constant 0 : i32
      scf.yield %scan3A_175 : i32
    }
    %scan3A_8 = arith.constant 128 : i32
    %add3A_9 = arith.constant 0 : i32
    %add3A_10 = arith.addi %mul3A_2, %add3A_9 : i32
    "tpu.region"() ({
      %run_scoped3A = tpu.sem_alloc : memref<!tpu.dma_semaphore, #tpu.memory_space<semaphore_mem>>
      %dma_start3A_147 = arith.constant 0 : i32
      %dma_start3A_148 = arith.constant 0 : i32
      %dma_start3A_149 = tpu.memref_slice %arg10[%dma_start3A_147, %dma_start3A_148] : memref<128x64xf32, #tpu.memory_space<vmem>> -> memref<128x64xf32, #tpu.memory_space<vmem>>
      %dma_start3A_150 = arith.constant 0 : i32
      %dma_start3A_151 = tpu.memref_slice %arg12[%add3A_10, %dma_start3A_150] : memref<10112x64xf32, #tpu.memory_space<vmem_shared>> -> memref<128x64xf32, #tpu.memory_space<vmem_shared>>
      %dma_start3A_152 = arith.constant 0 : i32
      %dma_start3A_153 = tpu.memref_slice %arg12[%add3A_10, %dma_start3A_152] : memref<10112x64xf32, #tpu.memory_space<vmem_shared>> -> memref<128x64xf32, #tpu.memory_space<vmem_shared>>
      %dma_start3A_154 = arith.constant 0 : i32
      %dma_start3A_155 = arith.constant 0 : i32
      %dma_start3A_156 = tpu.memref_slice %arg10[%dma_start3A_154, %dma_start3A_155] : memref<128x64xf32, #tpu.memory_space<vmem>> -> memref<128x64xf32, #tpu.memory_space<vmem>>
      tpu.enqueue_dma source(%dma_start3A_156 : memref<128x64xf32, #tpu.memory_space<vmem>>) target(%dma_start3A_153 : memref<128x64xf32, #tpu.memory_space<vmem_shared>>) target_semaphore(%run_scoped3A : memref<!tpu.dma_semaphore, #tpu.memory_space<semaphore_mem>>)
      %dma_wait3A_157 = arith.constant 0 : i32
      %dma_wait3A_158 = arith.constant 0 : i32
      %dma_wait3A_159 = tpu.memref_slice %arg10[%dma_wait3A_157, %dma_wait3A_158] : memref<128x64xf32, #tpu.memory_space<vmem>> -> memref<128x64xf32, #tpu.memory_space<vmem>>
      %dma_wait3A_160 = arith.constant 0 : i32
      %dma_wait3A_161 = tpu.memref_slice %arg12[%add3A_10, %dma_wait3A_160] : memref<10112x64xf32, #tpu.memory_space<vmem_shared>> -> memref<128x64xf32, #tpu.memory_space<vmem_shared>>
      %dma_wait3A_162 = arith.constant 0 : i32
      %dma_wait3A_163 = tpu.memref_slice %arg12[%add3A_10, %dma_wait3A_162] : memref<10112x64xf32, #tpu.memory_space<vmem_shared>> -> memref<128x64xf32, #tpu.memory_space<vmem_shared>>
      %dma_wait3A_164 = arith.constant 0 : i32
      %dma_wait3A_165 = arith.constant 0 : i32
      %dma_wait3A_166 = tpu.memref_slice %arg10[%dma_wait3A_164, %dma_wait3A_165] : memref<128x64xf32, #tpu.memory_space<vmem>> -> memref<128x64xf32, #tpu.memory_space<vmem>>
      tpu.wait_dma2 semaphore(%run_scoped3A : memref<!tpu.dma_semaphore, #tpu.memory_space<semaphore_mem>>) src(%dma_wait3A_166 : memref<128x64xf32, #tpu.memory_space<vmem>>) dst(%dma_wait3A_163 : memref<128x64xf32, #tpu.memory_space<vmem_shared>>)
      tpu.yield
    }) : () -> ()
    %add3A_11 = arith.constant 128 : i32
    %add3A_12 = arith.addi %mul3A_2, %add3A_11 : i32
    "tpu.region"() ({
      %run_scoped3A = tpu.sem_alloc : memref<!tpu.dma_semaphore, #tpu.memory_space<semaphore_mem>>
      %dma_start3A_147 = arith.constant 0 : i32
      %dma_start3A_148 = arith.constant 0 : i32
      %dma_start3A_149 = tpu.memref_slice %arg10[%dma_start3A_147, %dma_start3A_148] : memref<128x64xf32, #tpu.memory_space<vmem>> -> memref<128x64xf32, #tpu.memory_space<vmem>>
      %dma_start3A_150 = arith.constant 0 : i32
      %dma_start3A_151 = tpu.memref_slice %arg12[%add3A_12, %dma_start3A_150] : memref<10112x64xf32, #tpu.memory_space<vmem_shared>> -> memref<128x64xf32, #tpu.memory_space<vmem_shared>>
      %dma_start3A_152 = arith.constant 0 : i32
      %dma_start3A_153 = tpu.memref_slice %arg12[%add3A_12, %dma_start3A_152] : memref<10112x64xf32, #tpu.memory_space<vmem_shared>> -> memref<128x64xf32, #tpu.memory_space<vmem_shared>>
      %dma_start3A_154 = arith.constant 0 : i32
      %dma_start3A_155 = arith.constant 0 : i32
      %dma_start3A_156 = tpu.memref_slice %arg10[%dma_start3A_154, %dma_start3A_155] : memref<128x64xf32, #tpu.memory_space<vmem>> -> memref<128x64xf32, #tpu.memory_space<vmem>>
      tpu.enqueue_dma source(%dma_start3A_156 : memref<128x64xf32, #tpu.memory_space<vmem>>) target(%dma_start3A_153 : memref<128x64xf32, #tpu.memory_space<vmem_shared>>) target_semaphore(%run_scoped3A : memref<!tpu.dma_semaphore, #tpu.memory_space<semaphore_mem>>)
      %dma_wait3A_157 = arith.constant 0 : i32
      %dma_wait3A_158 = arith.constant 0 : i32
      %dma_wait3A_159 = tpu.memref_slice %arg10[%dma_wait3A_157, %dma_wait3A_158] : memref<128x64xf32, #tpu.memory_space<vmem>> -> memref<128x64xf32, #tpu.memory_space<vmem>>
      %dma_wait3A_160 = arith.constant 0 : i32
      %dma_wait3A_161 = tpu.memref_slice %arg12[%add3A_12, %dma_wait3A_160] : memref<10112x64xf32, #tpu.memory_space<vmem_shared>> -> memref<128x64xf32, #tpu.memory_space<vmem_shared>>
      %dma_wait3A_162 = arith.constant 0 : i32
      %dma_wait3A_163 = tpu.memref_slice %arg12[%add3A_12, %dma_wait3A_162] : memref<10112x64xf32, #tpu.memory_space<vmem_shared>> -> memref<128x64xf32, #tpu.memory_space<vmem_shared>>
      %dma_wait3A_164 = arith.constant 0 : i32
      %dma_wait3A_165 = arith.constant 0 : i32
      %dma_wait3A_166 = tpu.memref_slice %arg10[%dma_wait3A_164, %dma_wait3A_165] : memref<128x64xf32, #tpu.memory_space<vmem>> -> memref<128x64xf32, #tpu.memory_space<vmem>>
      tpu.wait_dma2 semaphore(%run_scoped3A : memref<!tpu.dma_semaphore, #tpu.memory_space<semaphore_mem>>) src(%dma_wait3A_166 : memref<128x64xf32, #tpu.memory_space<vmem>>) dst(%dma_wait3A_163 : memref<128x64xf32, #tpu.memory_space<vmem_shared>>)
      tpu.yield
    }) : () -> ()
    %add3A_13 = arith.constant 256 : i32
    %add3A_14 = arith.addi %mul3A_2, %add3A_13 : i32
    "tpu.region"() ({
      %run_scoped3A = tpu.sem_alloc : memref<!tpu.dma_semaphore, #tpu.memory_space<semaphore_mem>>
      %dma_start3A_147 = arith.constant 0 : i32
      %dma_start3A_148 = arith.constant 0 : i32
      %dma_start3A_149 = tpu.memref_slice %arg10[%dma_start3A_147, %dma_start3A_148] : memref<128x64xf32, #tpu.memory_space<vmem>> -> memref<128x64xf32, #tpu.memory_space<vmem>>
      %dma_start3A_150 = arith.constant 0 : i32
      %dma_start3A_151 = tpu.memref_slice %arg12[%add3A_14, %dma_start3A_150] : memref<10112x64xf32, #tpu.memory_space<vmem_shared>> -> memref<128x64xf32, #tpu.memory_space<vmem_shared>>
      %dma_start3A_152 = arith.constant 0 : i32
      %dma_start3A_153 = tpu.memref_slice %arg12[%add3A_14, %dma_start3A_152] : memref<10112x64xf32, #tpu.memory_space<vmem_shared>> -> memref<128x64xf32, #tpu.memory_space<vmem_shared>>
      %dma_start3A_154 = arith.constant 0 : i32
      %dma_start3A_155 = arith.constant 0 : i32
      %dma_start3A_156 = tpu.memref_slice %arg10[%dma_start3A_154, %dma_start3A_155] : memref<128x64xf32, #tpu.memory_space<vmem>> -> memref<128x64xf32, #tpu.memory_space<vmem>>
      tpu.enqueue_dma source(%dma_start3A_156 : memref<128x64xf32, #tpu.memory_space<vmem>>) target(%dma_start3A_153 : memref<128x64xf32, #tpu.memory_space<vmem_shared>>) target_semaphore(%run_scoped3A : memref<!tpu.dma_semaphore, #tpu.memory_space<semaphore_mem>>)
      %dma_wait3A_157 = arith.constant 0 : i32
      %dma_wait3A_158 = arith.constant 0 : i32
      %dma_wait3A_159 = tpu.memref_slice %arg10[%dma_wait3A_157, %dma_wait3A_158] : memref<128x64xf32, #tpu.memory_space<vmem>> -> memref<128x64xf32, #tpu.memory_space<vmem>>
      %dma_wait3A_160 = arith.constant 0 : i32
      %dma_wait3A_161 = tpu.memref_slice %arg12[%add3A_14, %dma_wait3A_160] : memref<10112x64xf32, #tpu.memory_space<vmem_shared>> -> memref<128x64xf32, #tpu.memory_space<vmem_shared>>
      %dma_wait3A_162 = arith.constant 0 : i32
      %dma_wait3A_163 = tpu.memref_slice %arg12[%add3A_14, %dma_wait3A_162] : memref<10112x64xf32, #tpu.memory_space<vmem_shared>> -> memref<128x64xf32, #tpu.memory_space<vmem_shared>>
      %dma_wait3A_164 = arith.constant 0 : i32
      %dma_wait3A_165 = arith.constant 0 : i32
      %dma_wait3A_166 = tpu.memref_slice %arg10[%dma_wait3A_164, %dma_wait3A_165] : memref<128x64xf32, #tpu.memory_space<vmem>> -> memref<128x64xf32, #tpu.memory_space<vmem>>
      tpu.wait_dma2 semaphore(%run_scoped3A : memref<!tpu.dma_semaphore, #tpu.memory_space<semaphore_mem>>) src(%dma_wait3A_166 : memref<128x64xf32, #tpu.memory_space<vmem>>) dst(%dma_wait3A_163 : memref<128x64xf32, #tpu.memory_space<vmem_shared>>)
      tpu.yield
    }) : () -> ()
    %add3A_15 = arith.constant 384 : i32
    %add3A_16 = arith.addi %mul3A_2, %add3A_15 : i32
    "tpu.region"() ({
      %run_scoped3A = tpu.sem_alloc : memref<!tpu.dma_semaphore, #tpu.memory_space<semaphore_mem>>
      %dma_start3A_147 = arith.constant 0 : i32
      %dma_start3A_148 = arith.constant 0 : i32
      %dma_start3A_149 = tpu.memref_slice %arg10[%dma_start3A_147, %dma_start3A_148] : memref<128x64xf32, #tpu.memory_space<vmem>> -> memref<128x64xf32, #tpu.memory_space<vmem>>
      %dma_start3A_150 = arith.constant 0 : i32
      %dma_start3A_151 = tpu.memref_slice %arg12[%add3A_16, %dma_start3A_150] : memref<10112x64xf32, #tpu.memory_space<vmem_shared>> -> memref<128x64xf32, #tpu.memory_space<vmem_shared>>
      %dma_start3A_152 = arith.constant 0 : i32
      %dma_start3A_153 = tpu.memref_slice %arg12[%add3A_16, %dma_start3A_152] : memref<10112x64xf32, #tpu.memory_space<vmem_shared>> -> memref<128x64xf32, #tpu.memory_space<vmem_shared>>
      %dma_start3A_154 = arith.constant 0 : i32
      %dma_start3A_155 = arith.constant 0 : i32
      %dma_start3A_156 = tpu.memref_slice %arg10[%dma_start3A_154, %dma_start3A_155] : memref<128x64xf32, #tpu.memory_space<vmem>> -> memref<128x64xf32, #tpu.memory_space<vmem>>
      tpu.enqueue_dma source(%dma_start3A_156 : memref<128x64xf32, #tpu.memory_space<vmem>>) target(%dma_start3A_153 : memref<128x64xf32, #tpu.memory_space<vmem_shared>>) target_semaphore(%run_scoped3A : memref<!tpu.dma_semaphore, #tpu.memory_space<semaphore_mem>>)
      %dma_wait3A_157 = arith.constant 0 : i32
      %dma_wait3A_158 = arith.constant 0 : i32
      %dma_wait3A_159 = tpu.memref_slice %arg10[%dma_wait3A_157, %dma_wait3A_158] : memref<128x64xf32, #tpu.memory_space<vmem>> -> memref<128x64xf32, #tpu.memory_space<vmem>>
      %dma_wait3A_160 = arith.constant 0 : i32
      %dma_wait3A_161 = tpu.memref_slice %arg12[%add3A_16, %dma_wait3A_160] : memref<10112x64xf32, #tpu.memory_space<vmem_shared>> -> memref<128x64xf32, #tpu.memory_space<vmem_shared>>
      %dma_wait3A_162 = arith.constant 0 : i32
      %dma_wait3A_163 = tpu.memref_slice %arg12[%add3A_16, %dma_wait3A_162] : memref<10112x64xf32, #tpu.memory_space<vmem_shared>> -> memref<128x64xf32, #tpu.memory_space<vmem_shared>>
      %dma_wait3A_164 = arith.constant 0 : i32
      %dma_wait3A_165 = arith.constant 0 : i32
      %dma_wait3A_166 = tpu.memref_slice %arg10[%dma_wait3A_164, %dma_wait3A_165] : memref<128x64xf32, #tpu.memory_space<vmem>> -> memref<128x64xf32, #tpu.memory_space<vmem>>
      tpu.wait_dma2 semaphore(%run_scoped3A : memref<!tpu.dma_semaphore, #tpu.memory_space<semaphore_mem>>) src(%dma_wait3A_166 : memref<128x64xf32, #tpu.memory_space<vmem>>) dst(%dma_wait3A_163 : memref<128x64xf32, #tpu.memory_space<vmem_shared>>)
      tpu.yield
    }) : () -> ()
    %add3A_17 = arith.constant 512 : i32
    %add3A_18 = arith.addi %mul3A_2, %add3A_17 : i32
    "tpu.region"() ({
      %run_scoped3A = tpu.sem_alloc : memref<!tpu.dma_semaphore, #tpu.memory_space<semaphore_mem>>
      %dma_start3A_147 = arith.constant 0 : i32
      %dma_start3A_148 = arith.constant 0 : i32
      %dma_start3A_149 = tpu.memref_slice %arg10[%dma_start3A_147, %dma_start3A_148] : memref<128x64xf32, #tpu.memory_space<vmem>> -> memref<120x64xf32, #tpu.memory_space<vmem>>
      %dma_start3A_150 = arith.constant 0 : i32
      %dma_start3A_151 = tpu.memref_slice %arg12[%add3A_18, %dma_start3A_150] : memref<10112x64xf32, #tpu.memory_space<vmem_shared>> -> memref<120x64xf32, #tpu.memory_space<vmem_shared>>
      %dma_start3A_152 = arith.constant 0 : i32
      %dma_start3A_153 = tpu.memref_slice %arg12[%add3A_18, %dma_start3A_152] : memref<10112x64xf32, #tpu.memory_space<vmem_shared>> -> memref<120x64xf32, #tpu.memory_space<vmem_shared>>
      %dma_start3A_154 = arith.constant 0 : i32
      %dma_start3A_155 = arith.constant 0 : i32
      %dma_start3A_156 = tpu.memref_slice %arg10[%dma_start3A_154, %dma_start3A_155] : memref<128x64xf32, #tpu.memory_space<vmem>> -> memref<120x64xf32, #tpu.memory_space<vmem>>
      tpu.enqueue_dma source(%dma_start3A_156 : memref<120x64xf32, #tpu.memory_space<vmem>>) target(%dma_start3A_153 : memref<120x64xf32, #tpu.memory_space<vmem_shared>>) target_semaphore(%run_scoped3A : memref<!tpu.dma_semaphore, #tpu.memory_space<semaphore_mem>>)
      %dma_wait3A_157 = arith.constant 0 : i32
      %dma_wait3A_158 = arith.constant 0 : i32
      %dma_wait3A_159 = tpu.memref_slice %arg10[%dma_wait3A_157, %dma_wait3A_158] : memref<128x64xf32, #tpu.memory_space<vmem>> -> memref<120x64xf32, #tpu.memory_space<vmem>>
      %dma_wait3A_160 = arith.constant 0 : i32
      %dma_wait3A_161 = tpu.memref_slice %arg12[%add3A_18, %dma_wait3A_160] : memref<10112x64xf32, #tpu.memory_space<vmem_shared>> -> memref<120x64xf32, #tpu.memory_space<vmem_shared>>
      %dma_wait3A_162 = arith.constant 0 : i32
      %dma_wait3A_163 = tpu.memref_slice %arg12[%add3A_18, %dma_wait3A_162] : memref<10112x64xf32, #tpu.memory_space<vmem_shared>> -> memref<120x64xf32, #tpu.memory_space<vmem_shared>>
      %dma_wait3A_164 = arith.constant 0 : i32
      %dma_wait3A_165 = arith.constant 0 : i32
      %dma_wait3A_166 = tpu.memref_slice %arg10[%dma_wait3A_164, %dma_wait3A_165] : memref<128x64xf32, #tpu.memory_space<vmem>> -> memref<120x64xf32, #tpu.memory_space<vmem>>
      tpu.wait_dma2 semaphore(%run_scoped3A : memref<!tpu.dma_semaphore, #tpu.memory_space<semaphore_mem>>) src(%dma_wait3A_166 : memref<120x64xf32, #tpu.memory_space<vmem>>) dst(%dma_wait3A_163 : memref<120x64xf32, #tpu.memory_space<vmem_shared>>)
      tpu.yield
    }) : () -> ()
    %barrier3A = arith.constant 0 : index
    tpu.barrier barrier_id(%barrier3A)
    %dma_start3A = arith.constant 0 : i32
    %dma_start3A_19 = arith.constant 0 : i32
    %dma_start3A_20 = tpu.memref_slice %arg8[%dma_start3A, %dma_start3A_19] : memref<84x128xi32, #tpu.memory_space<vmem>> -> memref<1x128xi32, #tpu.memory_space<vmem>>
    %dma_start3A_21 = tpu.memref_squeeze %dma_start3A_20 : memref<1x128xi32, #tpu.memory_space<vmem>> -> memref<128xi32, #tpu.memory_space<vmem>>
    %dma_start3A_22 = arith.constant 0 : i32
    %dma_start3A_23 = arith.constant 0 : i32
    %dma_start3A_24 = tpu.memref_slice %arg2[%dma_start3A_22, %dma_start3A_23] : memref<10112x64xf32, #tpu.memory_space<hbm>> -> memref<10112x64xf32, #tpu.memory_space<hbm>>
    tpu.enqueue_indirect_dma source(%dma_start3A_24 : memref<10112x64xf32, #tpu.memory_space<hbm>>) target(%arg10 : memref<128x64xf32, #tpu.memory_space<vmem>>) offsets(%dma_start3A_21 : memref<128xi32, #tpu.memory_space<vmem>>) semaphore(%arg13 : memref<!tpu.dma_semaphore, #tpu.memory_space<semaphore_mem>>)
    %dma_start3A_25 = arith.constant 1 : i32
    %dma_start3A_26 = arith.constant 0 : i32
    %dma_start3A_27 = tpu.memref_slice %arg8[%dma_start3A_25, %dma_start3A_26] : memref<84x128xi32, #tpu.memory_space<vmem>> -> memref<1x128xi32, #tpu.memory_space<vmem>>
    %dma_start3A_28 = tpu.memref_squeeze %dma_start3A_27 : memref<1x128xi32, #tpu.memory_space<vmem>> -> memref<128xi32, #tpu.memory_space<vmem>>
    %dma_start3A_29 = arith.constant 0 : i32
    %dma_start3A_30 = arith.constant 0 : i32
    %dma_start3A_31 = tpu.memref_slice %arg2[%dma_start3A_29, %dma_start3A_30] : memref<10112x64xf32, #tpu.memory_space<hbm>> -> memref<10112x64xf32, #tpu.memory_space<hbm>>
    tpu.enqueue_indirect_dma source(%dma_start3A_31 : memref<10112x64xf32, #tpu.memory_space<hbm>>) target(%arg11 : memref<128x64xf32, #tpu.memory_space<vmem>>) offsets(%dma_start3A_28 : memref<128xi32, #tpu.memory_space<vmem>>) semaphore(%arg14 : memref<!tpu.dma_semaphore, #tpu.memory_space<semaphore_mem>>)
    %scan3A_32 = arith.constant 0 : i32
    %scan3A_33 = arith.constant 0 : i32
    %scan3A_34 = arith.constant 41 : i32
    %scan3A_35 = arith.addi %scan3A_33, %scan3A_34 : i32
    %scan3A_36 = arith.constant 1 : i32
    %scan3A_37 = scf.for %scan3A_147 = %scan3A_33 to %scan3A_35 step %scan3A_36 iter_args(%scan3A_148 = %scan3A_32) -> (i32)  : i32 {
      %mul3A_149 = arith.constant 2 : i32
      %mul3A_150 = arith.muli %mul3A_149, %scan3A_147 : i32
      %add3A_151 = arith.constant 1 : i32
      %add3A_152 = arith.addi %mul3A_150, %add3A_151 : i32
      %dma_wait3A_153 = arith.constant 0 : i32
      %dma_wait3A_154 = tpu.memref_slice %arg8[%mul3A_150, %dma_wait3A_153] : memref<84x128xi32, #tpu.memory_space<vmem>> -> memref<1x128xi32, #tpu.memory_space<vmem>>
      %dma_wait3A_155 = tpu.memref_squeeze %dma_wait3A_154 : memref<1x128xi32, #tpu.memory_space<vmem>> -> memref<128xi32, #tpu.memory_space<vmem>>
      %dma_wait3A_156 = arith.constant 0 : i32
      %dma_wait3A_157 = arith.constant 0 : i32
      %dma_wait3A_158 = tpu.memref_slice %arg2[%dma_wait3A_156, %dma_wait3A_157] : memref<10112x64xf32, #tpu.memory_space<hbm>> -> memref<10112x64xf32, #tpu.memory_space<hbm>>
      tpu.wait_indirect_dma semaphore(%arg13 : memref<!tpu.dma_semaphore, #tpu.memory_space<semaphore_mem>>) src(%dma_wait3A_158 : memref<10112x64xf32, #tpu.memory_space<hbm>>) dst(%arg10 : memref<128x64xf32, #tpu.memory_space<vmem>>)
      "tpu.region"() ({
        %run_scoped3A = tpu.sem_alloc : memref<!tpu.dma_semaphore, #tpu.memory_space<semaphore_mem>>
        %dma_start3A_182 = arith.constant 0 : i32
        %dma_start3A_183 = tpu.memref_slice %arg9[%mul3A_150, %dma_start3A_182] : memref<84x128xi32, #tpu.memory_space<vmem>> -> memref<1x128xi32, #tpu.memory_space<vmem>>
        %dma_start3A_184 = tpu.memref_squeeze %dma_start3A_183 : memref<1x128xi32, #tpu.memory_space<vmem>> -> memref<128xi32, #tpu.memory_space<vmem>>
        %dma_start3A_185 = arith.constant 0 : i32
        %dma_start3A_186 = arith.constant 0 : i32
        %dma_start3A_187 = tpu.memref_slice %arg12[%dma_start3A_185, %dma_start3A_186] : memref<10112x64xf32, #tpu.memory_space<vmem_shared>> -> memref<10112x64xf32, #tpu.memory_space<vmem_shared>>
        tpu.enqueue_indirect_dma source(%arg10 : memref<128x64xf32, #tpu.memory_space<vmem>>) target(%dma_start3A_187 : memref<10112x64xf32, #tpu.memory_space<vmem_shared>>) offsets(%dma_start3A_184 : memref<128xi32, #tpu.memory_space<vmem>>) semaphore(%run_scoped3A : memref<!tpu.dma_semaphore, #tpu.memory_space<semaphore_mem>>) {add = true}
        %dma_wait3A_188 = arith.constant 0 : i32
        %dma_wait3A_189 = tpu.memref_slice %arg9[%mul3A_150, %dma_wait3A_188] : memref<84x128xi32, #tpu.memory_space<vmem>> -> memref<1x128xi32, #tpu.memory_space<vmem>>
        %dma_wait3A_190 = tpu.memref_squeeze %dma_wait3A_189 : memref<1x128xi32, #tpu.memory_space<vmem>> -> memref<128xi32, #tpu.memory_space<vmem>>
        %dma_wait3A_191 = arith.constant 0 : i32
        %dma_wait3A_192 = arith.constant 0 : i32
        %dma_wait3A_193 = tpu.memref_slice %arg12[%dma_wait3A_191, %dma_wait3A_192] : memref<10112x64xf32, #tpu.memory_space<vmem_shared>> -> memref<10112x64xf32, #tpu.memory_space<vmem_shared>>
        tpu.wait_indirect_dma semaphore(%run_scoped3A : memref<!tpu.dma_semaphore, #tpu.memory_space<semaphore_mem>>) src(%arg10 : memref<128x64xf32, #tpu.memory_space<vmem>>) dst(%dma_wait3A_193 : memref<10112x64xf32, #tpu.memory_space<vmem_shared>>)
        tpu.yield
      }) : () -> ()
      %add3A_159 = arith.constant 2 : i32
      %add3A_160 = arith.addi %mul3A_150, %add3A_159 : i32
      %dma_start3A_161 = arith.constant 0 : i32
      %dma_start3A_162 = tpu.memref_slice %arg8[%add3A_160, %dma_start3A_161] : memref<84x128xi32, #tpu.memory_space<vmem>> -> memref<1x128xi32, #tpu.memory_space<vmem>>
      %dma_start3A_163 = tpu.memref_squeeze %dma_start3A_162 : memref<1x128xi32, #tpu.memory_space<vmem>> -> memref<128xi32, #tpu.memory_space<vmem>>
      %dma_start3A_164 = arith.constant 0 : i32
      %dma_start3A_165 = arith.constant 0 : i32
      %dma_start3A_166 = tpu.memref_slice %arg2[%dma_start3A_164, %dma_start3A_165] : memref<10112x64xf32, #tpu.memory_space<hbm>> -> memref<10112x64xf32, #tpu.memory_space<hbm>>
      tpu.enqueue_indirect_dma source(%dma_start3A_166 : memref<10112x64xf32, #tpu.memory_space<hbm>>) target(%arg10 : memref<128x64xf32, #tpu.memory_space<vmem>>) offsets(%dma_start3A_163 : memref<128xi32, #tpu.memory_space<vmem>>) semaphore(%arg13 : memref<!tpu.dma_semaphore, #tpu.memory_space<semaphore_mem>>)
      %dma_wait3A_167 = arith.constant 0 : i32
      %dma_wait3A_168 = tpu.memref_slice %arg8[%add3A_152, %dma_wait3A_167] : memref<84x128xi32, #tpu.memory_space<vmem>> -> memref<1x128xi32, #tpu.memory_space<vmem>>
      %dma_wait3A_169 = tpu.memref_squeeze %dma_wait3A_168 : memref<1x128xi32, #tpu.memory_space<vmem>> -> memref<128xi32, #tpu.memory_space<vmem>>
      %dma_wait3A_170 = arith.constant 0 : i32
      %dma_wait3A_171 = arith.constant 0 : i32
      %dma_wait3A_172 = tpu.memref_slice %arg2[%dma_wait3A_170, %dma_wait3A_171] : memref<10112x64xf32, #tpu.memory_space<hbm>> -> memref<10112x64xf32, #tpu.memory_space<hbm>>
      tpu.wait_indirect_dma semaphore(%arg14 : memref<!tpu.dma_semaphore, #tpu.memory_space<semaphore_mem>>) src(%dma_wait3A_172 : memref<10112x64xf32, #tpu.memory_space<hbm>>) dst(%arg11 : memref<128x64xf32, #tpu.memory_space<vmem>>)
      "tpu.region"() ({
        %run_scoped3A = tpu.sem_alloc : memref<!tpu.dma_semaphore, #tpu.memory_space<semaphore_mem>>
        %dma_start3A_182 = arith.constant 0 : i32
        %dma_start3A_183 = tpu.memref_slice %arg9[%add3A_152, %dma_start3A_182] : memref<84x128xi32, #tpu.memory_space<vmem>> -> memref<1x128xi32, #tpu.memory_space<vmem>>
        %dma_start3A_184 = tpu.memref_squeeze %dma_start3A_183 : memref<1x128xi32, #tpu.memory_space<vmem>> -> memref<128xi32, #tpu.memory_space<vmem>>
        %dma_start3A_185 = arith.constant 0 : i32
        %dma_start3A_186 = arith.constant 0 : i32
        %dma_start3A_187 = tpu.memref_slice %arg12[%dma_start3A_185, %dma_start3A_186] : memref<10112x64xf32, #tpu.memory_space<vmem_shared>> -> memref<10112x64xf32, #tpu.memory_space<vmem_shared>>
        tpu.enqueue_indirect_dma source(%arg11 : memref<128x64xf32, #tpu.memory_space<vmem>>) target(%dma_start3A_187 : memref<10112x64xf32, #tpu.memory_space<vmem_shared>>) offsets(%dma_start3A_184 : memref<128xi32, #tpu.memory_space<vmem>>) semaphore(%run_scoped3A : memref<!tpu.dma_semaphore, #tpu.memory_space<semaphore_mem>>) {add = true}
        %dma_wait3A_188 = arith.constant 0 : i32
        %dma_wait3A_189 = tpu.memref_slice %arg9[%add3A_152, %dma_wait3A_188] : memref<84x128xi32, #tpu.memory_space<vmem>> -> memref<1x128xi32, #tpu.memory_space<vmem>>
        %dma_wait3A_190 = tpu.memref_squeeze %dma_wait3A_189 : memref<1x128xi32, #tpu.memory_space<vmem>> -> memref<128xi32, #tpu.memory_space<vmem>>
        %dma_wait3A_191 = arith.constant 0 : i32
        %dma_wait3A_192 = arith.constant 0 : i32
        %dma_wait3A_193 = tpu.memref_slice %arg12[%dma_wait3A_191, %dma_wait3A_192] : memref<10112x64xf32, #tpu.memory_space<vmem_shared>> -> memref<10112x64xf32, #tpu.memory_space<vmem_shared>>
        tpu.wait_indirect_dma semaphore(%run_scoped3A : memref<!tpu.dma_semaphore, #tpu.memory_space<semaphore_mem>>) src(%arg11 : memref<128x64xf32, #tpu.memory_space<vmem>>) dst(%dma_wait3A_193 : memref<10112x64xf32, #tpu.memory_space<vmem_shared>>)
        tpu.yield
      }) : () -> ()
      %add3A_173 = arith.constant 2 : i32
      %add3A_174 = arith.addi %add3A_152, %add3A_173 : i32
      %dma_start3A_175 = arith.constant 0 : i32
      %dma_start3A_176 = tpu.memref_slice %arg8[%add3A_174, %dma_start3A_175] : memref<84x128xi32, #tpu.memory_space<vmem>> -> memref<1x128xi32, #tpu.memory_space<vmem>>
      %dma_start3A_177 = tpu.memref_squeeze %dma_start3A_176 : memref<1x128xi32, #tpu.memory_space<vmem>> -> memref<128xi32, #tpu.memory_space<vmem>>
      %dma_start3A_178 = arith.constant 0 : i32
      %dma_start3A_179 = arith.constant 0 : i32
      %dma_start3A_180 = tpu.memref_slice %arg2[%dma_start3A_178, %dma_start3A_179] : memref<10112x64xf32, #tpu.memory_space<hbm>> -> memref<10112x64xf32, #tpu.memory_space<hbm>>
      tpu.enqueue_indirect_dma source(%dma_start3A_180 : memref<10112x64xf32, #tpu.memory_space<hbm>>) target(%arg11 : memref<128x64xf32, #tpu.memory_space<vmem>>) offsets(%dma_start3A_177 : memref<128xi32, #tpu.memory_space<vmem>>) semaphore(%arg14 : memref<!tpu.dma_semaphore, #tpu.memory_space<semaphore_mem>>)
      %scan3A_181 = arith.constant 0 : i32
      scf.yield %scan3A_181 : i32
    }
    %scan3A_38 = arith.constant 41 : i32
    %dma_wait3A = arith.constant 82 : i32
    %dma_wait3A_39 = arith.constant 0 : i32
    %dma_wait3A_40 = tpu.memref_slice %arg8[%dma_wait3A, %dma_wait3A_39] : memref<84x128xi32, #tpu.memory_space<vmem>> -> memref<1x128xi32, #tpu.memory_space<vmem>>
    %dma_wait3A_41 = tpu.memref_squeeze %dma_wait3A_40 : memref<1x128xi32, #tpu.memory_space<vmem>> -> memref<128xi32, #tpu.memory_space<vmem>>
    %dma_wait3A_42 = arith.constant 0 : i32
    %dma_wait3A_43 = arith.constant 0 : i32
    %dma_wait3A_44 = tpu.memref_slice %arg2[%dma_wait3A_42, %dma_wait3A_43] : memref<10112x64xf32, #tpu.memory_space<hbm>> -> memref<10112x64xf32, #tpu.memory_space<hbm>>
    tpu.wait_indirect_dma semaphore(%arg13 : memref<!tpu.dma_semaphore, #tpu.memory_space<semaphore_mem>>) src(%dma_wait3A_44 : memref<10112x64xf32, #tpu.memory_space<hbm>>) dst(%arg10 : memref<128x64xf32, #tpu.memory_space<vmem>>)
    %dma_wait3A_45 = arith.constant 83 : i32
    %dma_wait3A_46 = arith.constant 0 : i32
    %dma_wait3A_47 = tpu.memref_slice %arg8[%dma_wait3A_45, %dma_wait3A_46] : memref<84x128xi32, #tpu.memory_space<vmem>> -> memref<1x128xi32, #tpu.memory_space<vmem>>
    %dma_wait3A_48 = tpu.memref_squeeze %dma_wait3A_47 : memref<1x128xi32, #tpu.memory_space<vmem>> -> memref<128xi32, #tpu.memory_space<vmem>>
    %dma_wait3A_49 = arith.constant 0 : i32
    %dma_wait3A_50 = arith.constant 0 : i32
    %dma_wait3A_51 = tpu.memref_slice %arg2[%dma_wait3A_49, %dma_wait3A_50] : memref<10112x64xf32, #tpu.memory_space<hbm>> -> memref<10112x64xf32, #tpu.memory_space<hbm>>
    tpu.wait_indirect_dma semaphore(%arg14 : memref<!tpu.dma_semaphore, #tpu.memory_space<semaphore_mem>>) src(%dma_wait3A_51 : memref<10112x64xf32, #tpu.memory_space<hbm>>) dst(%arg11 : memref<128x64xf32, #tpu.memory_space<vmem>>)
    %barrier3A_52 = arith.constant 0 : index
    tpu.barrier barrier_id(%barrier3A_52)
    %add3A_53 = arith.constant 0 : i32
    %add3A_54 = arith.addi %mul3A_2, %add3A_53 : i32
    "tpu.region"() ({
      %run_scoped3A = tpu.sem_alloc : memref<!tpu.dma_semaphore, #tpu.memory_space<semaphore_mem>>
      %dma_start3A_147 = arith.constant 0 : i32
      %dma_start3A_148 = arith.constant 0 : i32
      %dma_start3A_149 = tpu.memref_slice %arg10[%dma_start3A_147, %dma_start3A_148] : memref<128x64xf32, #tpu.memory_space<vmem>> -> memref<128x64xf32, #tpu.memory_space<vmem>>
      %dma_start3A_150 = arith.constant 0 : i32
      %dma_start3A_151 = tpu.memref_slice %arg12[%add3A_54, %dma_start3A_150] : memref<10112x64xf32, #tpu.memory_space<vmem_shared>> -> memref<128x64xf32, #tpu.memory_space<vmem_shared>>
      %dma_start3A_152 = arith.constant 0 : i32
      %dma_start3A_153 = arith.constant 0 : i32
      %dma_start3A_154 = tpu.memref_slice %arg10[%dma_start3A_152, %dma_start3A_153] : memref<128x64xf32, #tpu.memory_space<vmem>> -> memref<128x64xf32, #tpu.memory_space<vmem>>
      %dma_start3A_155 = arith.constant 0 : i32
      %dma_start3A_156 = tpu.memref_slice %arg12[%add3A_54, %dma_start3A_155] : memref<10112x64xf32, #tpu.memory_space<vmem_shared>> -> memref<128x64xf32, #tpu.memory_space<vmem_shared>>
      tpu.enqueue_dma source(%dma_start3A_156 : memref<128x64xf32, #tpu.memory_space<vmem_shared>>) target(%dma_start3A_154 : memref<128x64xf32, #tpu.memory_space<vmem>>) target_semaphore(%run_scoped3A : memref<!tpu.dma_semaphore, #tpu.memory_space<semaphore_mem>>)
      %dma_wait3A_157 = arith.constant 0 : i32
      %dma_wait3A_158 = arith.constant 0 : i32
      %dma_wait3A_159 = tpu.memref_slice %arg10[%dma_wait3A_157, %dma_wait3A_158] : memref<128x64xf32, #tpu.memory_space<vmem>> -> memref<128x64xf32, #tpu.memory_space<vmem>>
      %dma_wait3A_160 = arith.constant 0 : i32
      %dma_wait3A_161 = tpu.memref_slice %arg12[%add3A_54, %dma_wait3A_160] : memref<10112x64xf32, #tpu.memory_space<vmem_shared>> -> memref<128x64xf32, #tpu.memory_space<vmem_shared>>
      %dma_wait3A_162 = arith.constant 0 : i32
      %dma_wait3A_163 = arith.constant 0 : i32
      %dma_wait3A_164 = tpu.memref_slice %arg10[%dma_wait3A_162, %dma_wait3A_163] : memref<128x64xf32, #tpu.memory_space<vmem>> -> memref<128x64xf32, #tpu.memory_space<vmem>>
      %dma_wait3A_165 = arith.constant 0 : i32
      %dma_wait3A_166 = tpu.memref_slice %arg12[%add3A_54, %dma_wait3A_165] : memref<10112x64xf32, #tpu.memory_space<vmem_shared>> -> memref<128x64xf32, #tpu.memory_space<vmem_shared>>
      tpu.wait_dma2 semaphore(%run_scoped3A : memref<!tpu.dma_semaphore, #tpu.memory_space<semaphore_mem>>) src(%dma_wait3A_166 : memref<128x64xf32, #tpu.memory_space<vmem_shared>>) dst(%dma_wait3A_164 : memref<128x64xf32, #tpu.memory_space<vmem>>)
      tpu.yield
    }) : () -> ()
    %add3A_55 = arith.constant 0 : i32
    %add3A_56 = arith.addi %mul3A_2, %add3A_55 : i32
    "tpu.region"() ({
      %run_scoped3A = tpu.sem_alloc : memref<!tpu.dma_semaphore, #tpu.memory_space<semaphore_mem>>
      %dma_start3A_147 = arith.constant 0 : i32
      %dma_start3A_148 = arith.constant 0 : i32
      %dma_start3A_149 = tpu.memref_slice %arg10[%dma_start3A_147, %dma_start3A_148] : memref<128x64xf32, #tpu.memory_space<vmem>> -> memref<128x64xf32, #tpu.memory_space<vmem>>
      %dma_start3A_150 = arith.constant 0 : i32
      %dma_start3A_151 = tpu.memref_slice %arg6[%arg0, %add3A_56, %dma_start3A_150] : memref<2x10112x64xf32, #tpu.memory_space<hbm>> -> memref<1x128x64xf32, #tpu.memory_space<hbm>>
      %dma_start3A_152 = tpu.memref_squeeze %dma_start3A_151 : memref<1x128x64xf32, #tpu.memory_space<hbm>> -> memref<128x64xf32, #tpu.memory_space<hbm>>
      %dma_start3A_153 = arith.constant 0 : i32
      %dma_start3A_154 = tpu.memref_slice %arg6[%arg0, %add3A_56, %dma_start3A_153] : memref<2x10112x64xf32, #tpu.memory_space<hbm>> -> memref<1x128x64xf32, #tpu.memory_space<hbm>>
      %dma_start3A_155 = tpu.memref_squeeze %dma_start3A_154 : memref<1x128x64xf32, #tpu.memory_space<hbm>> -> memref<128x64xf32, #tpu.memory_space<hbm>>
      %dma_start3A_156 = arith.constant 0 : i32
      %dma_start3A_157 = arith.constant 0 : i32
      %dma_start3A_158 = tpu.memref_slice %arg10[%dma_start3A_156, %dma_start3A_157] : memref<128x64xf32, #tpu.memory_space<vmem>> -> memref<128x64xf32, #tpu.memory_space<vmem>>
      tpu.enqueue_dma source(%dma_start3A_158 : memref<128x64xf32, #tpu.memory_space<vmem>>) target(%dma_start3A_155 : memref<128x64xf32, #tpu.memory_space<hbm>>) target_semaphore(%run_scoped3A : memref<!tpu.dma_semaphore, #tpu.memory_space<semaphore_mem>>)
      %dma_wait3A_159 = arith.constant 0 : i32
      %dma_wait3A_160 = arith.constant 0 : i32
      %dma_wait3A_161 = tpu.memref_slice %arg10[%dma_wait3A_159, %dma_wait3A_160] : memref<128x64xf32, #tpu.memory_space<vmem>> -> memref<128x64xf32, #tpu.memory_space<vmem>>
      %dma_wait3A_162 = arith.constant 0 : i32
      %dma_wait3A_163 = tpu.memref_slice %arg6[%arg0, %add3A_56, %dma_wait3A_162] : memref<2x10112x64xf32, #tpu.memory_space<hbm>> -> memref<1x128x64xf32, #tpu.memory_space<hbm>>
      %dma_wait3A_164 = tpu.memref_squeeze %dma_wait3A_163 : memref<1x128x64xf32, #tpu.memory_space<hbm>> -> memref<128x64xf32, #tpu.memory_space<hbm>>
      %dma_wait3A_165 = arith.constant 0 : i32
      %dma_wait3A_166 = tpu.memref_slice %arg6[%arg0, %add3A_56, %dma_wait3A_165] : memref<2x10112x64xf32, #tpu.memory_space<hbm>> -> memref<1x128x64xf32, #tpu.memory_space<hbm>>
      %dma_wait3A_167 = tpu.memref_squeeze %dma_wait3A_166 : memref<1x128x64xf32, #tpu.memory_space<hbm>> -> memref<128x64xf32, #tpu.memory_space<hbm>>
      %dma_wait3A_168 = arith.constant 0 : i32
      %dma_wait3A_169 = arith.constant 0 : i32
      %dma_wait3A_170 = tpu.memref_slice %arg10[%dma_wait3A_168, %dma_wait3A_169] : memref<128x64xf32, #tpu.memory_space<vmem>> -> memref<128x64xf32, #tpu.memory_space<vmem>>
      tpu.wait_dma2 semaphore(%run_scoped3A : memref<!tpu.dma_semaphore, #tpu.memory_space<semaphore_mem>>) src(%dma_wait3A_170 : memref<128x64xf32, #tpu.memory_space<vmem>>) dst(%dma_wait3A_167 : memref<128x64xf32, #tpu.memory_space<hbm>>)
      tpu.yield
    }) : () -> ()
    %add3A_57 = arith.constant 128 : i32
    %add3A_58 = arith.addi %mul3A_2, %add3A_57 : i32
    "tpu.region"() ({
      %run_scoped3A = tpu.sem_alloc : memref<!tpu.dma_semaphore, #tpu.memory_space<semaphore_mem>>
      %dma_start3A_147 = arith.constant 0 : i32
      %dma_start3A_148 = arith.constant 0 : i32
      %dma_start3A_149 = tpu.memref_slice %arg10[%dma_start3A_147, %dma_start3A_148] : memref<128x64xf32, #tpu.memory_space<vmem>> -> memref<128x64xf32, #tpu.memory_space<vmem>>
      %dma_start3A_150 = arith.constant 0 : i32
      %dma_start3A_151 = tpu.memref_slice %arg12[%add3A_58, %dma_start3A_150] : memref<10112x64xf32, #tpu.memory_space<vmem_shared>> -> memref<128x64xf32, #tpu.memory_space<vmem_shared>>
      %dma_start3A_152 = arith.constant 0 : i32
      %dma_start3A_153 = arith.constant 0 : i32
      %dma_start3A_154 = tpu.memref_slice %arg10[%dma_start3A_152, %dma_start3A_153] : memref<128x64xf32, #tpu.memory_space<vmem>> -> memref<128x64xf32, #tpu.memory_space<vmem>>
      %dma_start3A_155 = arith.constant 0 : i32
      %dma_start3A_156 = tpu.memref_slice %arg12[%add3A_58, %dma_start3A_155] : memref<10112x64xf32, #tpu.memory_space<vmem_shared>> -> memref<128x64xf32, #tpu.memory_space<vmem_shared>>
      tpu.enqueue_dma source(%dma_start3A_156 : memref<128x64xf32, #tpu.memory_space<vmem_shared>>) target(%dma_start3A_154 : memref<128x64xf32, #tpu.memory_space<vmem>>) target_semaphore(%run_scoped3A : memref<!tpu.dma_semaphore, #tpu.memory_space<semaphore_mem>>)
      %dma_wait3A_157 = arith.constant 0 : i32
      %dma_wait3A_158 = arith.constant 0 : i32
      %dma_wait3A_159 = tpu.memref_slice %arg10[%dma_wait3A_157, %dma_wait3A_158] : memref<128x64xf32, #tpu.memory_space<vmem>> -> memref<128x64xf32, #tpu.memory_space<vmem>>
      %dma_wait3A_160 = arith.constant 0 : i32
      %dma_wait3A_161 = tpu.memref_slice %arg12[%add3A_58, %dma_wait3A_160] : memref<10112x64xf32, #tpu.memory_space<vmem_shared>> -> memref<128x64xf32, #tpu.memory_space<vmem_shared>>
      %dma_wait3A_162 = arith.constant 0 : i32
      %dma_wait3A_163 = arith.constant 0 : i32
      %dma_wait3A_164 = tpu.memref_slice %arg10[%dma_wait3A_162, %dma_wait3A_163] : memref<128x64xf32, #tpu.memory_space<vmem>> -> memref<128x64xf32, #tpu.memory_space<vmem>>
      %dma_wait3A_165 = arith.constant 0 : i32
      %dma_wait3A_166 = tpu.memref_slice %arg12[%add3A_58, %dma_wait3A_165] : memref<10112x64xf32, #tpu.memory_space<vmem_shared>> -> memref<128x64xf32, #tpu.memory_space<vmem_shared>>
      tpu.wait_dma2 semaphore(%run_scoped3A : memref<!tpu.dma_semaphore, #tpu.memory_space<semaphore_mem>>) src(%dma_wait3A_166 : memref<128x64xf32, #tpu.memory_space<vmem_shared>>) dst(%dma_wait3A_164 : memref<128x64xf32, #tpu.memory_space<vmem>>)
      tpu.yield
    }) : () -> ()
    %add3A_59 = arith.constant 128 : i32
    %add3A_60 = arith.addi %mul3A_2, %add3A_59 : i32
    "tpu.region"() ({
      %run_scoped3A = tpu.sem_alloc : memref<!tpu.dma_semaphore, #tpu.memory_space<semaphore_mem>>
      %dma_start3A_147 = arith.constant 0 : i32
      %dma_start3A_148 = arith.constant 0 : i32
      %dma_start3A_149 = tpu.memref_slice %arg10[%dma_start3A_147, %dma_start3A_148] : memref<128x64xf32, #tpu.memory_space<vmem>> -> memref<128x64xf32, #tpu.memory_space<vmem>>
      %dma_start3A_150 = arith.constant 0 : i32
      %dma_start3A_151 = tpu.memref_slice %arg6[%arg0, %add3A_60, %dma_start3A_150] : memref<2x10112x64xf32, #tpu.memory_space<hbm>> -> memref<1x128x64xf32, #tpu.memory_space<hbm>>
      %dma_start3A_152 = tpu.memref_squeeze %dma_start3A_151 : memref<1x128x64xf32, #tpu.memory_space<hbm>> -> memref<128x64xf32, #tpu.memory_space<hbm>>
      %dma_start3A_153 = arith.constant 0 : i32
      %dma_start3A_154 = tpu.memref_slice %arg6[%arg0, %add3A_60, %dma_start3A_153] : memref<2x10112x64xf32, #tpu.memory_space<hbm>> -> memref<1x128x64xf32, #tpu.memory_space<hbm>>
      %dma_start3A_155 = tpu.memref_squeeze %dma_start3A_154 : memref<1x128x64xf32, #tpu.memory_space<hbm>> -> memref<128x64xf32, #tpu.memory_space<hbm>>
      %dma_start3A_156 = arith.constant 0 : i32
      %dma_start3A_157 = arith.constant 0 : i32
      %dma_start3A_158 = tpu.memref_slice %arg10[%dma_start3A_156, %dma_start3A_157] : memref<128x64xf32, #tpu.memory_space<vmem>> -> memref<128x64xf32, #tpu.memory_space<vmem>>
      tpu.enqueue_dma source(%dma_start3A_158 : memref<128x64xf32, #tpu.memory_space<vmem>>) target(%dma_start3A_155 : memref<128x64xf32, #tpu.memory_space<hbm>>) target_semaphore(%run_scoped3A : memref<!tpu.dma_semaphore, #tpu.memory_space<semaphore_mem>>)
      %dma_wait3A_159 = arith.constant 0 : i32
      %dma_wait3A_160 = arith.constant 0 : i32
      %dma_wait3A_161 = tpu.memref_slice %arg10[%dma_wait3A_159, %dma_wait3A_160] : memref<128x64xf32, #tpu.memory_space<vmem>> -> memref<128x64xf32, #tpu.memory_space<vmem>>
      %dma_wait3A_162 = arith.constant 0 : i32
      %dma_wait3A_163 = tpu.memref_slice %arg6[%arg0, %add3A_60, %dma_wait3A_162] : memref<2x10112x64xf32, #tpu.memory_space<hbm>> -> memref<1x128x64xf32, #tpu.memory_space<hbm>>
      %dma_wait3A_164 = tpu.memref_squeeze %dma_wait3A_163 : memref<1x128x64xf32, #tpu.memory_space<hbm>> -> memref<128x64xf32, #tpu.memory_space<hbm>>
      %dma_wait3A_165 = arith.constant 0 : i32
      %dma_wait3A_166 = tpu.memref_slice %arg6[%arg0, %add3A_60, %dma_wait3A_165] : memref<2x10112x64xf32, #tpu.memory_space<hbm>> -> memref<1x128x64xf32, #tpu.memory_space<hbm>>
      %dma_wait3A_167 = tpu.memref_squeeze %dma_wait3A_166 : memref<1x128x64xf32, #tpu.memory_space<hbm>> -> memref<128x64xf32, #tpu.memory_space<hbm>>
      %dma_wait3A_168 = arith.constant 0 : i32
      %dma_wait3A_169 = arith.constant 0 : i32
      %dma_wait3A_170 = tpu.memref_slice %arg10[%dma_wait3A_168, %dma_wait3A_169] : memref<128x64xf32, #tpu.memory_space<vmem>> -> memref<128x64xf32, #tpu.memory_space<vmem>>
      tpu.wait_dma2 semaphore(%run_scoped3A : memref<!tpu.dma_semaphore, #tpu.memory_space<semaphore_mem>>) src(%dma_wait3A_170 : memref<128x64xf32, #tpu.memory_space<vmem>>) dst(%dma_wait3A_167 : memref<128x64xf32, #tpu.memory_space<hbm>>)
      tpu.yield
    }) : () -> ()
    %add3A_61 = arith.constant 256 : i32
    %add3A_62 = arith.addi %mul3A_2, %add3A_61 : i32
    "tpu.region"() ({
      %run_scoped3A = tpu.sem_alloc : memref<!tpu.dma_semaphore, #tpu.memory_space<semaphore_mem>>
      %dma_start3A_147 = arith.constant 0 : i32
      %dma_start3A_148 = arith.constant 0 : i32
      %dma_start3A_149 = tpu.memref_slice %arg10[%dma_start3A_147, %dma_start3A_148] : memref<128x64xf32, #tpu.memory_space<vmem>> -> memref<128x64xf32, #tpu.memory_space<vmem>>
      %dma_start3A_150 = arith.constant 0 : i32
      %dma_start3A_151 = tpu.memref_slice %arg12[%add3A_62, %dma_start3A_150] : memref<10112x64xf32, #tpu.memory_space<vmem_shared>> -> memref<128x64xf32, #tpu.memory_space<vmem_shared>>
      %dma_start3A_152 = arith.constant 0 : i32
      %dma_start3A_153 = arith.constant 0 : i32
      %dma_start3A_154 = tpu.memref_slice %arg10[%dma_start3A_152, %dma_start3A_153] : memref<128x64xf32, #tpu.memory_space<vmem>> -> memref<128x64xf32, #tpu.memory_space<vmem>>
      %dma_start3A_155 = arith.constant 0 : i32
      %dma_start3A_156 = tpu.memref_slice %arg12[%add3A_62, %dma_start3A_155] : memref<10112x64xf32, #tpu.memory_space<vmem_shared>> -> memref<128x64xf32, #tpu.memory_space<vmem_shared>>
      tpu.enqueue_dma source(%dma_start3A_156 : memref<128x64xf32, #tpu.memory_space<vmem_shared>>) target(%dma_start3A_154 : memref<128x64xf32, #tpu.memory_space<vmem>>) target_semaphore(%run_scoped3A : memref<!tpu.dma_semaphore, #tpu.memory_space<semaphore_mem>>)
      %dma_wait3A_157 = arith.constant 0 : i32
      %dma_wait3A_158 = arith.constant 0 : i32
      %dma_wait3A_159 = tpu.memref_slice %arg10[%dma_wait3A_157, %dma_wait3A_158] : memref<128x64xf32, #tpu.memory_space<vmem>> -> memref<128x64xf32, #tpu.memory_space<vmem>>
      %dma_wait3A_160 = arith.constant 0 : i32
      %dma_wait3A_161 = tpu.memref_slice %arg12[%add3A_62, %dma_wait3A_160] : memref<10112x64xf32, #tpu.memory_space<vmem_shared>> -> memref<128x64xf32, #tpu.memory_space<vmem_shared>>
      %dma_wait3A_162 = arith.constant 0 : i32
      %dma_wait3A_163 = arith.constant 0 : i32
      %dma_wait3A_164 = tpu.memref_slice %arg10[%dma_wait3A_162, %dma_wait3A_163] : memref<128x64xf32, #tpu.memory_space<vmem>> -> memref<128x64xf32, #tpu.memory_space<vmem>>
      %dma_wait3A_165 = arith.constant 0 : i32
      %dma_wait3A_166 = tpu.memref_slice %arg12[%add3A_62, %dma_wait3A_165] : memref<10112x64xf32, #tpu.memory_space<vmem_shared>> -> memref<128x64xf32, #tpu.memory_space<vmem_shared>>
      tpu.wait_dma2 semaphore(%run_scoped3A : memref<!tpu.dma_semaphore, #tpu.memory_space<semaphore_mem>>) src(%dma_wait3A_166 : memref<128x64xf32, #tpu.memory_space<vmem_shared>>) dst(%dma_wait3A_164 : memref<128x64xf32, #tpu.memory_space<vmem>>)
      tpu.yield
    }) : () -> ()
    %add3A_63 = arith.constant 256 : i32
    %add3A_64 = arith.addi %mul3A_2, %add3A_63 : i32
    "tpu.region"() ({
      %run_scoped3A = tpu.sem_alloc : memref<!tpu.dma_semaphore, #tpu.memory_space<semaphore_mem>>
      %dma_start3A_147 = arith.constant 0 : i32
      %dma_start3A_148 = arith.constant 0 : i32
      %dma_start3A_149 = tpu.memref_slice %arg10[%dma_start3A_147, %dma_start3A_148] : memref<128x64xf32, #tpu.memory_space<vmem>> -> memref<128x64xf32, #tpu.memory_space<vmem>>
      %dma_start3A_150 = arith.constant 0 : i32
      %dma_start3A_151 = tpu.memref_slice %arg6[%arg0, %add3A_64, %dma_start3A_150] : memref<2x10112x64xf32, #tpu.memory_space<hbm>> -> memref<1x128x64xf32, #tpu.memory_space<hbm>>
      %dma_start3A_152 = tpu.memref_squeeze %dma_start3A_151 : memref<1x128x64xf32, #tpu.memory_space<hbm>> -> memref<128x64xf32, #tpu.memory_space<hbm>>
      %dma_start3A_153 = arith.constant 0 : i32
      %dma_start3A_154 = tpu.memref_slice %arg6[%arg0, %add3A_64, %dma_start3A_153] : memref<2x10112x64xf32, #tpu.memory_space<hbm>> -> memref<1x128x64xf32, #tpu.memory_space<hbm>>
      %dma_start3A_155 = tpu.memref_squeeze %dma_start3A_154 : memref<1x128x64xf32, #tpu.memory_space<hbm>> -> memref<128x64xf32, #tpu.memory_space<hbm>>
      %dma_start3A_156 = arith.constant 0 : i32
      %dma_start3A_157 = arith.constant 0 : i32
      %dma_start3A_158 = tpu.memref_slice %arg10[%dma_start3A_156, %dma_start3A_157] : memref<128x64xf32, #tpu.memory_space<vmem>> -> memref<128x64xf32, #tpu.memory_space<vmem>>
      tpu.enqueue_dma source(%dma_start3A_158 : memref<128x64xf32, #tpu.memory_space<vmem>>) target(%dma_start3A_155 : memref<128x64xf32, #tpu.memory_space<hbm>>) target_semaphore(%run_scoped3A : memref<!tpu.dma_semaphore, #tpu.memory_space<semaphore_mem>>)
      %dma_wait3A_159 = arith.constant 0 : i32
      %dma_wait3A_160 = arith.constant 0 : i32
      %dma_wait3A_161 = tpu.memref_slice %arg10[%dma_wait3A_159, %dma_wait3A_160] : memref<128x64xf32, #tpu.memory_space<vmem>> -> memref<128x64xf32, #tpu.memory_space<vmem>>
      %dma_wait3A_162 = arith.constant 0 : i32
      %dma_wait3A_163 = tpu.memref_slice %arg6[%arg0, %add3A_64, %dma_wait3A_162] : memref<2x10112x64xf32, #tpu.memory_space<hbm>> -> memref<1x128x64xf32, #tpu.memory_space<hbm>>
      %dma_wait3A_164 = tpu.memref_squeeze %dma_wait3A_163 : memref<1x128x64xf32, #tpu.memory_space<hbm>> -> memref<128x64xf32, #tpu.memory_space<hbm>>
      %dma_wait3A_165 = arith.constant 0 : i32
      %dma_wait3A_166 = tpu.memref_slice %arg6[%arg0, %add3A_64, %dma_wait3A_165] : memref<2x10112x64xf32, #tpu.memory_space<hbm>> -> memref<1x128x64xf32, #tpu.memory_space<hbm>>
      %dma_wait3A_167 = tpu.memref_squeeze %dma_wait3A_166 : memref<1x128x64xf32, #tpu.memory_space<hbm>> -> memref<128x64xf32, #tpu.memory_space<hbm>>
      %dma_wait3A_168 = arith.constant 0 : i32
      %dma_wait3A_169 = arith.constant 0 : i32
      %dma_wait3A_170 = tpu.memref_slice %arg10[%dma_wait3A_168, %dma_wait3A_169] : memref<128x64xf32, #tpu.memory_space<vmem>> -> memref<128x64xf32, #tpu.memory_space<vmem>>
      tpu.wait_dma2 semaphore(%run_scoped3A : memref<!tpu.dma_semaphore, #tpu.memory_space<semaphore_mem>>) src(%dma_wait3A_170 : memref<128x64xf32, #tpu.memory_space<vmem>>) dst(%dma_wait3A_167 : memref<128x64xf32, #tpu.memory_space<hbm>>)
      tpu.yield
    }) : () -> ()
    %add3A_65 = arith.constant 384 : i32
    %add3A_66 = arith.addi %mul3A_2, %add3A_65 : i32
    "tpu.region"() ({
      %run_scoped3A = tpu.sem_alloc : memref<!tpu.dma_semaphore, #tpu.memory_space<semaphore_mem>>
      %dma_start3A_147 = arith.constant 0 : i32
      %dma_start3A_148 = arith.constant 0 : i32
      %dma_start3A_149 = tpu.memref_slice %arg10[%dma_start3A_147, %dma_start3A_148] : memref<128x64xf32, #tpu.memory_space<vmem>> -> memref<128x64xf32, #tpu.memory_space<vmem>>
      %dma_start3A_150 = arith.constant 0 : i32
      %dma_start3A_151 = tpu.memref_slice %arg12[%add3A_66, %dma_start3A_150] : memref<10112x64xf32, #tpu.memory_space<vmem_shared>> -> memref<128x64xf32, #tpu.memory_space<vmem_shared>>
      %dma_start3A_152 = arith.constant 0 : i32
      %dma_start3A_153 = arith.constant 0 : i32
      %dma_start3A_154 = tpu.memref_slice %arg10[%dma_start3A_152, %dma_start3A_153] : memref<128x64xf32, #tpu.memory_space<vmem>> -> memref<128x64xf32, #tpu.memory_space<vmem>>
      %dma_start3A_155 = arith.constant 0 : i32
      %dma_start3A_156 = tpu.memref_slice %arg12[%add3A_66, %dma_start3A_155] : memref<10112x64xf32, #tpu.memory_space<vmem_shared>> -> memref<128x64xf32, #tpu.memory_space<vmem_shared>>
      tpu.enqueue_dma source(%dma_start3A_156 : memref<128x64xf32, #tpu.memory_space<vmem_shared>>) target(%dma_start3A_154 : memref<128x64xf32, #tpu.memory_space<vmem>>) target_semaphore(%run_scoped3A : memref<!tpu.dma_semaphore, #tpu.memory_space<semaphore_mem>>)
      %dma_wait3A_157 = arith.constant 0 : i32
      %dma_wait3A_158 = arith.constant 0 : i32
      %dma_wait3A_159 = tpu.memref_slice %arg10[%dma_wait3A_157, %dma_wait3A_158] : memref<128x64xf32, #tpu.memory_space<vmem>> -> memref<128x64xf32, #tpu.memory_space<vmem>>
      %dma_wait3A_160 = arith.constant 0 : i32
      %dma_wait3A_161 = tpu.memref_slice %arg12[%add3A_66, %dma_wait3A_160] : memref<10112x64xf32, #tpu.memory_space<vmem_shared>> -> memref<128x64xf32, #tpu.memory_space<vmem_shared>>
      %dma_wait3A_162 = arith.constant 0 : i32
      %dma_wait3A_163 = arith.constant 0 : i32
      %dma_wait3A_164 = tpu.memref_slice %arg10[%dma_wait3A_162, %dma_wait3A_163] : memref<128x64xf32, #tpu.memory_space<vmem>> -> memref<128x64xf32, #tpu.memory_space<vmem>>
      %dma_wait3A_165 = arith.constant 0 : i32
      %dma_wait3A_166 = tpu.memref_slice %arg12[%add3A_66, %dma_wait3A_165] : memref<10112x64xf32, #tpu.memory_space<vmem_shared>> -> memref<128x64xf32, #tpu.memory_space<vmem_shared>>
      tpu.wait_dma2 semaphore(%run_scoped3A : memref<!tpu.dma_semaphore, #tpu.memory_space<semaphore_mem>>) src(%dma_wait3A_166 : memref<128x64xf32, #tpu.memory_space<vmem_shared>>) dst(%dma_wait3A_164 : memref<128x64xf32, #tpu.memory_space<vmem>>)
      tpu.yield
    }) : () -> ()
    %add3A_67 = arith.constant 384 : i32
    %add3A_68 = arith.addi %mul3A_2, %add3A_67 : i32
    "tpu.region"() ({
      %run_scoped3A = tpu.sem_alloc : memref<!tpu.dma_semaphore, #tpu.memory_space<semaphore_mem>>
      %dma_start3A_147 = arith.constant 0 : i32
      %dma_start3A_148 = arith.constant 0 : i32
      %dma_start3A_149 = tpu.memref_slice %arg10[%dma_start3A_147, %dma_start3A_148] : memref<128x64xf32, #tpu.memory_space<vmem>> -> memref<128x64xf32, #tpu.memory_space<vmem>>
      %dma_start3A_150 = arith.constant 0 : i32
      %dma_start3A_151 = tpu.memref_slice %arg6[%arg0, %add3A_68, %dma_start3A_150] : memref<2x10112x64xf32, #tpu.memory_space<hbm>> -> memref<1x128x64xf32, #tpu.memory_space<hbm>>
      %dma_start3A_152 = tpu.memref_squeeze %dma_start3A_151 : memref<1x128x64xf32, #tpu.memory_space<hbm>> -> memref<128x64xf32, #tpu.memory_space<hbm>>
      %dma_start3A_153 = arith.constant 0 : i32
      %dma_start3A_154 = tpu.memref_slice %arg6[%arg0, %add3A_68, %dma_start3A_153] : memref<2x10112x64xf32, #tpu.memory_space<hbm>> -> memref<1x128x64xf32, #tpu.memory_space<hbm>>
      %dma_start3A_155 = tpu.memref_squeeze %dma_start3A_154 : memref<1x128x64xf32, #tpu.memory_space<hbm>> -> memref<128x64xf32, #tpu.memory_space<hbm>>
      %dma_start3A_156 = arith.constant 0 : i32
      %dma_start3A_157 = arith.constant 0 : i32
      %dma_start3A_158 = tpu.memref_slice %arg10[%dma_start3A_156, %dma_start3A_157] : memref<128x64xf32, #tpu.memory_space<vmem>> -> memref<128x64xf32, #tpu.memory_space<vmem>>
      tpu.enqueue_dma source(%dma_start3A_158 : memref<128x64xf32, #tpu.memory_space<vmem>>) target(%dma_start3A_155 : memref<128x64xf32, #tpu.memory_space<hbm>>) target_semaphore(%run_scoped3A : memref<!tpu.dma_semaphore, #tpu.memory_space<semaphore_mem>>)
      %dma_wait3A_159 = arith.constant 0 : i32
      %dma_wait3A_160 = arith.constant 0 : i32
      %dma_wait3A_161 = tpu.memref_slice %arg10[%dma_wait3A_159, %dma_wait3A_160] : memref<128x64xf32, #tpu.memory_space<vmem>> -> memref<128x64xf32, #tpu.memory_space<vmem>>
      %dma_wait3A_162 = arith.constant 0 : i32
      %dma_wait3A_163 = tpu.memref_slice %arg6[%arg0, %add3A_68, %dma_wait3A_162] : memref<2x10112x64xf32, #tpu.memory_space<hbm>> -> memref<1x128x64xf32, #tpu.memory_space<hbm>>
      %dma_wait3A_164 = tpu.memref_squeeze %dma_wait3A_163 : memref<1x128x64xf32, #tpu.memory_space<hbm>> -> memref<128x64xf32, #tpu.memory_space<hbm>>
      %dma_wait3A_165 = arith.constant 0 : i32
      %dma_wait3A_166 = tpu.memref_slice %arg6[%arg0, %add3A_68, %dma_wait3A_165] : memref<2x10112x64xf32, #tpu.memory_space<hbm>> -> memref<1x128x64xf32, #tpu.memory_space<hbm>>
      %dma_wait3A_167 = tpu.memref_squeeze %dma_wait3A_166 : memref<1x128x64xf32, #tpu.memory_space<hbm>> -> memref<128x64xf32, #tpu.memory_space<hbm>>
      %dma_wait3A_168 = arith.constant 0 : i32
      %dma_wait3A_169 = arith.constant 0 : i32
      %dma_wait3A_170 = tpu.memref_slice %arg10[%dma_wait3A_168, %dma_wait3A_169] : memref<128x64xf32, #tpu.memory_space<vmem>> -> memref<128x64xf32, #tpu.memory_space<vmem>>
      tpu.wait_dma2 semaphore(%run_scoped3A : memref<!tpu.dma_semaphore, #tpu.memory_space<semaphore_mem>>) src(%dma_wait3A_170 : memref<128x64xf32, #tpu.memory_space<vmem>>) dst(%dma_wait3A_167 : memref<128x64xf32, #tpu.memory_space<hbm>>)
      tpu.yield
    }) : () -> ()
    %add3A_69 = arith.constant 512 : i32
    %add3A_70 = arith.addi %mul3A_2, %add3A_69 : i32
    "tpu.region"() ({
      %run_scoped3A = tpu.sem_alloc : memref<!tpu.dma_semaphore, #tpu.memory_space<semaphore_mem>>
      %dma_start3A_147 = arith.constant 0 : i32
      %dma_start3A_148 = arith.constant 0 : i32
      %dma_start3A_149 = tpu.memref_slice %arg10[%dma_start3A_147, %dma_start3A_148] : memref<128x64xf32, #tpu.memory_space<vmem>> -> memref<120x64xf32, #tpu.memory_space<vmem>>
      %dma_start3A_150 = arith.constant 0 : i32
      %dma_start3A_151 = tpu.memref_slice %arg12[%add3A_70, %dma_start3A_150] : memref<10112x64xf32, #tpu.memory_space<vmem_shared>> -> memref<120x64xf32, #tpu.memory_space<vmem_shared>>
      %dma_start3A_152 = arith.constant 0 : i32
      %dma_start3A_153 = arith.constant 0 : i32
      %dma_start3A_154 = tpu.memref_slice %arg10[%dma_start3A_152, %dma_start3A_153] : memref<128x64xf32, #tpu.memory_space<vmem>> -> memref<120x64xf32, #tpu.memory_space<vmem>>
      %dma_start3A_155 = arith.constant 0 : i32
      %dma_start3A_156 = tpu.memref_slice %arg12[%add3A_70, %dma_start3A_155] : memref<10112x64xf32, #tpu.memory_space<vmem_shared>> -> memref<120x64xf32, #tpu.memory_space<vmem_shared>>
      tpu.enqueue_dma source(%dma_start3A_156 : memref<120x64xf32, #tpu.memory_space<vmem_shared>>) target(%dma_start3A_154 : memref<120x64xf32, #tpu.memory_space<vmem>>) target_semaphore(%run_scoped3A : memref<!tpu.dma_semaphore, #tpu.memory_space<semaphore_mem>>)
      %dma_wait3A_157 = arith.constant 0 : i32
      %dma_wait3A_158 = arith.constant 0 : i32
      %dma_wait3A_159 = tpu.memref_slice %arg10[%dma_wait3A_157, %dma_wait3A_158] : memref<128x64xf32, #tpu.memory_space<vmem>> -> memref<120x64xf32, #tpu.memory_space<vmem>>
      %dma_wait3A_160 = arith.constant 0 : i32
      %dma_wait3A_161 = tpu.memref_slice %arg12[%add3A_70, %dma_wait3A_160] : memref<10112x64xf32, #tpu.memory_space<vmem_shared>> -> memref<120x64xf32, #tpu.memory_space<vmem_shared>>
      %dma_wait3A_162 = arith.constant 0 : i32
      %dma_wait3A_163 = arith.constant 0 : i32
      %dma_wait3A_164 = tpu.memref_slice %arg10[%dma_wait3A_162, %dma_wait3A_163] : memref<128x64xf32, #tpu.memory_space<vmem>> -> memref<120x64xf32, #tpu.memory_space<vmem>>
      %dma_wait3A_165 = arith.constant 0 : i32
      %dma_wait3A_166 = tpu.memref_slice %arg12[%add3A_70, %dma_wait3A_165] : memref<10112x64xf32, #tpu.memory_space<vmem_shared>> -> memref<120x64xf32, #tpu.memory_space<vmem_shared>>
      tpu.wait_dma2 semaphore(%run_scoped3A : memref<!tpu.dma_semaphore, #tpu.memory_space<semaphore_mem>>) src(%dma_wait3A_166 : memref<120x64xf32, #tpu.memory_space<vmem_shared>>) dst(%dma_wait3A_164 : memref<120x64xf32, #tpu.memory_space<vmem>>)
      tpu.yield
    }) : () -> ()
    %add3A_71 = arith.constant 512 : i32
    %add3A_72 = arith.addi %mul3A_2, %add3A_71 : i32
    "tpu.region"() ({
      %run_scoped3A = tpu.sem_alloc : memref<!tpu.dma_semaphore, #tpu.memory_space<semaphore_mem>>
      %dma_start3A_147 = arith.constant 0 : i32
      %dma_start3A_148 = arith.constant 0 : i32
      %dma_start3A_149 = tpu.memref_slice %arg10[%dma_start3A_147, %dma_start3A_148] : memref<128x64xf32, #tpu.memory_space<vmem>> -> memref<120x64xf32, #tpu.memory_space<vmem>>
      %dma_start3A_150 = arith.constant 0 : i32
      %dma_start3A_151 = tpu.memref_slice %arg6[%arg0, %add3A_72, %dma_start3A_150] : memref<2x10112x64xf32, #tpu.memory_space<hbm>> -> memref<1x120x64xf32, #tpu.memory_space<hbm>>
      %dma_start3A_152 = tpu.memref_squeeze %dma_start3A_151 : memref<1x120x64xf32, #tpu.memory_space<hbm>> -> memref<120x64xf32, #tpu.memory_space<hbm>>
      %dma_start3A_153 = arith.constant 0 : i32
      %dma_start3A_154 = tpu.memref_slice %arg6[%arg0, %add3A_72, %dma_start3A_153] : memref<2x10112x64xf32, #tpu.memory_space<hbm>> -> memref<1x120x64xf32, #tpu.memory_space<hbm>>
      %dma_start3A_155 = tpu.memref_squeeze %dma_start3A_154 : memref<1x120x64xf32, #tpu.memory_space<hbm>> -> memref<120x64xf32, #tpu.memory_space<hbm>>
      %dma_start3A_156 = arith.constant 0 : i32
      %dma_start3A_157 = arith.constant 0 : i32
      %dma_start3A_158 = tpu.memref_slice %arg10[%dma_start3A_156, %dma_start3A_157] : memref<128x64xf32, #tpu.memory_space<vmem>> -> memref<120x64xf32, #tpu.memory_space<vmem>>
      tpu.enqueue_dma source(%dma_start3A_158 : memref<120x64xf32, #tpu.memory_space<vmem>>) target(%dma_start3A_155 : memref<120x64xf32, #tpu.memory_space<hbm>>) target_semaphore(%run_scoped3A : memref<!tpu.dma_semaphore, #tpu.memory_space<semaphore_mem>>)
      %dma_wait3A_159 = arith.constant 0 : i32
      %dma_wait3A_160 = arith.constant 0 : i32
      %dma_wait3A_161 = tpu.memref_slice %arg10[%dma_wait3A_159, %dma_wait3A_160] : memref<128x64xf32, #tpu.memory_space<vmem>> -> memref<120x64xf32, #tpu.memory_space<vmem>>
      %dma_wait3A_162 = arith.constant 0 : i32
      %dma_wait3A_163 = tpu.memref_slice %arg6[%arg0, %add3A_72, %dma_wait3A_162] : memref<2x10112x64xf32, #tpu.memory_space<hbm>> -> memref<1x120x64xf32, #tpu.memory_space<hbm>>
      %dma_wait3A_164 = tpu.memref_squeeze %dma_wait3A_163 : memref<1x120x64xf32, #tpu.memory_space<hbm>> -> memref<120x64xf32, #tpu.memory_space<hbm>>
      %dma_wait3A_165 = arith.constant 0 : i32
      %dma_wait3A_166 = tpu.memref_slice %arg6[%arg0, %add3A_72, %dma_wait3A_165] : memref<2x10112x64xf32, #tpu.memory_space<hbm>> -> memref<1x120x64xf32, #tpu.memory_space<hbm>>
      %dma_wait3A_167 = tpu.memref_squeeze %dma_wait3A_166 : memref<1x120x64xf32, #tpu.memory_space<hbm>> -> memref<120x64xf32, #tpu.memory_space<hbm>>
      %dma_wait3A_168 = arith.constant 0 : i32
      %dma_wait3A_169 = arith.constant 0 : i32
      %dma_wait3A_170 = tpu.memref_slice %arg10[%dma_wait3A_168, %dma_wait3A_169] : memref<128x64xf32, #tpu.memory_space<vmem>> -> memref<120x64xf32, #tpu.memory_space<vmem>>
      tpu.wait_dma2 semaphore(%run_scoped3A : memref<!tpu.dma_semaphore, #tpu.memory_space<semaphore_mem>>) src(%dma_wait3A_170 : memref<120x64xf32, #tpu.memory_space<vmem>>) dst(%dma_wait3A_167 : memref<120x64xf32, #tpu.memory_space<hbm>>)
      tpu.yield
    }) : () -> ()
    %scan3A_73 = arith.constant 0 : i32
    %scan3A_74 = arith.constant 0 : i32
    %scan3A_75 = arith.constant 128 : i32
    %scan3A_76 = arith.addi %scan3A_74, %scan3A_75 : i32
    %scan3A_77 = arith.constant 1 : i32
    %scan3A_78 = scf.for %scan3A_147 = %scan3A_74 to %scan3A_76 step %scan3A_77 iter_args(%scan3A_148 = %scan3A_73) -> (i32)  : i32 {
      %broadcast_in_dim3A = arith.constant 0.000000e+00 : f32
      %broadcast_in_dim3A_149 = vector.broadcast %broadcast_in_dim3A : f32 to vector<16xf32>
      %swap3A = arith.index_cast %scan3A_147 : i32 to index
      %swap3A_150 = arith.constant 0 : index
      %swap3A_151 = tpu.vector_load %arg10[%swap3A, %swap3A_150] {strides = array<i32>} : memref<128x64xf32, #tpu.memory_space<vmem>>, vector<1x16xf32>,
      %swap3A_152 = vector.shape_cast %swap3A_151 : vector<1x16xf32> to vector<16xf32>
      %swap3A_153 = vector.shape_cast %broadcast_in_dim3A_149 : vector<16xf32> to vector<1x16xf32>
      tpu.vector_store %arg10[%swap3A, %swap3A_150], %swap3A_153 {strides = array<i32>} : memref<128x64xf32, #tpu.memory_space<vmem>>, vector<1x16xf32>,
      %broadcast_in_dim3A_154 = arith.constant 0.000000e+00 : f32
      %broadcast_in_dim3A_155 = vector.broadcast %broadcast_in_dim3A_154 : f32 to vector<16xf32>
      %swap3A_156 = arith.index_cast %scan3A_147 : i32 to index
      %swap3A_157 = arith.constant 16 : index
      %swap3A_158 = tpu.vector_load %arg10[%swap3A_156, %swap3A_157] {strides = array<i32>} : memref<128x64xf32, #tpu.memory_space<vmem>>, vector<1x16xf32>,
      %swap3A_159 = vector.shape_cast %swap3A_158 : vector<1x16xf32> to vector<16xf32>
      %swap3A_160 = vector.shape_cast %broadcast_in_dim3A_155 : vector<16xf32> to vector<1x16xf32>
      tpu.vector_store %arg10[%swap3A_156, %swap3A_157], %swap3A_160 {strides = array<i32>} : memref<128x64xf32, #tpu.memory_space<vmem>>, vector<1x16xf32>,
      %broadcast_in_dim3A_161 = arith.constant 0.000000e+00 : f32
      %broadcast_in_dim3A_162 = vector.broadcast %broadcast_in_dim3A_161 : f32 to vector<16xf32>
      %swap3A_163 = arith.index_cast %scan3A_147 : i32 to index
      %swap3A_164 = arith.constant 32 : index
      %swap3A_165 = tpu.vector_load %arg10[%swap3A_163, %swap3A_164] {strides = array<i32>} : memref<128x64xf32, #tpu.memory_space<vmem>>, vector<1x16xf32>,
      %swap3A_166 = vector.shape_cast %swap3A_165 : vector<1x16xf32> to vector<16xf32>
      %swap3A_167 = vector.shape_cast %broadcast_in_dim3A_162 : vector<16xf32> to vector<1x16xf32>
      tpu.vector_store %arg10[%swap3A_163, %swap3A_164], %swap3A_167 {strides = array<i32>} : memref<128x64xf32, #tpu.memory_space<vmem>>, vector<1x16xf32>,
      %broadcast_in_dim3A_168 = arith.constant 0.000000e+00 : f32
      %broadcast_in_dim3A_169 = vector.broadcast %broadcast_in_dim3A_168 : f32 to vector<16xf32>
      %swap3A_170 = arith.index_cast %scan3A_147 : i32 to index
      %swap3A_171 = arith.constant 48 : index
      %swap3A_172 = tpu.vector_load %arg10[%swap3A_170, %swap3A_171] {strides = array<i32>} : memref<128x64xf32, #tpu.memory_space<vmem>>, vector<1x16xf32>,
      %swap3A_173 = vector.shape_cast %swap3A_172 : vector<1x16xf32> to vector<16xf32>
      %swap3A_174 = vector.shape_cast %broadcast_in_dim3A_169 : vector<16xf32> to vector<1x16xf32>
      tpu.vector_store %arg10[%swap3A_170, %swap3A_171], %swap3A_174 {strides = array<i32>} : memref<128x64xf32, #tpu.memory_space<vmem>>, vector<1x16xf32>,
      %scan3A_175 = arith.constant 0 : i32
      scf.yield %scan3A_175 : i32
    }
    %scan3A_79 = arith.constant 128 : i32
    %add3A_80 = arith.constant 0 : i32
    %add3A_81 = arith.addi %mul3A_2, %add3A_80 : i32
    "tpu.region"() ({
      %run_scoped3A = tpu.sem_alloc : memref<!tpu.dma_semaphore, #tpu.memory_space<semaphore_mem>>
      %dma_start3A_147 = arith.constant 0 : i32
      %dma_start3A_148 = arith.constant 0 : i32
      %dma_start3A_149 = tpu.memref_slice %arg10[%dma_start3A_147, %dma_start3A_148] : memref<128x64xf32, #tpu.memory_space<vmem>> -> memref<128x64xf32, #tpu.memory_space<vmem>>
      %dma_start3A_150 = arith.constant 0 : i32
      %dma_start3A_151 = tpu.memref_slice %arg12[%add3A_81, %dma_start3A_150] : memref<10112x64xf32, #tpu.memory_space<vmem_shared>> -> memref<128x64xf32, #tpu.memory_space<vmem_shared>>
      %dma_start3A_152 = arith.constant 0 : i32
      %dma_start3A_153 = tpu.memref_slice %arg12[%add3A_81, %dma_start3A_152] : memref<10112x64xf32, #tpu.memory_space<vmem_shared>> -> memref<128x64xf32, #tpu.memory_space<vmem_shared>>
      %dma_start3A_154 = arith.constant 0 : i32
      %dma_start3A_155 = arith.constant 0 : i32
      %dma_start3A_156 = tpu.memref_slice %arg10[%dma_start3A_154, %dma_start3A_155] : memref<128x64xf32, #tpu.memory_space<vmem>> -> memref<128x64xf32, #tpu.memory_space<vmem>>
      tpu.enqueue_dma source(%dma_start3A_156 : memref<128x64xf32, #tpu.memory_space<vmem>>) target(%dma_start3A_153 : memref<128x64xf32, #tpu.memory_space<vmem_shared>>) target_semaphore(%run_scoped3A : memref<!tpu.dma_semaphore, #tpu.memory_space<semaphore_mem>>)
      %dma_wait3A_157 = arith.constant 0 : i32
      %dma_wait3A_158 = arith.constant 0 : i32
      %dma_wait3A_159 = tpu.memref_slice %arg10[%dma_wait3A_157, %dma_wait3A_158] : memref<128x64xf32, #tpu.memory_space<vmem>> -> memref<128x64xf32, #tpu.memory_space<vmem>>
      %dma_wait3A_160 = arith.constant 0 : i32
      %dma_wait3A_161 = tpu.memref_slice %arg12[%add3A_81, %dma_wait3A_160] : memref<10112x64xf32, #tpu.memory_space<vmem_shared>> -> memref<128x64xf32, #tpu.memory_space<vmem_shared>>
      %dma_wait3A_162 = arith.constant 0 : i32
      %dma_wait3A_163 = tpu.memref_slice %arg12[%add3A_81, %dma_wait3A_162] : memref<10112x64xf32, #tpu.memory_space<vmem_shared>> -> memref<128x64xf32, #tpu.memory_space<vmem_shared>>
      %dma_wait3A_164 = arith.constant 0 : i32
      %dma_wait3A_165 = arith.constant 0 : i32
      %dma_wait3A_166 = tpu.memref_slice %arg10[%dma_wait3A_164, %dma_wait3A_165] : memref<128x64xf32, #tpu.memory_space<vmem>> -> memref<128x64xf32, #tpu.memory_space<vmem>>
      tpu.wait_dma2 semaphore(%run_scoped3A : memref<!tpu.dma_semaphore, #tpu.memory_space<semaphore_mem>>) src(%dma_wait3A_166 : memref<128x64xf32, #tpu.memory_space<vmem>>) dst(%dma_wait3A_163 : memref<128x64xf32, #tpu.memory_space<vmem_shared>>)
      tpu.yield
    }) : () -> ()
    %add3A_82 = arith.constant 128 : i32
    %add3A_83 = arith.addi %mul3A_2, %add3A_82 : i32
    "tpu.region"() ({
      %run_scoped3A = tpu.sem_alloc : memref<!tpu.dma_semaphore, #tpu.memory_space<semaphore_mem>>
      %dma_start3A_147 = arith.constant 0 : i32
      %dma_start3A_148 = arith.constant 0 : i32
      %dma_start3A_149 = tpu.memref_slice %arg10[%dma_start3A_147, %dma_start3A_148] : memref<128x64xf32, #tpu.memory_space<vmem>> -> memref<128x64xf32, #tpu.memory_space<vmem>>
      %dma_start3A_150 = arith.constant 0 : i32
      %dma_start3A_151 = tpu.memref_slice %arg12[%add3A_83, %dma_start3A_150] : memref<10112x64xf32, #tpu.memory_space<vmem_shared>> -> memref<128x64xf32, #tpu.memory_space<vmem_shared>>
      %dma_start3A_152 = arith.constant 0 : i32
      %dma_start3A_153 = tpu.memref_slice %arg12[%add3A_83, %dma_start3A_152] : memref<10112x64xf32, #tpu.memory_space<vmem_shared>> -> memref<128x64xf32, #tpu.memory_space<vmem_shared>>
      %dma_start3A_154 = arith.constant 0 : i32
      %dma_start3A_155 = arith.constant 0 : i32
      %dma_start3A_156 = tpu.memref_slice %arg10[%dma_start3A_154, %dma_start3A_155] : memref<128x64xf32, #tpu.memory_space<vmem>> -> memref<128x64xf32, #tpu.memory_space<vmem>>
      tpu.enqueue_dma source(%dma_start3A_156 : memref<128x64xf32, #tpu.memory_space<vmem>>) target(%dma_start3A_153 : memref<128x64xf32, #tpu.memory_space<vmem_shared>>) target_semaphore(%run_scoped3A : memref<!tpu.dma_semaphore, #tpu.memory_space<semaphore_mem>>)
      %dma_wait3A_157 = arith.constant 0 : i32
      %dma_wait3A_158 = arith.constant 0 : i32
      %dma_wait3A_159 = tpu.memref_slice %arg10[%dma_wait3A_157, %dma_wait3A_158] : memref<128x64xf32, #tpu.memory_space<vmem>> -> memref<128x64xf32, #tpu.memory_space<vmem>>
      %dma_wait3A_160 = arith.constant 0 : i32
      %dma_wait3A_161 = tpu.memref_slice %arg12[%add3A_83, %dma_wait3A_160] : memref<10112x64xf32, #tpu.memory_space<vmem_shared>> -> memref<128x64xf32, #tpu.memory_space<vmem_shared>>
      %dma_wait3A_162 = arith.constant 0 : i32
      %dma_wait3A_163 = tpu.memref_slice %arg12[%add3A_83, %dma_wait3A_162] : memref<10112x64xf32, #tpu.memory_space<vmem_shared>> -> memref<128x64xf32, #tpu.memory_space<vmem_shared>>
      %dma_wait3A_164 = arith.constant 0 : i32
      %dma_wait3A_165 = arith.constant 0 : i32
      %dma_wait3A_166 = tpu.memref_slice %arg10[%dma_wait3A_164, %dma_wait3A_165] : memref<128x64xf32, #tpu.memory_space<vmem>> -> memref<128x64xf32, #tpu.memory_space<vmem>>
      tpu.wait_dma2 semaphore(%run_scoped3A : memref<!tpu.dma_semaphore, #tpu.memory_space<semaphore_mem>>) src(%dma_wait3A_166 : memref<128x64xf32, #tpu.memory_space<vmem>>) dst(%dma_wait3A_163 : memref<128x64xf32, #tpu.memory_space<vmem_shared>>)
      tpu.yield
    }) : () -> ()
    %add3A_84 = arith.constant 256 : i32
    %add3A_85 = arith.addi %mul3A_2, %add3A_84 : i32
    "tpu.region"() ({
      %run_scoped3A = tpu.sem_alloc : memref<!tpu.dma_semaphore, #tpu.memory_space<semaphore_mem>>
      %dma_start3A_147 = arith.constant 0 : i32
      %dma_start3A_148 = arith.constant 0 : i32
      %dma_start3A_149 = tpu.memref_slice %arg10[%dma_start3A_147, %dma_start3A_148] : memref<128x64xf32, #tpu.memory_space<vmem>> -> memref<128x64xf32, #tpu.memory_space<vmem>>
      %dma_start3A_150 = arith.constant 0 : i32
      %dma_start3A_151 = tpu.memref_slice %arg12[%add3A_85, %dma_start3A_150] : memref<10112x64xf32, #tpu.memory_space<vmem_shared>> -> memref<128x64xf32, #tpu.memory_space<vmem_shared>>
      %dma_start3A_152 = arith.constant 0 : i32
      %dma_start3A_153 = tpu.memref_slice %arg12[%add3A_85, %dma_start3A_152] : memref<10112x64xf32, #tpu.memory_space<vmem_shared>> -> memref<128x64xf32, #tpu.memory_space<vmem_shared>>
      %dma_start3A_154 = arith.constant 0 : i32
      %dma_start3A_155 = arith.constant 0 : i32
      %dma_start3A_156 = tpu.memref_slice %arg10[%dma_start3A_154, %dma_start3A_155] : memref<128x64xf32, #tpu.memory_space<vmem>> -> memref<128x64xf32, #tpu.memory_space<vmem>>
      tpu.enqueue_dma source(%dma_start3A_156 : memref<128x64xf32, #tpu.memory_space<vmem>>) target(%dma_start3A_153 : memref<128x64xf32, #tpu.memory_space<vmem_shared>>) target_semaphore(%run_scoped3A : memref<!tpu.dma_semaphore, #tpu.memory_space<semaphore_mem>>)
      %dma_wait3A_157 = arith.constant 0 : i32
      %dma_wait3A_158 = arith.constant 0 : i32
      %dma_wait3A_159 = tpu.memref_slice %arg10[%dma_wait3A_157, %dma_wait3A_158] : memref<128x64xf32, #tpu.memory_space<vmem>> -> memref<128x64xf32, #tpu.memory_space<vmem>>
      %dma_wait3A_160 = arith.constant 0 : i32
      %dma_wait3A_161 = tpu.memref_slice %arg12[%add3A_85, %dma_wait3A_160] : memref<10112x64xf32, #tpu.memory_space<vmem_shared>> -> memref<128x64xf32, #tpu.memory_space<vmem_shared>>
      %dma_wait3A_162 = arith.constant 0 : i32
      %dma_wait3A_163 = tpu.memref_slice %arg12[%add3A_85, %dma_wait3A_162] : memref<10112x64xf32, #tpu.memory_space<vmem_shared>> -> memref<128x64xf32, #tpu.memory_space<vmem_shared>>
      %dma_wait3A_164 = arith.constant 0 : i32
      %dma_wait3A_165 = arith.constant 0 : i32
      %dma_wait3A_166 = tpu.memref_slice %arg10[%dma_wait3A_164, %dma_wait3A_165] : memref<128x64xf32, #tpu.memory_space<vmem>> -> memref<128x64xf32, #tpu.memory_space<vmem>>
      tpu.wait_dma2 semaphore(%run_scoped3A : memref<!tpu.dma_semaphore, #tpu.memory_space<semaphore_mem>>) src(%dma_wait3A_166 : memref<128x64xf32, #tpu.memory_space<vmem>>) dst(%dma_wait3A_163 : memref<128x64xf32, #tpu.memory_space<vmem_shared>>)
      tpu.yield
    }) : () -> ()
    %add3A_86 = arith.constant 384 : i32
    %add3A_87 = arith.addi %mul3A_2, %add3A_86 : i32
    "tpu.region"() ({
      %run_scoped3A = tpu.sem_alloc : memref<!tpu.dma_semaphore, #tpu.memory_space<semaphore_mem>>
      %dma_start3A_147 = arith.constant 0 : i32
      %dma_start3A_148 = arith.constant 0 : i32
      %dma_start3A_149 = tpu.memref_slice %arg10[%dma_start3A_147, %dma_start3A_148] : memref<128x64xf32, #tpu.memory_space<vmem>> -> memref<128x64xf32, #tpu.memory_space<vmem>>
      %dma_start3A_150 = arith.constant 0 : i32
      %dma_start3A_151 = tpu.memref_slice %arg12[%add3A_87, %dma_start3A_150] : memref<10112x64xf32, #tpu.memory_space<vmem_shared>> -> memref<128x64xf32, #tpu.memory_space<vmem_shared>>
      %dma_start3A_152 = arith.constant 0 : i32
      %dma_start3A_153 = tpu.memref_slice %arg12[%add3A_87, %dma_start3A_152] : memref<10112x64xf32, #tpu.memory_space<vmem_shared>> -> memref<128x64xf32, #tpu.memory_space<vmem_shared>>
      %dma_start3A_154 = arith.constant 0 : i32
      %dma_start3A_155 = arith.constant 0 : i32
      %dma_start3A_156 = tpu.memref_slice %arg10[%dma_start3A_154, %dma_start3A_155] : memref<128x64xf32, #tpu.memory_space<vmem>> -> memref<128x64xf32, #tpu.memory_space<vmem>>
      tpu.enqueue_dma source(%dma_start3A_156 : memref<128x64xf32, #tpu.memory_space<vmem>>) target(%dma_start3A_153 : memref<128x64xf32, #tpu.memory_space<vmem_shared>>) target_semaphore(%run_scoped3A : memref<!tpu.dma_semaphore, #tpu.memory_space<semaphore_mem>>)
      %dma_wait3A_157 = arith.constant 0 : i32
      %dma_wait3A_158 = arith.constant 0 : i32
      %dma_wait3A_159 = tpu.memref_slice %arg10[%dma_wait3A_157, %dma_wait3A_158] : memref<128x64xf32, #tpu.memory_space<vmem>> -> memref<128x64xf32, #tpu.memory_space<vmem>>
      %dma_wait3A_160 = arith.constant 0 : i32
      %dma_wait3A_161 = tpu.memref_slice %arg12[%add3A_87, %dma_wait3A_160] : memref<10112x64xf32, #tpu.memory_space<vmem_shared>> -> memref<128x64xf32, #tpu.memory_space<vmem_shared>>
      %dma_wait3A_162 = arith.constant 0 : i32
      %dma_wait3A_163 = tpu.memref_slice %arg12[%add3A_87, %dma_wait3A_162] : memref<10112x64xf32, #tpu.memory_space<vmem_shared>> -> memref<128x64xf32, #tpu.memory_space<vmem_shared>>
      %dma_wait3A_164 = arith.constant 0 : i32
      %dma_wait3A_165 = arith.constant 0 : i32
      %dma_wait3A_166 = tpu.memref_slice %arg10[%dma_wait3A_164, %dma_wait3A_165] : memref<128x64xf32, #tpu.memory_space<vmem>> -> memref<128x64xf32, #tpu.memory_space<vmem>>
      tpu.wait_dma2 semaphore(%run_scoped3A : memref<!tpu.dma_semaphore, #tpu.memory_space<semaphore_mem>>) src(%dma_wait3A_166 : memref<128x64xf32, #tpu.memory_space<vmem>>) dst(%dma_wait3A_163 : memref<128x64xf32, #tpu.memory_space<vmem_shared>>)
      tpu.yield
    }) : () -> ()
    %add3A_88 = arith.constant 512 : i32
    %add3A_89 = arith.addi %mul3A_2, %add3A_88 : i32
    "tpu.region"() ({
      %run_scoped3A = tpu.sem_alloc : memref<!tpu.dma_semaphore, #tpu.memory_space<semaphore_mem>>
      %dma_start3A_147 = arith.constant 0 : i32
      %dma_start3A_148 = arith.constant 0 : i32
      %dma_start3A_149 = tpu.memref_slice %arg10[%dma_start3A_147, %dma_start3A_148] : memref<128x64xf32, #tpu.memory_space<vmem>> -> memref<120x64xf32, #tpu.memory_space<vmem>>
      %dma_start3A_150 = arith.constant 0 : i32
      %dma_start3A_151 = tpu.memref_slice %arg12[%add3A_89, %dma_start3A_150] : memref<10112x64xf32, #tpu.memory_space<vmem_shared>> -> memref<120x64xf32, #tpu.memory_space<vmem_shared>>
      %dma_start3A_152 = arith.constant 0 : i32
      %dma_start3A_153 = tpu.memref_slice %arg12[%add3A_89, %dma_start3A_152] : memref<10112x64xf32, #tpu.memory_space<vmem_shared>> -> memref<120x64xf32, #tpu.memory_space<vmem_shared>>
      %dma_start3A_154 = arith.constant 0 : i32
      %dma_start3A_155 = arith.constant 0 : i32
      %dma_start3A_156 = tpu.memref_slice %arg10[%dma_start3A_154, %dma_start3A_155] : memref<128x64xf32, #tpu.memory_space<vmem>> -> memref<120x64xf32, #tpu.memory_space<vmem>>
      tpu.enqueue_dma source(%dma_start3A_156 : memref<120x64xf32, #tpu.memory_space<vmem>>) target(%dma_start3A_153 : memref<120x64xf32, #tpu.memory_space<vmem_shared>>) target_semaphore(%run_scoped3A : memref<!tpu.dma_semaphore, #tpu.memory_space<semaphore_mem>>)
      %dma_wait3A_157 = arith.constant 0 : i32
      %dma_wait3A_158 = arith.constant 0 : i32
      %dma_wait3A_159 = tpu.memref_slice %arg10[%dma_wait3A_157, %dma_wait3A_158] : memref<128x64xf32, #tpu.memory_space<vmem>> -> memref<120x64xf32, #tpu.memory_space<vmem>>
      %dma_wait3A_160 = arith.constant 0 : i32
      %dma_wait3A_161 = tpu.memref_slice %arg12[%add3A_89, %dma_wait3A_160] : memref<10112x64xf32, #tpu.memory_space<vmem_shared>> -> memref<120x64xf32, #tpu.memory_space<vmem_shared>>
      %dma_wait3A_162 = arith.constant 0 : i32
      %dma_wait3A_163 = tpu.memref_slice %arg12[%add3A_89, %dma_wait3A_162] : memref<10112x64xf32, #tpu.memory_space<vmem_shared>> -> memref<120x64xf32, #tpu.memory_space<vmem_shared>>
      %dma_wait3A_164 = arith.constant 0 : i32
      %dma_wait3A_165 = arith.constant 0 : i32
      %dma_wait3A_166 = tpu.memref_slice %arg10[%dma_wait3A_164, %dma_wait3A_165] : memref<128x64xf32, #tpu.memory_space<vmem>> -> memref<120x64xf32, #tpu.memory_space<vmem>>
      tpu.wait_dma2 semaphore(%run_scoped3A : memref<!tpu.dma_semaphore, #tpu.memory_space<semaphore_mem>>) src(%dma_wait3A_166 : memref<120x64xf32, #tpu.memory_space<vmem>>) dst(%dma_wait3A_163 : memref<120x64xf32, #tpu.memory_space<vmem_shared>>)
      tpu.yield
    }) : () -> ()
    %barrier3A_90 = arith.constant 0 : index
    tpu.barrier barrier_id(%barrier3A_90)
    %dma_start3A_91 = arith.constant 0 : i32
    %dma_start3A_92 = arith.constant 0 : i32
    %dma_start3A_93 = tpu.memref_slice %arg8[%dma_start3A_91, %dma_start3A_92] : memref<84x128xi32, #tpu.memory_space<vmem>> -> memref<1x128xi32, #tpu.memory_space<vmem>>
    %dma_start3A_94 = tpu.memref_squeeze %dma_start3A_93 : memref<1x128xi32, #tpu.memory_space<vmem>> -> memref<128xi32, #tpu.memory_space<vmem>>
    %dma_start3A_95 = arith.constant 0 : i32
    %dma_start3A_96 = arith.constant 0 : i32
    %dma_start3A_97 = tpu.memref_slice %arg3[%dma_start3A_95, %dma_start3A_96] : memref<10112x64xf32, #tpu.memory_space<hbm>> -> memref<10112x64xf32, #tpu.memory_space<hbm>>
    tpu.enqueue_indirect_dma source(%dma_start3A_97 : memref<10112x64xf32, #tpu.memory_space<hbm>>) target(%arg10 : memref<128x64xf32, #tpu.memory_space<vmem>>) offsets(%dma_start3A_94 : memref<128xi32, #tpu.memory_space<vmem>>) semaphore(%arg13 : memref<!tpu.dma_semaphore, #tpu.memory_space<semaphore_mem>>)
    %dma_start3A_98 = arith.constant 1 : i32
    %dma_start3A_99 = arith.constant 0 : i32
    %dma_start3A_100 = tpu.memref_slice %arg8[%dma_start3A_98, %dma_start3A_99] : memref<84x128xi32, #tpu.memory_space<vmem>> -> memref<1x128xi32, #tpu.memory_space<vmem>>
    %dma_start3A_101 = tpu.memref_squeeze %dma_start3A_100 : memref<1x128xi32, #tpu.memory_space<vmem>> -> memref<128xi32, #tpu.memory_space<vmem>>
    %dma_start3A_102 = arith.constant 0 : i32
    %dma_start3A_103 = arith.constant 0 : i32
    %dma_start3A_104 = tpu.memref_slice %arg3[%dma_start3A_102, %dma_start3A_103] : memref<10112x64xf32, #tpu.memory_space<hbm>> -> memref<10112x64xf32, #tpu.memory_space<hbm>>
    tpu.enqueue_indirect_dma source(%dma_start3A_104 : memref<10112x64xf32, #tpu.memory_space<hbm>>) target(%arg11 : memref<128x64xf32, #tpu.memory_space<vmem>>) offsets(%dma_start3A_101 : memref<128xi32, #tpu.memory_space<vmem>>) semaphore(%arg14 : memref<!tpu.dma_semaphore, #tpu.memory_space<semaphore_mem>>)
    %scan3A_105 = arith.constant 0 : i32
    %scan3A_106 = arith.constant 0 : i32
    %scan3A_107 = arith.constant 41 : i32
    %scan3A_108 = arith.addi %scan3A_106, %scan3A_107 : i32
    %scan3A_109 = arith.constant 1 : i32
    %scan3A_110 = scf.for %scan3A_147 = %scan3A_106 to %scan3A_108 step %scan3A_109 iter_args(%scan3A_148 = %scan3A_105) -> (i32)  : i32 {
      %mul3A_149 = arith.constant 2 : i32
      %mul3A_150 = arith.muli %mul3A_149, %scan3A_147 : i32
      %add3A_151 = arith.constant 1 : i32
      %add3A_152 = arith.addi %mul3A_150, %add3A_151 : i32
      %dma_wait3A_153 = arith.constant 0 : i32
      %dma_wait3A_154 = tpu.memref_slice %arg8[%mul3A_150, %dma_wait3A_153] : memref<84x128xi32, #tpu.memory_space<vmem>> -> memref<1x128xi32, #tpu.memory_space<vmem>>
      %dma_wait3A_155 = tpu.memref_squeeze %dma_wait3A_154 : memref<1x128xi32, #tpu.memory_space<vmem>> -> memref<128xi32, #tpu.memory_space<vmem>>
      %dma_wait3A_156 = arith.constant 0 : i32
      %dma_wait3A_157 = arith.constant 0 : i32
      %dma_wait3A_158 = tpu.memref_slice %arg3[%dma_wait3A_156, %dma_wait3A_157] : memref<10112x64xf32, #tpu.memory_space<hbm>> -> memref<10112x64xf32, #tpu.memory_space<hbm>>
      tpu.wait_indirect_dma semaphore(%arg13 : memref<!tpu.dma_semaphore, #tpu.memory_space<semaphore_mem>>) src(%dma_wait3A_158 : memref<10112x64xf32, #tpu.memory_space<hbm>>) dst(%arg10 : memref<128x64xf32, #tpu.memory_space<vmem>>)
      "tpu.region"() ({
        %run_scoped3A = tpu.sem_alloc : memref<!tpu.dma_semaphore, #tpu.memory_space<semaphore_mem>>
        %dma_start3A_182 = arith.constant 0 : i32
        %dma_start3A_183 = tpu.memref_slice %arg9[%mul3A_150, %dma_start3A_182] : memref<84x128xi32, #tpu.memory_space<vmem>> -> memref<1x128xi32, #tpu.memory_space<vmem>>
        %dma_start3A_184 = tpu.memref_squeeze %dma_start3A_183 : memref<1x128xi32, #tpu.memory_space<vmem>> -> memref<128xi32, #tpu.memory_space<vmem>>
        %dma_start3A_185 = arith.constant 0 : i32
        %dma_start3A_186 = arith.constant 0 : i32
        %dma_start3A_187 = tpu.memref_slice %arg12[%dma_start3A_185, %dma_start3A_186] : memref<10112x64xf32, #tpu.memory_space<vmem_shared>> -> memref<10112x64xf32, #tpu.memory_space<vmem_shared>>
        tpu.enqueue_indirect_dma source(%arg10 : memref<128x64xf32, #tpu.memory_space<vmem>>) target(%dma_start3A_187 : memref<10112x64xf32, #tpu.memory_space<vmem_shared>>) offsets(%dma_start3A_184 : memref<128xi32, #tpu.memory_space<vmem>>) semaphore(%run_scoped3A : memref<!tpu.dma_semaphore, #tpu.memory_space<semaphore_mem>>) {add = true}
        %dma_wait3A_188 = arith.constant 0 : i32
        %dma_wait3A_189 = tpu.memref_slice %arg9[%mul3A_150, %dma_wait3A_188] : memref<84x128xi32, #tpu.memory_space<vmem>> -> memref<1x128xi32, #tpu.memory_space<vmem>>
        %dma_wait3A_190 = tpu.memref_squeeze %dma_wait3A_189 : memref<1x128xi32, #tpu.memory_space<vmem>> -> memref<128xi32, #tpu.memory_space<vmem>>
        %dma_wait3A_191 = arith.constant 0 : i32
        %dma_wait3A_192 = arith.constant 0 : i32
        %dma_wait3A_193 = tpu.memref_slice %arg12[%dma_wait3A_191, %dma_wait3A_192] : memref<10112x64xf32, #tpu.memory_space<vmem_shared>> -> memref<10112x64xf32, #tpu.memory_space<vmem_shared>>
        tpu.wait_indirect_dma semaphore(%run_scoped3A : memref<!tpu.dma_semaphore, #tpu.memory_space<semaphore_mem>>) src(%arg10 : memref<128x64xf32, #tpu.memory_space<vmem>>) dst(%dma_wait3A_193 : memref<10112x64xf32, #tpu.memory_space<vmem_shared>>)
        tpu.yield
      }) : () -> ()
      %add3A_159 = arith.constant 2 : i32
      %add3A_160 = arith.addi %mul3A_150, %add3A_159 : i32
      %dma_start3A_161 = arith.constant 0 : i32
      %dma_start3A_162 = tpu.memref_slice %arg8[%add3A_160, %dma_start3A_161] : memref<84x128xi32, #tpu.memory_space<vmem>> -> memref<1x128xi32, #tpu.memory_space<vmem>>
      %dma_start3A_163 = tpu.memref_squeeze %dma_start3A_162 : memref<1x128xi32, #tpu.memory_space<vmem>> -> memref<128xi32, #tpu.memory_space<vmem>>
      %dma_start3A_164 = arith.constant 0 : i32
      %dma_start3A_165 = arith.constant 0 : i32
      %dma_start3A_166 = tpu.memref_slice %arg3[%dma_start3A_164, %dma_start3A_165] : memref<10112x64xf32, #tpu.memory_space<hbm>> -> memref<10112x64xf32, #tpu.memory_space<hbm>>
      tpu.enqueue_indirect_dma source(%dma_start3A_166 : memref<10112x64xf32, #tpu.memory_space<hbm>>) target(%arg10 : memref<128x64xf32, #tpu.memory_space<vmem>>) offsets(%dma_start3A_163 : memref<128xi32, #tpu.memory_space<vmem>>) semaphore(%arg13 : memref<!tpu.dma_semaphore, #tpu.memory_space<semaphore_mem>>)
      %dma_wait3A_167 = arith.constant 0 : i32
      %dma_wait3A_168 = tpu.memref_slice %arg8[%add3A_152, %dma_wait3A_167] : memref<84x128xi32, #tpu.memory_space<vmem>> -> memref<1x128xi32, #tpu.memory_space<vmem>>
      %dma_wait3A_169 = tpu.memref_squeeze %dma_wait3A_168 : memref<1x128xi32, #tpu.memory_space<vmem>> -> memref<128xi32, #tpu.memory_space<vmem>>
      %dma_wait3A_170 = arith.constant 0 : i32
      %dma_wait3A_171 = arith.constant 0 : i32
      %dma_wait3A_172 = tpu.memref_slice %arg3[%dma_wait3A_170, %dma_wait3A_171] : memref<10112x64xf32, #tpu.memory_space<hbm>> -> memref<10112x64xf32, #tpu.memory_space<hbm>>
      tpu.wait_indirect_dma semaphore(%arg14 : memref<!tpu.dma_semaphore, #tpu.memory_space<semaphore_mem>>) src(%dma_wait3A_172 : memref<10112x64xf32, #tpu.memory_space<hbm>>) dst(%arg11 : memref<128x64xf32, #tpu.memory_space<vmem>>)
      "tpu.region"() ({
        %run_scoped3A = tpu.sem_alloc : memref<!tpu.dma_semaphore, #tpu.memory_space<semaphore_mem>>
        %dma_start3A_182 = arith.constant 0 : i32
        %dma_start3A_183 = tpu.memref_slice %arg9[%add3A_152, %dma_start3A_182] : memref<84x128xi32, #tpu.memory_space<vmem>> -> memref<1x128xi32, #tpu.memory_space<vmem>>
        %dma_start3A_184 = tpu.memref_squeeze %dma_start3A_183 : memref<1x128xi32, #tpu.memory_space<vmem>> -> memref<128xi32, #tpu.memory_space<vmem>>
        %dma_start3A_185 = arith.constant 0 : i32
        %dma_start3A_186 = arith.constant 0 : i32
        %dma_start3A_187 = tpu.memref_slice %arg12[%dma_start3A_185, %dma_start3A_186] : memref<10112x64xf32, #tpu.memory_space<vmem_shared>> -> memref<10112x64xf32, #tpu.memory_space<vmem_shared>>
        tpu.enqueue_indirect_dma source(%arg11 : memref<128x64xf32, #tpu.memory_space<vmem>>) target(%dma_start3A_187 : memref<10112x64xf32, #tpu.memory_space<vmem_shared>>) offsets(%dma_start3A_184 : memref<128xi32, #tpu.memory_space<vmem>>) semaphore(%run_scoped3A : memref<!tpu.dma_semaphore, #tpu.memory_space<semaphore_mem>>) {add = true}
        %dma_wait3A_188 = arith.constant 0 : i32
        %dma_wait3A_189 = tpu.memref_slice %arg9[%add3A_152, %dma_wait3A_188] : memref<84x128xi32, #tpu.memory_space<vmem>> -> memref<1x128xi32, #tpu.memory_space<vmem>>
        %dma_wait3A_190 = tpu.memref_squeeze %dma_wait3A_189 : memref<1x128xi32, #tpu.memory_space<vmem>> -> memref<128xi32, #tpu.memory_space<vmem>>
        %dma_wait3A_191 = arith.constant 0 : i32
        %dma_wait3A_192 = arith.constant 0 : i32
        %dma_wait3A_193 = tpu.memref_slice %arg12[%dma_wait3A_191, %dma_wait3A_192] : memref<10112x64xf32, #tpu.memory_space<vmem_shared>> -> memref<10112x64xf32, #tpu.memory_space<vmem_shared>>
        tpu.wait_indirect_dma semaphore(%run_scoped3A : memref<!tpu.dma_semaphore, #tpu.memory_space<semaphore_mem>>) src(%arg11 : memref<128x64xf32, #tpu.memory_space<vmem>>) dst(%dma_wait3A_193 : memref<10112x64xf32, #tpu.memory_space<vmem_shared>>)
        tpu.yield
      }) : () -> ()
      %add3A_173 = arith.constant 2 : i32
      %add3A_174 = arith.addi %add3A_152, %add3A_173 : i32
      %dma_start3A_175 = arith.constant 0 : i32
      %dma_start3A_176 = tpu.memref_slice %arg8[%add3A_174, %dma_start3A_175] : memref<84x128xi32, #tpu.memory_space<vmem>> -> memref<1x128xi32, #tpu.memory_space<vmem>>
      %dma_start3A_177 = tpu.memref_squeeze %dma_start3A_176 : memref<1x128xi32, #tpu.memory_space<vmem>> -> memref<128xi32, #tpu.memory_space<vmem>>
      %dma_start3A_178 = arith.constant 0 : i32
      %dma_start3A_179 = arith.constant 0 : i32
      %dma_start3A_180 = tpu.memref_slice %arg3[%dma_start3A_178, %dma_start3A_179] : memref<10112x64xf32, #tpu.memory_space<hbm>> -> memref<10112x64xf32, #tpu.memory_space<hbm>>
      tpu.enqueue_indirect_dma source(%dma_start3A_180 : memref<10112x64xf32, #tpu.memory_space<hbm>>) target(%arg11 : memref<128x64xf32, #tpu.memory_space<vmem>>) offsets(%dma_start3A_177 : memref<128xi32, #tpu.memory_space<vmem>>) semaphore(%arg14 : memref<!tpu.dma_semaphore, #tpu.memory_space<semaphore_mem>>)
      %scan3A_181 = arith.constant 0 : i32
      scf.yield %scan3A_181 : i32
    }
    %scan3A_111 = arith.constant 41 : i32
    %dma_wait3A_112 = arith.constant 82 : i32
    %dma_wait3A_113 = arith.constant 0 : i32
    %dma_wait3A_114 = tpu.memref_slice %arg8[%dma_wait3A_112, %dma_wait3A_113] : memref<84x128xi32, #tpu.memory_space<vmem>> -> memref<1x128xi32, #tpu.memory_space<vmem>>
    %dma_wait3A_115 = tpu.memref_squeeze %dma_wait3A_114 : memref<1x128xi32, #tpu.memory_space<vmem>> -> memref<128xi32, #tpu.memory_space<vmem>>
    %dma_wait3A_116 = arith.constant 0 : i32
    %dma_wait3A_117 = arith.constant 0 : i32
    %dma_wait3A_118 = tpu.memref_slice %arg3[%dma_wait3A_116, %dma_wait3A_117] : memref<10112x64xf32, #tpu.memory_space<hbm>> -> memref<10112x64xf32, #tpu.memory_space<hbm>>
    tpu.wait_indirect_dma semaphore(%arg13 : memref<!tpu.dma_semaphore, #tpu.memory_space<semaphore_mem>>) src(%dma_wait3A_118 : memref<10112x64xf32, #tpu.memory_space<hbm>>) dst(%arg10 : memref<128x64xf32, #tpu.memory_space<vmem>>)
    %dma_wait3A_119 = arith.constant 83 : i32
    %dma_wait3A_120 = arith.constant 0 : i32
    %dma_wait3A_121 = tpu.memref_slice %arg8[%dma_wait3A_119, %dma_wait3A_120] : memref<84x128xi32, #tpu.memory_space<vmem>> -> memref<1x128xi32, #tpu.memory_space<vmem>>
    %dma_wait3A_122 = tpu.memref_squeeze %dma_wait3A_121 : memref<1x128xi32, #tpu.memory_space<vmem>> -> memref<128xi32, #tpu.memory_space<vmem>>
    %dma_wait3A_123 = arith.constant 0 : i32
    %dma_wait3A_124 = arith.constant 0 : i32
    %dma_wait3A_125 = tpu.memref_slice %arg3[%dma_wait3A_123, %dma_wait3A_124] : memref<10112x64xf32, #tpu.memory_space<hbm>> -> memref<10112x64xf32, #tpu.memory_space<hbm>>
    tpu.wait_indirect_dma semaphore(%arg14 : memref<!tpu.dma_semaphore, #tpu.memory_space<semaphore_mem>>) src(%dma_wait3A_125 : memref<10112x64xf32, #tpu.memory_space<hbm>>) dst(%arg11 : memref<128x64xf32, #tpu.memory_space<vmem>>)
    %barrier3A_126 = arith.constant 0 : index
    tpu.barrier barrier_id(%barrier3A_126)
    %add3A_127 = arith.constant 0 : i32
    %add3A_128 = arith.addi %mul3A_2, %add3A_127 : i32
    "tpu.region"() ({
      %run_scoped3A = tpu.sem_alloc : memref<!tpu.dma_semaphore, #tpu.memory_space<semaphore_mem>>
      %dma_start3A_147 = arith.constant 0 : i32
      %dma_start3A_148 = arith.constant 0 : i32
      %dma_start3A_149 = tpu.memref_slice %arg10[%dma_start3A_147, %dma_start3A_148] : memref<128x64xf32, #tpu.memory_space<vmem>> -> memref<128x64xf32, #tpu.memory_space<vmem>>
      %dma_start3A_150 = arith.constant 0 : i32
      %dma_start3A_151 = tpu.memref_slice %arg12[%add3A_128, %dma_start3A_150] : memref<10112x64xf32, #tpu.memory_space<vmem_shared>> -> memref<128x64xf32, #tpu.memory_space<vmem_shared>>
      %dma_start3A_152 = arith.constant 0 : i32
      %dma_start3A_153 = arith.constant 0 : i32
      %dma_start3A_154 = tpu.memref_slice %arg10[%dma_start3A_152, %dma_start3A_153] : memref<128x64xf32, #tpu.memory_space<vmem>> -> memref<128x64xf32, #tpu.memory_space<vmem>>
      %dma_start3A_155 = arith.constant 0 : i32
      %dma_start3A_156 = tpu.memref_slice %arg12[%add3A_128, %dma_start3A_155] : memref<10112x64xf32, #tpu.memory_space<vmem_shared>> -> memref<128x64xf32, #tpu.memory_space<vmem_shared>>
      tpu.enqueue_dma source(%dma_start3A_156 : memref<128x64xf32, #tpu.memory_space<vmem_shared>>) target(%dma_start3A_154 : memref<128x64xf32, #tpu.memory_space<vmem>>) target_semaphore(%run_scoped3A : memref<!tpu.dma_semaphore, #tpu.memory_space<semaphore_mem>>)
      %dma_wait3A_157 = arith.constant 0 : i32
      %dma_wait3A_158 = arith.constant 0 : i32
      %dma_wait3A_159 = tpu.memref_slice %arg10[%dma_wait3A_157, %dma_wait3A_158] : memref<128x64xf32, #tpu.memory_space<vmem>> -> memref<128x64xf32, #tpu.memory_space<vmem>>
      %dma_wait3A_160 = arith.constant 0 : i32
      %dma_wait3A_161 = tpu.memref_slice %arg12[%add3A_128, %dma_wait3A_160] : memref<10112x64xf32, #tpu.memory_space<vmem_shared>> -> memref<128x64xf32, #tpu.memory_space<vmem_shared>>
      %dma_wait3A_162 = arith.constant 0 : i32
      %dma_wait3A_163 = arith.constant 0 : i32
      %dma_wait3A_164 = tpu.memref_slice %arg10[%dma_wait3A_162, %dma_wait3A_163] : memref<128x64xf32, #tpu.memory_space<vmem>> -> memref<128x64xf32, #tpu.memory_space<vmem>>
      %dma_wait3A_165 = arith.constant 0 : i32
      %dma_wait3A_166 = tpu.memref_slice %arg12[%add3A_128, %dma_wait3A_165] : memref<10112x64xf32, #tpu.memory_space<vmem_shared>> -> memref<128x64xf32, #tpu.memory_space<vmem_shared>>
      tpu.wait_dma2 semaphore(%run_scoped3A : memref<!tpu.dma_semaphore, #tpu.memory_space<semaphore_mem>>) src(%dma_wait3A_166 : memref<128x64xf32, #tpu.memory_space<vmem_shared>>) dst(%dma_wait3A_164 : memref<128x64xf32, #tpu.memory_space<vmem>>)
      tpu.yield
    }) : () -> ()
    %add3A_129 = arith.constant 0 : i32
    %add3A_130 = arith.addi %mul3A_2, %add3A_129 : i32
    "tpu.region"() ({
      %run_scoped3A = tpu.sem_alloc : memref<!tpu.dma_semaphore, #tpu.memory_space<semaphore_mem>>
      %dma_start3A_147 = arith.constant 0 : i32
      %dma_start3A_148 = arith.constant 0 : i32
      %dma_start3A_149 = tpu.memref_slice %arg10[%dma_start3A_147, %dma_start3A_148] : memref<128x64xf32, #tpu.memory_space<vmem>> -> memref<128x64xf32, #tpu.memory_space<vmem>>
      %dma_start3A_150 = arith.constant 0 : i32
      %dma_start3A_151 = tpu.memref_slice %arg7[%arg0, %add3A_130, %dma_start3A_150] : memref<2x10112x64xf32, #tpu.memory_space<hbm>> -> memref<1x128x64xf32, #tpu.memory_space<hbm>>
      %dma_start3A_152 = tpu.memref_squeeze %dma_start3A_151 : memref<1x128x64xf32, #tpu.memory_space<hbm>> -> memref<128x64xf32, #tpu.memory_space<hbm>>
      %dma_start3A_153 = arith.constant 0 : i32
      %dma_start3A_154 = tpu.memref_slice %arg7[%arg0, %add3A_130, %dma_start3A_153] : memref<2x10112x64xf32, #tpu.memory_space<hbm>> -> memref<1x128x64xf32, #tpu.memory_space<hbm>>
      %dma_start3A_155 = tpu.memref_squeeze %dma_start3A_154 : memref<1x128x64xf32, #tpu.memory_space<hbm>> -> memref<128x64xf32, #tpu.memory_space<hbm>>
      %dma_start3A_156 = arith.constant 0 : i32
      %dma_start3A_157 = arith.constant 0 : i32
      %dma_start3A_158 = tpu.memref_slice %arg10[%dma_start3A_156, %dma_start3A_157] : memref<128x64xf32, #tpu.memory_space<vmem>> -> memref<128x64xf32, #tpu.memory_space<vmem>>
      tpu.enqueue_dma source(%dma_start3A_158 : memref<128x64xf32, #tpu.memory_space<vmem>>) target(%dma_start3A_155 : memref<128x64xf32, #tpu.memory_space<hbm>>) target_semaphore(%run_scoped3A : memref<!tpu.dma_semaphore, #tpu.memory_space<semaphore_mem>>)
      %dma_wait3A_159 = arith.constant 0 : i32
      %dma_wait3A_160 = arith.constant 0 : i32
      %dma_wait3A_161 = tpu.memref_slice %arg10[%dma_wait3A_159, %dma_wait3A_160] : memref<128x64xf32, #tpu.memory_space<vmem>> -> memref<128x64xf32, #tpu.memory_space<vmem>>
      %dma_wait3A_162 = arith.constant 0 : i32
      %dma_wait3A_163 = tpu.memref_slice %arg7[%arg0, %add3A_130, %dma_wait3A_162] : memref<2x10112x64xf32, #tpu.memory_space<hbm>> -> memref<1x128x64xf32, #tpu.memory_space<hbm>>
      %dma_wait3A_164 = tpu.memref_squeeze %dma_wait3A_163 : memref<1x128x64xf32, #tpu.memory_space<hbm>> -> memref<128x64xf32, #tpu.memory_space<hbm>>
      %dma_wait3A_165 = arith.constant 0 : i32
      %dma_wait3A_166 = tpu.memref_slice %arg7[%arg0, %add3A_130, %dma_wait3A_165] : memref<2x10112x64xf32, #tpu.memory_space<hbm>> -> memref<1x128x64xf32, #tpu.memory_space<hbm>>
      %dma_wait3A_167 = tpu.memref_squeeze %dma_wait3A_166 : memref<1x128x64xf32, #tpu.memory_space<hbm>> -> memref<128x64xf32, #tpu.memory_space<hbm>>
      %dma_wait3A_168 = arith.constant 0 : i32
      %dma_wait3A_169 = arith.constant 0 : i32
      %dma_wait3A_170 = tpu.memref_slice %arg10[%dma_wait3A_168, %dma_wait3A_169] : memref<128x64xf32, #tpu.memory_space<vmem>> -> memref<128x64xf32, #tpu.memory_space<vmem>>
      tpu.wait_dma2 semaphore(%run_scoped3A : memref<!tpu.dma_semaphore, #tpu.memory_space<semaphore_mem>>) src(%dma_wait3A_170 : memref<128x64xf32, #tpu.memory_space<vmem>>) dst(%dma_wait3A_167 : memref<128x64xf32, #tpu.memory_space<hbm>>)
      tpu.yield
    }) : () -> ()
    %add3A_131 = arith.constant 128 : i32
    %add3A_132 = arith.addi %mul3A_2, %add3A_131 : i32
    "tpu.region"() ({
      %run_scoped3A = tpu.sem_alloc : memref<!tpu.dma_semaphore, #tpu.memory_space<semaphore_mem>>
      %dma_start3A_147 = arith.constant 0 : i32
      %dma_start3A_148 = arith.constant 0 : i32
      %dma_start3A_149 = tpu.memref_slice %arg10[%dma_start3A_147, %dma_start3A_148] : memref<128x64xf32, #tpu.memory_space<vmem>> -> memref<128x64xf32, #tpu.memory_space<vmem>>
      %dma_start3A_150 = arith.constant 0 : i32
      %dma_start3A_151 = tpu.memref_slice %arg12[%add3A_132, %dma_start3A_150] : memref<10112x64xf32, #tpu.memory_space<vmem_shared>> -> memref<128x64xf32, #tpu.memory_space<vmem_shared>>
      %dma_start3A_152 = arith.constant 0 : i32
      %dma_start3A_153 = arith.constant 0 : i32
      %dma_start3A_154 = tpu.memref_slice %arg10[%dma_start3A_152, %dma_start3A_153] : memref<128x64xf32, #tpu.memory_space<vmem>> -> memref<128x64xf32, #tpu.memory_space<vmem>>
      %dma_start3A_155 = arith.constant 0 : i32
      %dma_start3A_156 = tpu.memref_slice %arg12[%add3A_132, %dma_start3A_155] : memref<10112x64xf32, #tpu.memory_space<vmem_shared>> -> memref<128x64xf32, #tpu.memory_space<vmem_shared>>
      tpu.enqueue_dma source(%dma_start3A_156 : memref<128x64xf32, #tpu.memory_space<vmem_shared>>) target(%dma_start3A_154 : memref<128x64xf32, #tpu.memory_space<vmem>>) target_semaphore(%run_scoped3A : memref<!tpu.dma_semaphore, #tpu.memory_space<semaphore_mem>>)
      %dma_wait3A_157 = arith.constant 0 : i32
      %dma_wait3A_158 = arith.constant 0 : i32
      %dma_wait3A_159 = tpu.memref_slice %arg10[%dma_wait3A_157, %dma_wait3A_158] : memref<128x64xf32, #tpu.memory_space<vmem>> -> memref<128x64xf32, #tpu.memory_space<vmem>>
      %dma_wait3A_160 = arith.constant 0 : i32
      %dma_wait3A_161 = tpu.memref_slice %arg12[%add3A_132, %dma_wait3A_160] : memref<10112x64xf32, #tpu.memory_space<vmem_shared>> -> memref<128x64xf32, #tpu.memory_space<vmem_shared>>
      %dma_wait3A_162 = arith.constant 0 : i32
      %dma_wait3A_163 = arith.constant 0 : i32
      %dma_wait3A_164 = tpu.memref_slice %arg10[%dma_wait3A_162, %dma_wait3A_163] : memref<128x64xf32, #tpu.memory_space<vmem>> -> memref<128x64xf32, #tpu.memory_space<vmem>>
      %dma_wait3A_165 = arith.constant 0 : i32
      %dma_wait3A_166 = tpu.memref_slice %arg12[%add3A_132, %dma_wait3A_165] : memref<10112x64xf32, #tpu.memory_space<vmem_shared>> -> memref<128x64xf32, #tpu.memory_space<vmem_shared>>
      tpu.wait_dma2 semaphore(%run_scoped3A : memref<!tpu.dma_semaphore, #tpu.memory_space<semaphore_mem>>) src(%dma_wait3A_166 : memref<128x64xf32, #tpu.memory_space<vmem_shared>>) dst(%dma_wait3A_164 : memref<128x64xf32, #tpu.memory_space<vmem>>)
      tpu.yield
    }) : () -> ()
    %add3A_133 = arith.constant 128 : i32
    %add3A_134 = arith.addi %mul3A_2, %add3A_133 : i32
    "tpu.region"() ({
      %run_scoped3A = tpu.sem_alloc : memref<!tpu.dma_semaphore, #tpu.memory_space<semaphore_mem>>
      %dma_start3A_147 = arith.constant 0 : i32
      %dma_start3A_148 = arith.constant 0 : i32
      %dma_start3A_149 = tpu.memref_slice %arg10[%dma_start3A_147, %dma_start3A_148] : memref<128x64xf32, #tpu.memory_space<vmem>> -> memref<128x64xf32, #tpu.memory_space<vmem>>
      %dma_start3A_150 = arith.constant 0 : i32
      %dma_start3A_151 = tpu.memref_slice %arg7[%arg0, %add3A_134, %dma_start3A_150] : memref<2x10112x64xf32, #tpu.memory_space<hbm>> -> memref<1x128x64xf32, #tpu.memory_space<hbm>>
      %dma_start3A_152 = tpu.memref_squeeze %dma_start3A_151 : memref<1x128x64xf32, #tpu.memory_space<hbm>> -> memref<128x64xf32, #tpu.memory_space<hbm>>
      %dma_start3A_153 = arith.constant 0 : i32
      %dma_start3A_154 = tpu.memref_slice %arg7[%arg0, %add3A_134, %dma_start3A_153] : memref<2x10112x64xf32, #tpu.memory_space<hbm>> -> memref<1x128x64xf32, #tpu.memory_space<hbm>>
      %dma_start3A_155 = tpu.memref_squeeze %dma_start3A_154 : memref<1x128x64xf32, #tpu.memory_space<hbm>> -> memref<128x64xf32, #tpu.memory_space<hbm>>
      %dma_start3A_156 = arith.constant 0 : i32
      %dma_start3A_157 = arith.constant 0 : i32
      %dma_start3A_158 = tpu.memref_slice %arg10[%dma_start3A_156, %dma_start3A_157] : memref<128x64xf32, #tpu.memory_space<vmem>> -> memref<128x64xf32, #tpu.memory_space<vmem>>
      tpu.enqueue_dma source(%dma_start3A_158 : memref<128x64xf32, #tpu.memory_space<vmem>>) target(%dma_start3A_155 : memref<128x64xf32, #tpu.memory_space<hbm>>) target_semaphore(%run_scoped3A : memref<!tpu.dma_semaphore, #tpu.memory_space<semaphore_mem>>)
      %dma_wait3A_159 = arith.constant 0 : i32
      %dma_wait3A_160 = arith.constant 0 : i32
      %dma_wait3A_161 = tpu.memref_slice %arg10[%dma_wait3A_159, %dma_wait3A_160] : memref<128x64xf32, #tpu.memory_space<vmem>> -> memref<128x64xf32, #tpu.memory_space<vmem>>
      %dma_wait3A_162 = arith.constant 0 : i32
      %dma_wait3A_163 = tpu.memref_slice %arg7[%arg0, %add3A_134, %dma_wait3A_162] : memref<2x10112x64xf32, #tpu.memory_space<hbm>> -> memref<1x128x64xf32, #tpu.memory_space<hbm>>
      %dma_wait3A_164 = tpu.memref_squeeze %dma_wait3A_163 : memref<1x128x64xf32, #tpu.memory_space<hbm>> -> memref<128x64xf32, #tpu.memory_space<hbm>>
      %dma_wait3A_165 = arith.constant 0 : i32
      %dma_wait3A_166 = tpu.memref_slice %arg7[%arg0, %add3A_134, %dma_wait3A_165] : memref<2x10112x64xf32, #tpu.memory_space<hbm>> -> memref<1x128x64xf32, #tpu.memory_space<hbm>>
      %dma_wait3A_167 = tpu.memref_squeeze %dma_wait3A_166 : memref<1x128x64xf32, #tpu.memory_space<hbm>> -> memref<128x64xf32, #tpu.memory_space<hbm>>
      %dma_wait3A_168 = arith.constant 0 : i32
      %dma_wait3A_169 = arith.constant 0 : i32
      %dma_wait3A_170 = tpu.memref_slice %arg10[%dma_wait3A_168, %dma_wait3A_169] : memref<128x64xf32, #tpu.memory_space<vmem>> -> memref<128x64xf32, #tpu.memory_space<vmem>>
      tpu.wait_dma2 semaphore(%run_scoped3A : memref<!tpu.dma_semaphore, #tpu.memory_space<semaphore_mem>>) src(%dma_wait3A_170 : memref<128x64xf32, #tpu.memory_space<vmem>>) dst(%dma_wait3A_167 : memref<128x64xf32, #tpu.memory_space<hbm>>)
      tpu.yield
    }) : () -> ()
    %add3A_135 = arith.constant 256 : i32
    %add3A_136 = arith.addi %mul3A_2, %add3A_135 : i32
    "tpu.region"() ({
      %run_scoped3A = tpu.sem_alloc : memref<!tpu.dma_semaphore, #tpu.memory_space<semaphore_mem>>
      %dma_start3A_147 = arith.constant 0 : i32
      %dma_start3A_148 = arith.constant 0 : i32
      %dma_start3A_149 = tpu.memref_slice %arg10[%dma_start3A_147, %dma_start3A_148] : memref<128x64xf32, #tpu.memory_space<vmem>> -> memref<128x64xf32, #tpu.memory_space<vmem>>
      %dma_start3A_150 = arith.constant 0 : i32
      %dma_start3A_151 = tpu.memref_slice %arg12[%add3A_136, %dma_start3A_150] : memref<10112x64xf32, #tpu.memory_space<vmem_shared>> -> memref<128x64xf32, #tpu.memory_space<vmem_shared>>
      %dma_start3A_152 = arith.constant 0 : i32
      %dma_start3A_153 = arith.constant 0 : i32
      %dma_start3A_154 = tpu.memref_slice %arg10[%dma_start3A_152, %dma_start3A_153] : memref<128x64xf32, #tpu.memory_space<vmem>> -> memref<128x64xf32, #tpu.memory_space<vmem>>
      %dma_start3A_155 = arith.constant 0 : i32
      %dma_start3A_156 = tpu.memref_slice %arg12[%add3A_136, %dma_start3A_155] : memref<10112x64xf32, #tpu.memory_space<vmem_shared>> -> memref<128x64xf32, #tpu.memory_space<vmem_shared>>
      tpu.enqueue_dma source(%dma_start3A_156 : memref<128x64xf32, #tpu.memory_space<vmem_shared>>) target(%dma_start3A_154 : memref<128x64xf32, #tpu.memory_space<vmem>>) target_semaphore(%run_scoped3A : memref<!tpu.dma_semaphore, #tpu.memory_space<semaphore_mem>>)
      %dma_wait3A_157 = arith.constant 0 : i32
      %dma_wait3A_158 = arith.constant 0 : i32
      %dma_wait3A_159 = tpu.memref_slice %arg10[%dma_wait3A_157, %dma_wait3A_158] : memref<128x64xf32, #tpu.memory_space<vmem>> -> memref<128x64xf32, #tpu.memory_space<vmem>>
      %dma_wait3A_160 = arith.constant 0 : i32
      %dma_wait3A_161 = tpu.memref_slice %arg12[%add3A_136, %dma_wait3A_160] : memref<10112x64xf32, #tpu.memory_space<vmem_shared>> -> memref<128x64xf32, #tpu.memory_space<vmem_shared>>
      %dma_wait3A_162 = arith.constant 0 : i32
      %dma_wait3A_163 = arith.constant 0 : i32
      %dma_wait3A_164 = tpu.memref_slice %arg10[%dma_wait3A_162, %dma_wait3A_163] : memref<128x64xf32, #tpu.memory_space<vmem>> -> memref<128x64xf32, #tpu.memory_space<vmem>>
      %dma_wait3A_165 = arith.constant 0 : i32
      %dma_wait3A_166 = tpu.memref_slice %arg12[%add3A_136, %dma_wait3A_165] : memref<10112x64xf32, #tpu.memory_space<vmem_shared>> -> memref<128x64xf32, #tpu.memory_space<vmem_shared>>
      tpu.wait_dma2 semaphore(%run_scoped3A : memref<!tpu.dma_semaphore, #tpu.memory_space<semaphore_mem>>) src(%dma_wait3A_166 : memref<128x64xf32, #tpu.memory_space<vmem_shared>>) dst(%dma_wait3A_164 : memref<128x64xf32, #tpu.memory_space<vmem>>)
      tpu.yield
    }) : () -> ()
    %add3A_137 = arith.constant 256 : i32
    %add3A_138 = arith.addi %mul3A_2, %add3A_137 : i32
    "tpu.region"() ({
      %run_scoped3A = tpu.sem_alloc : memref<!tpu.dma_semaphore, #tpu.memory_space<semaphore_mem>>
      %dma_start3A_147 = arith.constant 0 : i32
      %dma_start3A_148 = arith.constant 0 : i32
      %dma_start3A_149 = tpu.memref_slice %arg10[%dma_start3A_147, %dma_start3A_148] : memref<128x64xf32, #tpu.memory_space<vmem>> -> memref<128x64xf32, #tpu.memory_space<vmem>>
      %dma_start3A_150 = arith.constant 0 : i32
      %dma_start3A_151 = tpu.memref_slice %arg7[%arg0, %add3A_138, %dma_start3A_150] : memref<2x10112x64xf32, #tpu.memory_space<hbm>> -> memref<1x128x64xf32, #tpu.memory_space<hbm>>
      %dma_start3A_152 = tpu.memref_squeeze %dma_start3A_151 : memref<1x128x64xf32, #tpu.memory_space<hbm>> -> memref<128x64xf32, #tpu.memory_space<hbm>>
      %dma_start3A_153 = arith.constant 0 : i32
      %dma_start3A_154 = tpu.memref_slice %arg7[%arg0, %add3A_138, %dma_start3A_153] : memref<2x10112x64xf32, #tpu.memory_space<hbm>> -> memref<1x128x64xf32, #tpu.memory_space<hbm>>
      %dma_start3A_155 = tpu.memref_squeeze %dma_start3A_154 : memref<1x128x64xf32, #tpu.memory_space<hbm>> -> memref<128x64xf32, #tpu.memory_space<hbm>>
      %dma_start3A_156 = arith.constant 0 : i32
      %dma_start3A_157 = arith.constant 0 : i32
      %dma_start3A_158 = tpu.memref_slice %arg10[%dma_start3A_156, %dma_start3A_157] : memref<128x64xf32, #tpu.memory_space<vmem>> -> memref<128x64xf32, #tpu.memory_space<vmem>>
      tpu.enqueue_dma source(%dma_start3A_158 : memref<128x64xf32, #tpu.memory_space<vmem>>) target(%dma_start3A_155 : memref<128x64xf32, #tpu.memory_space<hbm>>) target_semaphore(%run_scoped3A : memref<!tpu.dma_semaphore, #tpu.memory_space<semaphore_mem>>)
      %dma_wait3A_159 = arith.constant 0 : i32
      %dma_wait3A_160 = arith.constant 0 : i32
      %dma_wait3A_161 = tpu.memref_slice %arg10[%dma_wait3A_159, %dma_wait3A_160] : memref<128x64xf32, #tpu.memory_space<vmem>> -> memref<128x64xf32, #tpu.memory_space<vmem>>
      %dma_wait3A_162 = arith.constant 0 : i32
      %dma_wait3A_163 = tpu.memref_slice %arg7[%arg0, %add3A_138, %dma_wait3A_162] : memref<2x10112x64xf32, #tpu.memory_space<hbm>> -> memref<1x128x64xf32, #tpu.memory_space<hbm>>
      %dma_wait3A_164 = tpu.memref_squeeze %dma_wait3A_163 : memref<1x128x64xf32, #tpu.memory_space<hbm>> -> memref<128x64xf32, #tpu.memory_space<hbm>>
      %dma_wait3A_165 = arith.constant 0 : i32
      %dma_wait3A_166 = tpu.memref_slice %arg7[%arg0, %add3A_138, %dma_wait3A_165] : memref<2x10112x64xf32, #tpu.memory_space<hbm>> -> memref<1x128x64xf32, #tpu.memory_space<hbm>>
      %dma_wait3A_167 = tpu.memref_squeeze %dma_wait3A_166 : memref<1x128x64xf32, #tpu.memory_space<hbm>> -> memref<128x64xf32, #tpu.memory_space<hbm>>
      %dma_wait3A_168 = arith.constant 0 : i32
      %dma_wait3A_169 = arith.constant 0 : i32
      %dma_wait3A_170 = tpu.memref_slice %arg10[%dma_wait3A_168, %dma_wait3A_169] : memref<128x64xf32, #tpu.memory_space<vmem>> -> memref<128x64xf32, #tpu.memory_space<vmem>>
      tpu.wait_dma2 semaphore(%run_scoped3A : memref<!tpu.dma_semaphore, #tpu.memory_space<semaphore_mem>>) src(%dma_wait3A_170 : memref<128x64xf32, #tpu.memory_space<vmem>>) dst(%dma_wait3A_167 : memref<128x64xf32, #tpu.memory_space<hbm>>)
      tpu.yield
    }) : () -> ()
    %add3A_139 = arith.constant 384 : i32
    %add3A_140 = arith.addi %mul3A_2, %add3A_139 : i32
    "tpu.region"() ({
      %run_scoped3A = tpu.sem_alloc : memref<!tpu.dma_semaphore, #tpu.memory_space<semaphore_mem>>
      %dma_start3A_147 = arith.constant 0 : i32
      %dma_start3A_148 = arith.constant 0 : i32
      %dma_start3A_149 = tpu.memref_slice %arg10[%dma_start3A_147, %dma_start3A_148] : memref<128x64xf32, #tpu.memory_space<vmem>> -> memref<128x64xf32, #tpu.memory_space<vmem>>
      %dma_start3A_150 = arith.constant 0 : i32
      %dma_start3A_151 = tpu.memref_slice %arg12[%add3A_140, %dma_start3A_150] : memref<10112x64xf32, #tpu.memory_space<vmem_shared>> -> memref<128x64xf32, #tpu.memory_space<vmem_shared>>
      %dma_start3A_152 = arith.constant 0 : i32
      %dma_start3A_153 = arith.constant 0 : i32
      %dma_start3A_154 = tpu.memref_slice %arg10[%dma_start3A_152, %dma_start3A_153] : memref<128x64xf32, #tpu.memory_space<vmem>> -> memref<128x64xf32, #tpu.memory_space<vmem>>
      %dma_start3A_155 = arith.constant 0 : i32
      %dma_start3A_156 = tpu.memref_slice %arg12[%add3A_140, %dma_start3A_155] : memref<10112x64xf32, #tpu.memory_space<vmem_shared>> -> memref<128x64xf32, #tpu.memory_space<vmem_shared>>
      tpu.enqueue_dma source(%dma_start3A_156 : memref<128x64xf32, #tpu.memory_space<vmem_shared>>) target(%dma_start3A_154 : memref<128x64xf32, #tpu.memory_space<vmem>>) target_semaphore(%run_scoped3A : memref<!tpu.dma_semaphore, #tpu.memory_space<semaphore_mem>>)
      %dma_wait3A_157 = arith.constant 0 : i32
      %dma_wait3A_158 = arith.constant 0 : i32
      %dma_wait3A_159 = tpu.memref_slice %arg10[%dma_wait3A_157, %dma_wait3A_158] : memref<128x64xf32, #tpu.memory_space<vmem>> -> memref<128x64xf32, #tpu.memory_space<vmem>>
      %dma_wait3A_160 = arith.constant 0 : i32
      %dma_wait3A_161 = tpu.memref_slice %arg12[%add3A_140, %dma_wait3A_160] : memref<10112x64xf32, #tpu.memory_space<vmem_shared>> -> memref<128x64xf32, #tpu.memory_space<vmem_shared>>
      %dma_wait3A_162 = arith.constant 0 : i32
      %dma_wait3A_163 = arith.constant 0 : i32
      %dma_wait3A_164 = tpu.memref_slice %arg10[%dma_wait3A_162, %dma_wait3A_163] : memref<128x64xf32, #tpu.memory_space<vmem>> -> memref<128x64xf32, #tpu.memory_space<vmem>>
      %dma_wait3A_165 = arith.constant 0 : i32
      %dma_wait3A_166 = tpu.memref_slice %arg12[%add3A_140, %dma_wait3A_165] : memref<10112x64xf32, #tpu.memory_space<vmem_shared>> -> memref<128x64xf32, #tpu.memory_space<vmem_shared>>
      tpu.wait_dma2 semaphore(%run_scoped3A : memref<!tpu.dma_semaphore, #tpu.memory_space<semaphore_mem>>) src(%dma_wait3A_166 : memref<128x64xf32, #tpu.memory_space<vmem_shared>>) dst(%dma_wait3A_164 : memref<128x64xf32, #tpu.memory_space<vmem>>)
      tpu.yield
    }) : () -> ()
    %add3A_141 = arith.constant 384 : i32
    %add3A_142 = arith.addi %mul3A_2, %add3A_141 : i32
    "tpu.region"() ({
      %run_scoped3A = tpu.sem_alloc : memref<!tpu.dma_semaphore, #tpu.memory_space<semaphore_mem>>
      %dma_start3A_147 = arith.constant 0 : i32
      %dma_start3A_148 = arith.constant 0 : i32
      %dma_start3A_149 = tpu.memref_slice %arg10[%dma_start3A_147, %dma_start3A_148] : memref<128x64xf32, #tpu.memory_space<vmem>> -> memref<128x64xf32, #tpu.memory_space<vmem>>
      %dma_start3A_150 = arith.constant 0 : i32
      %dma_start3A_151 = tpu.memref_slice %arg7[%arg0, %add3A_142, %dma_start3A_150] : memref<2x10112x64xf32, #tpu.memory_space<hbm>> -> memref<1x128x64xf32, #tpu.memory_space<hbm>>
      %dma_start3A_152 = tpu.memref_squeeze %dma_start3A_151 : memref<1x128x64xf32, #tpu.memory_space<hbm>> -> memref<128x64xf32, #tpu.memory_space<hbm>>
      %dma_start3A_153 = arith.constant 0 : i32
      %dma_start3A_154 = tpu.memref_slice %arg7[%arg0, %add3A_142, %dma_start3A_153] : memref<2x10112x64xf32, #tpu.memory_space<hbm>> -> memref<1x128x64xf32, #tpu.memory_space<hbm>>
      %dma_start3A_155 = tpu.memref_squeeze %dma_start3A_154 : memref<1x128x64xf32, #tpu.memory_space<hbm>> -> memref<128x64xf32, #tpu.memory_space<hbm>>
      %dma_start3A_156 = arith.constant 0 : i32
      %dma_start3A_157 = arith.constant 0 : i32
      %dma_start3A_158 = tpu.memref_slice %arg10[%dma_start3A_156, %dma_start3A_157] : memref<128x64xf32, #tpu.memory_space<vmem>> -> memref<128x64xf32, #tpu.memory_space<vmem>>
      tpu.enqueue_dma source(%dma_start3A_158 : memref<128x64xf32, #tpu.memory_space<vmem>>) target(%dma_start3A_155 : memref<128x64xf32, #tpu.memory_space<hbm>>) target_semaphore(%run_scoped3A : memref<!tpu.dma_semaphore, #tpu.memory_space<semaphore_mem>>)
      %dma_wait3A_159 = arith.constant 0 : i32
      %dma_wait3A_160 = arith.constant 0 : i32
      %dma_wait3A_161 = tpu.memref_slice %arg10[%dma_wait3A_159, %dma_wait3A_160] : memref<128x64xf32, #tpu.memory_space<vmem>> -> memref<128x64xf32, #tpu.memory_space<vmem>>
      %dma_wait3A_162 = arith.constant 0 : i32
      %dma_wait3A_163 = tpu.memref_slice %arg7[%arg0, %add3A_142, %dma_wait3A_162] : memref<2x10112x64xf32, #tpu.memory_space<hbm>> -> memref<1x128x64xf32, #tpu.memory_space<hbm>>
      %dma_wait3A_164 = tpu.memref_squeeze %dma_wait3A_163 : memref<1x128x64xf32, #tpu.memory_space<hbm>> -> memref<128x64xf32, #tpu.memory_space<hbm>>
      %dma_wait3A_165 = arith.constant 0 : i32
      %dma_wait3A_166 = tpu.memref_slice %arg7[%arg0, %add3A_142, %dma_wait3A_165] : memref<2x10112x64xf32, #tpu.memory_space<hbm>> -> memref<1x128x64xf32, #tpu.memory_space<hbm>>
      %dma_wait3A_167 = tpu.memref_squeeze %dma_wait3A_166 : memref<1x128x64xf32, #tpu.memory_space<hbm>> -> memref<128x64xf32, #tpu.memory_space<hbm>>
      %dma_wait3A_168 = arith.constant 0 : i32
      %dma_wait3A_169 = arith.constant 0 : i32
      %dma_wait3A_170 = tpu.memref_slice %arg10[%dma_wait3A_168, %dma_wait3A_169] : memref<128x64xf32, #tpu.memory_space<vmem>> -> memref<128x64xf32, #tpu.memory_space<vmem>>
      tpu.wait_dma2 semaphore(%run_scoped3A : memref<!tpu.dma_semaphore, #tpu.memory_space<semaphore_mem>>) src(%dma_wait3A_170 : memref<128x64xf32, #tpu.memory_space<vmem>>) dst(%dma_wait3A_167 : memref<128x64xf32, #tpu.memory_space<hbm>>)
      tpu.yield
    }) : () -> ()
    %add3A_143 = arith.constant 512 : i32
    %add3A_144 = arith.addi %mul3A_2, %add3A_143 : i32
    "tpu.region"() ({
      %run_scoped3A = tpu.sem_alloc : memref<!tpu.dma_semaphore, #tpu.memory_space<semaphore_mem>>
      %dma_start3A_147 = arith.constant 0 : i32
      %dma_start3A_148 = arith.constant 0 : i32
      %dma_start3A_149 = tpu.memref_slice %arg10[%dma_start3A_147, %dma_start3A_148] : memref<128x64xf32, #tpu.memory_space<vmem>> -> memref<120x64xf32, #tpu.memory_space<vmem>>
      %dma_start3A_150 = arith.constant 0 : i32
      %dma_start3A_151 = tpu.memref_slice %arg12[%add3A_144, %dma_start3A_150] : memref<10112x64xf32, #tpu.memory_space<vmem_shared>> -> memref<120x64xf32, #tpu.memory_space<vmem_shared>>
      %dma_start3A_152 = arith.constant 0 : i32
      %dma_start3A_153 = arith.constant 0 : i32
      %dma_start3A_154 = tpu.memref_slice %arg10[%dma_start3A_152, %dma_start3A_153] : memref<128x64xf32, #tpu.memory_space<vmem>> -> memref<120x64xf32, #tpu.memory_space<vmem>>
      %dma_start3A_155 = arith.constant 0 : i32
      %dma_start3A_156 = tpu.memref_slice %arg12[%add3A_144, %dma_start3A_155] : memref<10112x64xf32, #tpu.memory_space<vmem_shared>> -> memref<120x64xf32, #tpu.memory_space<vmem_shared>>
      tpu.enqueue_dma source(%dma_start3A_156 : memref<120x64xf32, #tpu.memory_space<vmem_shared>>) target(%dma_start3A_154 : memref<120x64xf32, #tpu.memory_space<vmem>>) target_semaphore(%run_scoped3A : memref<!tpu.dma_semaphore, #tpu.memory_space<semaphore_mem>>)
      %dma_wait3A_157 = arith.constant 0 : i32
      %dma_wait3A_158 = arith.constant 0 : i32
      %dma_wait3A_159 = tpu.memref_slice %arg10[%dma_wait3A_157, %dma_wait3A_158] : memref<128x64xf32, #tpu.memory_space<vmem>> -> memref<120x64xf32, #tpu.memory_space<vmem>>
      %dma_wait3A_160 = arith.constant 0 : i32
      %dma_wait3A_161 = tpu.memref_slice %arg12[%add3A_144, %dma_wait3A_160] : memref<10112x64xf32, #tpu.memory_space<vmem_shared>> -> memref<120x64xf32, #tpu.memory_space<vmem_shared>>
      %dma_wait3A_162 = arith.constant 0 : i32
      %dma_wait3A_163 = arith.constant 0 : i32
      %dma_wait3A_164 = tpu.memref_slice %arg10[%dma_wait3A_162, %dma_wait3A_163] : memref<128x64xf32, #tpu.memory_space<vmem>> -> memref<120x64xf32, #tpu.memory_space<vmem>>
      %dma_wait3A_165 = arith.constant 0 : i32
      %dma_wait3A_166 = tpu.memref_slice %arg12[%add3A_144, %dma_wait3A_165] : memref<10112x64xf32, #tpu.memory_space<vmem_shared>> -> memref<120x64xf32, #tpu.memory_space<vmem_shared>>
      tpu.wait_dma2 semaphore(%run_scoped3A : memref<!tpu.dma_semaphore, #tpu.memory_space<semaphore_mem>>) src(%dma_wait3A_166 : memref<120x64xf32, #tpu.memory_space<vmem_shared>>) dst(%dma_wait3A_164 : memref<120x64xf32, #tpu.memory_space<vmem>>)
      tpu.yield
    }) : () -> ()
    %add3A_145 = arith.constant 512 : i32
    %add3A_146 = arith.addi %mul3A_2, %add3A_145 : i32
    "tpu.region"() ({
      %run_scoped3A = tpu.sem_alloc : memref<!tpu.dma_semaphore, #tpu.memory_space<semaphore_mem>>
      %dma_start3A_147 = arith.constant 0 : i32
      %dma_start3A_148 = arith.constant 0 : i32
      %dma_start3A_149 = tpu.memref_slice %arg10[%dma_start3A_147, %dma_start3A_148] : memref<128x64xf32, #tpu.memory_space<vmem>> -> memref<120x64xf32, #tpu.memory_space<vmem>>
      %dma_start3A_150 = arith.constant 0 : i32
      %dma_start3A_151 = tpu.memref_slice %arg7[%arg0, %add3A_146, %dma_start3A_150] : memref<2x10112x64xf32, #tpu.memory_space<hbm>> -> memref<1x120x64xf32, #tpu.memory_space<hbm>>
      %dma_start3A_152 = tpu.memref_squeeze %dma_start3A_151 : memref<1x120x64xf32, #tpu.memory_space<hbm>> -> memref<120x64xf32, #tpu.memory_space<hbm>>
      %dma_start3A_153 = arith.constant 0 : i32
      %dma_start3A_154 = tpu.memref_slice %arg7[%arg0, %add3A_146, %dma_start3A_153] : memref<2x10112x64xf32, #tpu.memory_space<hbm>> -> memref<1x120x64xf32, #tpu.memory_space<hbm>>
      %dma_start3A_155 = tpu.memref_squeeze %dma_start3A_154 : memref<1x120x64xf32, #tpu.memory_space<hbm>> -> memref<120x64xf32, #tpu.memory_space<hbm>>
      %dma_start3A_156 = arith.constant 0 : i32
      %dma_start3A_157 = arith.constant 0 : i32
      %dma_start3A_158 = tpu.memref_slice %arg10[%dma_start3A_156, %dma_start3A_157] : memref<128x64xf32, #tpu.memory_space<vmem>> -> memref<120x64xf32, #tpu.memory_space<vmem>>
      tpu.enqueue_dma source(%dma_start3A_158 : memref<120x64xf32, #tpu.memory_space<vmem>>) target(%dma_start3A_155 : memref<120x64xf32, #tpu.memory_space<hbm>>) target_semaphore(%run_scoped3A : memref<!tpu.dma_semaphore, #tpu.memory_space<semaphore_mem>>)
      %dma_wait3A_159 = arith.constant 0 : i32
      %dma_wait3A_160 = arith.constant 0 : i32
      %dma_wait3A_161 = tpu.memref_slice %arg10[%dma_wait3A_159, %dma_wait3A_160] : memref<128x64xf32, #tpu.memory_space<vmem>> -> memref<120x64xf32, #tpu.memory_space<vmem>>
      %dma_wait3A_162 = arith.constant 0 : i32
      %dma_wait3A_163 = tpu.memref_slice %arg7[%arg0, %add3A_146, %dma_wait3A_162] : memref<2x10112x64xf32, #tpu.memory_space<hbm>> -> memref<1x120x64xf32, #tpu.memory_space<hbm>>
      %dma_wait3A_164 = tpu.memref_squeeze %dma_wait3A_163 : memref<1x120x64xf32, #tpu.memory_space<hbm>> -> memref<120x64xf32, #tpu.memory_space<hbm>>
      %dma_wait3A_165 = arith.constant 0 : i32
      %dma_wait3A_166 = tpu.memref_slice %arg7[%arg0, %add3A_146, %dma_wait3A_165] : memref<2x10112x64xf32, #tpu.memory_space<hbm>> -> memref<1x120x64xf32, #tpu.memory_space<hbm>>
      %dma_wait3A_167 = tpu.memref_squeeze %dma_wait3A_166 : memref<1x120x64xf32, #tpu.memory_space<hbm>> -> memref<120x64xf32, #tpu.memory_space<hbm>>
      %dma_wait3A_168 = arith.constant 0 : i32
      %dma_wait3A_169 = arith.constant 0 : i32
      %dma_wait3A_170 = tpu.memref_slice %arg10[%dma_wait3A_168, %dma_wait3A_169] : memref<128x64xf32, #tpu.memory_space<vmem>> -> memref<120x64xf32, #tpu.memory_space<vmem>>
      tpu.wait_dma2 semaphore(%run_scoped3A : memref<!tpu.dma_semaphore, #tpu.memory_space<semaphore_mem>>) src(%dma_wait3A_170 : memref<120x64xf32, #tpu.memory_space<vmem>>) dst(%dma_wait3A_167 : memref<120x64xf32, #tpu.memory_space<hbm>>)
      tpu.yield
    }) : () -> ()
    return
  }
}

module attributes {stable_mosaic.version = 14 : i64} {
  func.func @body(%arg0: memref<10112x128xf32, #tpu.memory_space<vmem>>, %arg1: memref<2x10112x16xf32, #tpu.memory_space<vmem>>, %arg2: memref<10112x64xf32, #tpu.memory_space<vmem>>, %arg3: memref<10112x64xf32, #tpu.memory_space<vmem>>) attributes {dimension_semantics = [], scalar_prefetch = 0 : i64, scratch_operands = 0 : i64, tpu.core_type = #tpu.core_type<tc>} {
    %get3A = arith.constant 0 : index
    %get3A_0 = arith.constant 0 : index
    %get3A_1 = arith.constant 0 : index
    %get3A_2 = vector.load %arg1[%get3A, %get3A_0, %get3A_1] : memref<2x10112x16xf32, #tpu.memory_space<vmem>>, vector<1x10112x1xf32>
    %get3A_3 = vector.shape_cast %get3A_2 : vector<1x10112x1xf32> to vector<10112x1xf32>
    %get3A_4 = arith.constant 1 : index
    %get3A_5 = arith.constant 0 : index
    %get3A_6 = arith.constant 0 : index
    %get3A_7 = vector.load %arg1[%get3A_4, %get3A_5, %get3A_6] : memref<2x10112x16xf32, #tpu.memory_space<vmem>>, vector<1x10112x1xf32>
    %get3A_8 = vector.shape_cast %get3A_7 : vector<1x10112x1xf32> to vector<10112x1xf32>
    %add3A = arith.addf %get3A_3, %get3A_8 : vector<10112x1xf32>
    %max3A = arith.constant 1.000000e+00 : f32
    %max3A_9 = vector.broadcast %max3A : f32 to vector<10112x1xf32>
    %max3A_10 = arith.maximumf %add3A, %max3A_9 : vector<10112x1xf32>
    %rsqrt3A = math.rsqrt %max3A_10 : vector<10112x1xf32>
    %get3A_11 = arith.constant 0 : index
    %get3A_12 = arith.constant 0 : index
    %get3A_13 = vector.load %arg0[%get3A_11, %get3A_12] : memref<10112x128xf32, #tpu.memory_space<vmem>>, vector<10112x128xf32>
    %mul3A = vector.broadcast %rsqrt3A : vector<10112x1xf32> to vector<10112x128xf32>
    %mul3A_14 = arith.mulf %get3A_13, %mul3A : vector<10112x128xf32>
    %slice3A = vector.extract_strided_slice %mul3A_14 {offsets = [0, 0], sizes = [10112, 64], strides = [1, 1]} : vector<10112x128xf32> to vector<10112x64xf32>
    %swap3A = arith.constant 0 : index
    %swap3A_15 = arith.constant 0 : index
    %swap3A_16 = vector.load %arg2[%swap3A, %swap3A_15] : memref<10112x64xf32, #tpu.memory_space<vmem>>, vector<10112x64xf32>
    tpu.vector_store %arg2[%swap3A, %swap3A_15], %slice3A {strides = array<i32>} : memref<10112x64xf32, #tpu.memory_space<vmem>>, vector<10112x64xf32>,
    %slice3A_17 = vector.extract_strided_slice %mul3A_14 {offsets = [0, 64], sizes = [10112, 64], strides = [1, 1]} : vector<10112x128xf32> to vector<10112x64xf32>
    %swap3A_18 = arith.constant 0 : index
    %swap3A_19 = arith.constant 0 : index
    %swap3A_20 = vector.load %arg3[%swap3A_18, %swap3A_19] : memref<10112x64xf32, #tpu.memory_space<vmem>>, vector<10112x64xf32>
    tpu.vector_store %arg3[%swap3A_18, %swap3A_19], %slice3A_17 {strides = array<i32>} : memref<10112x64xf32, #tpu.memory_space<vmem>>, vector<10112x64xf32>,
    return
  }
}

module attributes {stable_mosaic.version = 14 : i64} {
  func.func @body(%arg0: memref<2x10112x64xf32, #tpu.memory_space<vmem>>, %arg1: memref<2x10112x64xf32, #tpu.memory_space<vmem>>, %arg2: memref<2x10112x16xf32, #tpu.memory_space<vmem>>, %arg3: memref<128x128xf32, #tpu.memory_space<vmem>>, %arg4: memref<1x128xf32, #tpu.memory_space<vmem>>, %arg5: memref<128x16xf32, #tpu.memory_space<vmem>>, %arg6: memref<10112x16xf32, #tpu.memory_space<vmem>>) attributes {dimension_semantics = [], scalar_prefetch = 0 : i64, scratch_operands = 0 : i64, tpu.core_type = #tpu.core_type<tc>} {
    %get3A = arith.constant 0 : index
    %get3A_0 = arith.constant 0 : index
    %get3A_1 = arith.constant 0 : index
    %get3A_2 = vector.load %arg0[%get3A, %get3A_0, %get3A_1] : memref<2x10112x64xf32, #tpu.memory_space<vmem>>, vector<1x10112x64xf32>
    %get3A_3 = vector.shape_cast %get3A_2 : vector<1x10112x64xf32> to vector<10112x64xf32>
    %get3A_4 = arith.constant 1 : index
    %get3A_5 = arith.constant 0 : index
    %get3A_6 = arith.constant 0 : index
    %get3A_7 = vector.load %arg0[%get3A_4, %get3A_5, %get3A_6] : memref<2x10112x64xf32, #tpu.memory_space<vmem>>, vector<1x10112x64xf32>
    %get3A_8 = vector.shape_cast %get3A_7 : vector<1x10112x64xf32> to vector<10112x64xf32>
    %add3A = arith.addf %get3A_3, %get3A_8 : vector<10112x64xf32>
    %get3A_9 = arith.constant 0 : index
    %get3A_10 = arith.constant 0 : index
    %get3A_11 = arith.constant 0 : index
    %get3A_12 = vector.load %arg1[%get3A_9, %get3A_10, %get3A_11] : memref<2x10112x64xf32, #tpu.memory_space<vmem>>, vector<1x10112x64xf32>
    %get3A_13 = vector.shape_cast %get3A_12 : vector<1x10112x64xf32> to vector<10112x64xf32>
    %get3A_14 = arith.constant 1 : index
    %get3A_15 = arith.constant 0 : index
    %get3A_16 = arith.constant 0 : index
    %get3A_17 = vector.load %arg1[%get3A_14, %get3A_15, %get3A_16] : memref<2x10112x64xf32, #tpu.memory_space<vmem>>, vector<1x10112x64xf32>
    %get3A_18 = vector.shape_cast %get3A_17 : vector<1x10112x64xf32> to vector<10112x64xf32>
    %add3A_19 = arith.addf %get3A_13, %get3A_18 : vector<10112x64xf32>
    %get3A_20 = arith.constant 0 : index
    %get3A_21 = arith.constant 0 : index
    %get3A_22 = arith.constant 8 : index
    %get3A_23 = vector.load %arg2[%get3A_20, %get3A_21, %get3A_22] : memref<2x10112x16xf32, #tpu.memory_space<vmem>>, vector<1x10112x1xf32>
    %get3A_24 = vector.shape_cast %get3A_23 : vector<1x10112x1xf32> to vector<10112x1xf32>
    %get3A_25 = arith.constant 1 : index
    %get3A_26 = arith.constant 0 : index
    %get3A_27 = arith.constant 8 : index
    %get3A_28 = vector.load %arg2[%get3A_25, %get3A_26, %get3A_27] : memref<2x10112x16xf32, #tpu.memory_space<vmem>>, vector<1x10112x1xf32>
    %get3A_29 = vector.shape_cast %get3A_28 : vector<1x10112x1xf32> to vector<10112x1xf32>
    %add3A_30 = arith.addf %get3A_24, %get3A_29 : vector<10112x1xf32>
    %max3A = arith.constant 1.000000e+00 : f32
    %max3A_31 = vector.broadcast %max3A : f32 to vector<10112x1xf32>
    %max3A_32 = arith.maximumf %add3A_30, %max3A_31 : vector<10112x1xf32>
    %rsqrt3A = math.rsqrt %max3A_32 : vector<10112x1xf32>
    %get3A_33 = arith.constant 0 : index
    %get3A_34 = arith.constant 0 : index
    %get3A_35 = arith.constant 0 : index
    %get3A_36 = vector.load %arg2[%get3A_33, %get3A_34, %get3A_35] : memref<2x10112x16xf32, #tpu.memory_space<vmem>>, vector<1x10112x1xf32>
    %get3A_37 = vector.shape_cast %get3A_36 : vector<1x10112x1xf32> to vector<10112x1xf32>
    %get3A_38 = arith.constant 1 : index
    %get3A_39 = arith.constant 0 : index
    %get3A_40 = arith.constant 0 : index
    %get3A_41 = vector.load %arg2[%get3A_38, %get3A_39, %get3A_40] : memref<2x10112x16xf32, #tpu.memory_space<vmem>>, vector<1x10112x1xf32>
    %get3A_42 = vector.shape_cast %get3A_41 : vector<1x10112x1xf32> to vector<10112x1xf32>
    %add3A_43 = arith.addf %get3A_37, %get3A_42 : vector<10112x1xf32>
    %max3A_44 = arith.constant 1.000000e+00 : f32
    %max3A_45 = vector.broadcast %max3A_44 : f32 to vector<10112x1xf32>
    %max3A_46 = arith.maximumf %add3A_43, %max3A_45 : vector<10112x1xf32>
    %rsqrt3A_47 = math.rsqrt %max3A_46 : vector<10112x1xf32>
    %mul3A = vector.broadcast %rsqrt3A : vector<10112x1xf32> to vector<10112x64xf32>
    %mul3A_48 = arith.mulf %add3A, %mul3A : vector<10112x64xf32>
    %get3A_49 = arith.constant 0 : index
    %get3A_50 = arith.constant 0 : index
    %get3A_51 = vector.load %arg3[%get3A_49, %get3A_50] : memref<128x128xf32, #tpu.memory_space<vmem>>, vector<64x128xf32>
    %dot_general3A = arith.constant dense<0.000000e+00> : vector<10112x128xf32>
    %dot_general3A_52 = tpu.matmul %mul3A_48, %get3A_51, %dot_general3A {dimension_numbers = #tpu.dot_dimension_numbers<[1], [0], [0], [1], [0, 0, 1, 1], [], []>, transpose_lhs_hint = false} : vector<10112x64xf32>, vector<64x128xf32>, vector<10112x128xf32> -> vector<10112x128xf32>
    %mul3A_53 = vector.broadcast %rsqrt3A : vector<10112x1xf32> to vector<10112x64xf32>
    %mul3A_54 = arith.mulf %add3A_19, %mul3A_53 : vector<10112x64xf32>
    %get3A_55 = arith.constant 64 : index
    %get3A_56 = arith.constant 0 : index
    %get3A_57 = vector.load %arg3[%get3A_55, %get3A_56] : memref<128x128xf32, #tpu.memory_space<vmem>>, vector<64x128xf32>
    %dot_general3A_58 = arith.constant dense<0.000000e+00> : vector<10112x128xf32>
    %dot_general3A_59 = tpu.matmul %mul3A_54, %get3A_57, %dot_general3A_58 {dimension_numbers = #tpu.dot_dimension_numbers<[1], [0], [0], [1], [0, 0, 1, 1], [], []>, transpose_lhs_hint = false} : vector<10112x64xf32>, vector<64x128xf32>, vector<10112x128xf32> -> vector<10112x128xf32>
    %add3A_60 = arith.addf %dot_general3A_52, %dot_general3A_59 : vector<10112x128xf32>
    %get3A_61 = arith.constant 0 : index
    %get3A_62 = arith.constant 0 : index
    %get3A_63 = vector.load %arg4[%get3A_61, %get3A_62] : memref<1x128xf32, #tpu.memory_space<vmem>>, vector<1x128xf32>
    %add3A_64 = vector.broadcast %get3A_63 : vector<1x128xf32> to vector<10112x128xf32>
    %add3A_65 = arith.addf %add3A_60, %add3A_64 : vector<10112x128xf32>
    %max3A_66 = arith.constant 0.000000e+00 : f32
    %max3A_67 = vector.broadcast %max3A_66 : f32 to vector<10112x128xf32>
    %max3A_68 = arith.maximumf %add3A_65, %max3A_67 : vector<10112x128xf32>
    %mul3A_69 = vector.broadcast %rsqrt3A_47 : vector<10112x1xf32> to vector<10112x128xf32>
    %mul3A_70 = arith.mulf %max3A_68, %mul3A_69 : vector<10112x128xf32>
    %get3A_71 = arith.constant 0 : index
    %get3A_72 = arith.constant 0 : index
    %get3A_73 = vector.load %arg5[%get3A_71, %get3A_72] : memref<128x16xf32, #tpu.memory_space<vmem>>, vector<128x16xf32>
    %dot_general3A_74 = arith.constant dense<0.000000e+00> : vector<10112x16xf32>
    %dot_general3A_75 = tpu.matmul %mul3A_70, %get3A_73, %dot_general3A_74 {dimension_numbers = #tpu.dot_dimension_numbers<[1], [0], [0], [1], [0, 0, 1, 1], [], []>, transpose_lhs_hint = false} : vector<10112x128xf32>, vector<128x16xf32>, vector<10112x16xf32> -> vector<10112x16xf32>
    %swap3A = arith.constant 0 : index
    %swap3A_76 = arith.constant 0 : index
    %swap3A_77 = vector.load %arg6[%swap3A, %swap3A_76] : memref<10112x16xf32, #tpu.memory_space<vmem>>, vector<10112x16xf32>
    tpu.vector_store %arg6[%swap3A, %swap3A_76], %dot_general3A_75 {strides = array<i32>} : memref<10112x16xf32, #tpu.memory_space<vmem>>, vector<10112x16xf32>,
    return
  }
}

module attributes {stable_mosaic.version = 14 : i64} {
  func.func @body(%arg0: memref<2x10112x16xf32, #tpu.memory_space<vmem>>, %arg1: memref<2x10112x16xf32, #tpu.memory_space<vmem>>, %arg2: memref<1x16xf32, #tpu.memory_space<vmem>>, %arg3: memref<10000x16xf32, #tpu.memory_space<vmem>>) attributes {dimension_semantics = [], scalar_prefetch = 0 : i64, scratch_operands = 0 : i64, tpu.core_type = #tpu.core_type<tc>} {
    %get3A = arith.constant 0 : index
    %get3A_0 = arith.constant 0 : index
    %get3A_1 = arith.constant 0 : index
    %get3A_2 = vector.load %arg0[%get3A, %get3A_0, %get3A_1] : memref<2x10112x16xf32, #tpu.memory_space<vmem>>, vector<1x10000x16xf32>
    %get3A_3 = vector.shape_cast %get3A_2 : vector<1x10000x16xf32> to vector<10000x16xf32>
    %get3A_4 = arith.constant 1 : index
    %get3A_5 = arith.constant 0 : index
    %get3A_6 = arith.constant 0 : index
    %get3A_7 = vector.load %arg0[%get3A_4, %get3A_5, %get3A_6] : memref<2x10112x16xf32, #tpu.memory_space<vmem>>, vector<1x10000x16xf32>
    %get3A_8 = vector.shape_cast %get3A_7 : vector<1x10000x16xf32> to vector<10000x16xf32>
    %add3A = arith.addf %get3A_3, %get3A_8 : vector<10000x16xf32>
    %get3A_9 = arith.constant 0 : index
    %get3A_10 = arith.constant 0 : index
    %get3A_11 = arith.constant 8 : index
    %get3A_12 = vector.load %arg1[%get3A_9, %get3A_10, %get3A_11] : memref<2x10112x16xf32, #tpu.memory_space<vmem>>, vector<1x10000x1xf32>
    %get3A_13 = vector.shape_cast %get3A_12 : vector<1x10000x1xf32> to vector<10000x1xf32>
    %get3A_14 = arith.constant 1 : index
    %get3A_15 = arith.constant 0 : index
    %get3A_16 = arith.constant 8 : index
    %get3A_17 = vector.load %arg1[%get3A_14, %get3A_15, %get3A_16] : memref<2x10112x16xf32, #tpu.memory_space<vmem>>, vector<1x10000x1xf32>
    %get3A_18 = vector.shape_cast %get3A_17 : vector<1x10000x1xf32> to vector<10000x1xf32>
    %add3A_19 = arith.addf %get3A_13, %get3A_18 : vector<10000x1xf32>
    %max3A = arith.constant 1.000000e+00 : f32
    %max3A_20 = vector.broadcast %max3A : f32 to vector<10000x1xf32>
    %max3A_21 = arith.maximumf %add3A_19, %max3A_20 : vector<10000x1xf32>
    %rsqrt3A = math.rsqrt %max3A_21 : vector<10000x1xf32>
    %mul3A = vector.broadcast %rsqrt3A : vector<10000x1xf32> to vector<10000x16xf32>
    %mul3A_22 = arith.mulf %add3A, %mul3A : vector<10000x16xf32>
    %get3A_23 = arith.constant 0 : index
    %get3A_24 = arith.constant 0 : index
    %get3A_25 = vector.load %arg2[%get3A_23, %get3A_24] : memref<1x16xf32, #tpu.memory_space<vmem>>, vector<1x16xf32>
    %add3A_26 = vector.broadcast %get3A_25 : vector<1x16xf32> to vector<10000x16xf32>
    %add3A_27 = arith.addf %mul3A_22, %add3A_26 : vector<10000x16xf32>
    %swap3A = arith.constant 0 : index
    %swap3A_28 = arith.constant 0 : index
    %swap3A_29 = vector.load %arg3[%swap3A, %swap3A_28] : memref<10000x16xf32, #tpu.memory_space<vmem>>, vector<10000x16xf32>
    tpu.vector_store %arg3[%swap3A, %swap3A_28], %add3A_27 {strides = array<i32>} : memref<10000x16xf32, #tpu.memory_space<vmem>>, vector<10000x16xf32>,
    return
  }
}

</mosaic_0001>

<sc_bundles>
// kernel: kernel.11.cloned.1.call-start
scs
__scs_entry_jumppad:
0x0: {  	(pc) =	sbr.rel $0x88, $3  }
0x1: {  	(tag) =	ssettag $0x0;
	lr =	simm.s32 $0x1  }
0x2: {  	[smem:$0x3F9B] =	sst lr;
	_ =	strace $0xD0000000  }
0x3: {  	_ = 	snop  }
0x4: {  	_ = 	snop  }
0x5: {  	_ = 	snop  }
0x6: {  	_ = 	snop  }
0x7: {  	_ = 	snop  }
__scs_overlays_trampoline_lowered:
0x8: {  	[smem:$0x3FAA] =	sst s0  }
0x9: {  	[smem:$0x3FAB] =	sst s1  }
0xa: {  	[smem:$0x3FAC] =	sst s2  }
0xb: {  	[smem:$0x3FAD] =	sst s3  }
0xc: {  	[smem:$0x3FAE] =	sst s4  }
0xd: {  	[smem:$0x3FAF] =	sst s5  }
0xe: {  	[smem:$0x3FB0] =	sst s6  }
0xf: {  	[smem:$0x3FB1] =	sst s7  }
0x10: {  	[smem:$0x3FB2] =	sst s8  }
0x11: {  	[smem:$0x3FB3] =	sst s9;
	s0 =	simm.s32 @!p0 $0x0  }
0x12: {  	s1 =	sld [smem:$0x3F99];
	s0 =	simm.s32 @p0 $0x1  }
0x13: {  	[smem:$0x3FB4] =	sst s0;
	s0 =	simm.s32 @!p1 $0x0  }
0x14: {  	s2 =	sld [smem:$0x3F98];
	s0 =	simm.s32 @p1 $0x1  }
0x15: {  	[smem:$0x3FB5] =	sst s0;
	s0 =	simm.s32 @!p2 $0x0  }
0x16: {  	s3 =	sld [smem:$0x3FDB];
	s0 =	simm.s32 @p2 $0x1  }
0x17: {  	s4 =	simm.s32 $0x1BF5;
	[smem:$0x3FB7] =	sst s0  }
0x18: {  	s0 =	sld [smem:$0x3F9A];
	_ =	swait.ge [sflag:s4], $0x0  }
0x19: {  	s7 =	sld [smem:$0x3F9B]  }
0x1a: {  	s8 =	sadd.s32 $0xFFFFE003, lr  }
0x1b: {  	s9 =	sadd.s32 $0xFFFFFEF7, lr;
	s5 =	simm.s32 $0xFFFFFFFF;
	p2 =	slt.u32 s8, $0xFFFFF086  }
0x1c: {  	p1 =	slt.u32 s9, $0xF7A;
	s5 =	simm.s32 @!p2 $0x0  }
0x1d: {  	s5 =	simm.s32 @p1 $0x1;
	p0 =	seq.s32 s7, s2  }
0x1e: {  	s7 =	smul.u32 @!p0 $0xF7A, s2;
	p2 =	seq.s32 @!p0 s5, $0x0  }
0x1f: {  	s9 =	smul.u32 $0xF7A, s1;
	s8 =	simm.s32 @!p0 $0x1BF5;
	p2 =	por !p2, p0  }
0x20: {  	[sflag:s8] =	ssyncset.s32 @!p0 $0xFFFFF086;
	s6 =	sadd.s32 @!p0 s3, s7;
	s7 =	simm.s32 @!p0 $0x108  }
0x21: {  	s3 =	sadd.s32 s3, s9;
	s6 =	sadd.s32 @!p0 $0x88, s6;
	s7 =	simm.s32 @p2 $0x1082  }
0x22: {  	[simem:s7], [sflag:s8] =	dma.local @!p0 [hbm:s6], $0xF7A  }
0x23: {  	s9 =	sor.u32 $0xD0000000, s2;
	s6 =	simm.s32 $0x108;
	_ =	swait.ge @!p0 [sflag:s8], $0x0  }
0x24: {  	s3 =	sadd.s32 $0x88, s3;
	s6 =	simm.s32 @!p1 $0x1082;
	[sflag:s4] =	ssyncset.s32 $0xFFFFF086  }
0x25: {  	[simem:s6], [sflag:s4] =	dma.local [hbm:s3], $0xF7A  }
0x26: {  	[smem:$0x3F9B] =	sst s1;
	(tag) =	ssettag s2;
	_ =	strace s9  }
0x27: {  	s1 =	sld [smem:$0x3FAB]  }
0x28: {  	s2 =	sld [smem:$0x3FAC]  }
0x29: {  	s4 =	sld [smem:$0x3FAE]  }
0x2a: {  	p0 =	seq.s32 s5, $0x0;
	s5 =	sld [smem:$0x3FAF]  }
0x2b: {  	s6 =	sld [smem:$0x3FB0]  }
0x2c: {  	s7 =	sld [smem:$0x3FB1]  }
0x2d: {  	s3 =	simm.s32 $0x108;
	s8 =	sld [smem:$0x3FB2]  }
0x2e: {  	s3 =	simm.s32 @!p0 $0x1082;
	s9 =	sld [smem:$0x3FB3]  }
0x2f: {  	lr =	sadd.s32 s0, s3;
	s0 =	sld [smem:$0x3FAA]  }
0x30: {  	s3 =	sld [smem:$0x3FAD]  }
0x31: {  	[smem:$0x3FB6] =	sst s10  }
0x32: {  	s10 =	sld [smem:$0x3FB4];
	_ =	sdelay $0x3  }
0x33: {  	p0 =	seq.s32 s10, $0x1;
	s10 =	sld [smem:$0x3FB6];
	_ =	sdelay $0x3  }
0x34: {  	[smem:$0x3FB6] =	sst s10  }
0x35: {  	s10 =	sld [smem:$0x3FB5];
	_ =	sdelay $0x3  }
0x36: {  	p1 =	seq.s32 s10, $0x1;
	s10 =	sld [smem:$0x3FB6];
	_ =	sdelay $0x3  }
0x37: {  	[smem:$0x3FB6] =	sst s10  }
0x38: {  	s10 =	sld [smem:$0x3FB7]  }
0x39: {  	_ = 	snop;
	(pc) =	sbr.ind lr, $3  }
0x3a: {  	_ = 	snop  }
0x3b: {  	_ = 	snop  }
0x3c: {  	p2 =	seq.s32 s10, $0x1;
	s10 =	sld [smem:$0x3FB6]  }
0x3d: {  	_ =	shalt  }
0x3e: {  	_ =	shalt  }
0x3f: {  	_ =	shalt  }
0x40: {  	_ =	shalt  }
0x41: {  	_ =	shalt  }
0x42: {  	_ =	shalt  }
0x43: {  	_ =	shalt  }
0x44: {  	_ =	shalt  }
0x45: {  	_ =	shalt  }
0x46: {  	_ =	shalt  }
0x47: {  	_ =	shalt  }
0x48: {  	_ =	shalt  }
0x49: {  	_ =	shalt  }
0x4a: {  	_ =	shalt  }
0x4b: {  	_ =	shalt  }
0x4c: {  	_ =	shalt  }
0x4d: {  	_ =	shalt  }
0x4e: {  	_ =	shalt  }
0x4f: {  	_ =	shalt  }
0x50: {  	_ =	shalt  }
0x51: {  	_ =	shalt  }
0x52: {  	_ =	shalt  }
0x53: {  	_ =	shalt  }
0x54: {  	_ =	shalt  }
0x55: {  	_ =	shalt  }
0x56: {  	_ =	shalt  }
0x57: {  	_ =	shalt  }
0x58: {  	_ =	shalt  }
0x59: {  	_ =	shalt  }
0x5a: {  	_ =	shalt  }
0x5b: {  	_ =	shalt  }
0x5c: {  	_ =	shalt  }
0x5d: {  	_ =	shalt  }
0x5e: {  	_ =	shalt  }
0x5f: {  	_ =	shalt  }
0x60: {  	_ =	shalt  }
0x61: {  	_ =	shalt  }
0x62: {  	_ =	shalt  }
0x63: {  	_ =	shalt  }
0x64: {  	_ =	shalt  }
0x65: {  	_ =	shalt  }
0x66: {  	_ =	shalt  }
0x67: {  	_ =	shalt  }
0x68: {  	_ =	shalt  }
0x69: {  	_ =	shalt  }
0x6a: {  	_ =	shalt  }
0x6b: {  	_ =	shalt  }
0x6c: {  	_ =	shalt  }
0x6d: {  	_ =	shalt  }
0x6e: {  	_ =	shalt  }
0x6f: {  	_ =	shalt  }
0x70: {  	_ =	shalt  }
0x71: {  	_ =	shalt  }
0x72: {  	_ =	shalt  }
0x73: {  	_ =	shalt  }
0x74: {  	_ =	shalt  }
0x75: {  	_ =	shalt  }
0x76: {  	_ =	shalt  }
0x77: {  	_ =	shalt  }
0x78: {  	_ =	shalt  }
0x79: {  	_ =	shalt  }
0x7a: {  	_ =	shalt  }
0x7b: {  	_ =	shalt  }
0x7c: {  	_ =	shalt  }
0x7d: {  	_ =	shalt  }
0x7e: {  	_ =	shalt  }
0x7f: {  	_ =	shalt  }
0x80: {  	_ =	shalt  }
0x81: {  	_ =	shalt  }
0x82: {  	_ =	shalt  }
0x83: {  	_ =	shalt  }
0x84: {  	_ =	shalt  }
0x85: {  	_ =	shalt  }
0x86: {  	_ =	shalt  }
0x87: {  	_ =	shalt  }
.Lfunc_end0:
.L_simem_size_0:
called_computation.1_lowered:
.L_overlay_start_0:
0x88: {  	s2 =	sld [smem:$0x3FD9]  }
0x89: {  	s3 =	sld [smem:$0x3FFE];
	_ =	sdelay $0x1  }
0x8a: {  	s1 =	srdreg.scid  }
0x8b: {  	s0 =	sand.u32 $0x1, s1  }
0x8c: {  	s16 =	sshll.u32 s0, $0xA;
	s2 =	sadd.s32 s3, s2  }
0x8d: {  	s2 =	sadd.s32 s2, s16  }
0x8e: {  	[smem:$0x3FC2] =	sst s2  }
0x8f: {  	_ = 	snop  }
0x90: {  	(tm) =	ssettm $0x1  }
0x91: {  	s17 =	sld [smem:$0x3FFB];
	_ =	sdelay $0x3  }
0x92: {  	_ =	strace s17  }
0x93: {  	s2 =	sld [smem:$0x3FFC];
	_ =	sdelay $0x3  }
0x94: {  	_ =	strace s2  }
0x95: {  	s2 =	sld [smem:$0x3FFD];
	_ =	sdelay $0x3  }
0x96: {  	_ =	strace s2  }
0x97: {  	_ =	strace $0x8FFFFFFF  }
0x98: {  	s18 =	sld [smem:$0x3FDB];
	_ =	sdelay $0x1  }
0x99: {  	s19 =	simm.s32 $_scs_section_size  }
0x9a: {  	s4 =	simm.s32 $_size__tile_overlayer_lowered;
	s5 =	simm.s32 $_tile_overlayer_lowered  }
0x9b: {  	s22 =	simm.s32 $0x1BFF;
	s21 =	sshll.u32 s5, $0x1;
	s2 =	sadd.s32 s19, s18  }
0x9c: {  	s6 =	simm.s32 $0x0;
	s20 =	sshll.u32 s4, $0x1;
	s4 =	sadd.s32 s21, s2  }
0x9d: {  	[timem:s6], [sflag:s22] =	dma.local [hbm:s4], s20  }
0x9e: {  	_ =	swait.ge [sflag:s22], s20  }
0x9f: {  	s3 =	ssub.s32 $0x0, s20;
	[sflag:s22] =	ssyncset.done $0x0  }
0xa0: {  	[sflag:s22] =	ssyncadd.s32 s3;
	_ =	sdelay $0x1  }
0xa1: {  	s23 =	simm.s32 $0x1B8B  }
0xa2: {  	_ =	swait.ge [sflag:s23], $0x1  }
0xa3: {  	[sflag:s23] =	ssyncset.done $0x0  }
0xa4: {  	s25 =	simm.s32 $0x1B8E;
	s24 =	sld [smem:$0x3FFE];
	[sflag:s23] =	ssyncadd.s32 $0xFFFFFFFF  }
0xa5: {  	s26 =	simm.s32 $execute0_lowered;
	[smem:$0x3FD2] =	sst s25  }
0xa6: {  	s4 =	sshll.u32 s26, $0x1;
	_ =	strace $0x80000049;
	[dreg:$0x1] =	wrdreg $0xFFFFFFFF  }
0xa7: {  	s28 =	simm.s32 $_size_execute0_lowered;
	s2 =	sadd.s32 s2, s4;
	[dreg:$0x0] =	wrdreg $0x0  }
0xa8: {  	s4 =	sshll.u32 s28, $0x1;
	[dreg:$0x2] =	wrdreg s2  }
0xa9: {  	[dreg:$0x3] =	wrdreg s4  }
0xaa: {  	[dreg:$0x4] =	wrdreg $0xC0  }
0xab: {  	_ =	task [dreg:s6], $0x5FFFF  }
0xac: {  	[dreg:$0x1] =	wrdreg $0xFFFFFFFF  }
0xad: {  	[dreg:$0x0] =	wrdreg $0x60  }
0xae: {  	[dreg:$0x2] =	wrdreg s24  }
0xaf: {  	[dreg:$0x3] =	wrdreg $0x94000  }
0xb0: {  	[dreg:$0x4] =	wrdreg $0x9  }
0xb1: {  	_ =	task.clear_ibuf [dreg:s6], $0x5FFFF;
	_ =	strace $0x90000049  }
0xb2: {  	s29 =	simm.s32 $0x9;
	_ =	strace $0x8000004B  }
0xb3: {  	_ =	swait.ge [sflag:s29], $0x1  }
0xb4: {  	[sflag:s29] =	ssyncadd.s32 $0xFFFFFFFF  }
0xb5: {  	_ =	strace $0x9000004B  }
0xb6: {  	_ =	sfence  }
0xb7: {  	s30 =	sld [smem:$0x0];
	_ =	sdelay $0x2  }
0xb8: {  	s31 =	sshll.u32 s1, $0xD;
	s1 =	sshrl.u32 s1, $0x2  }
0xb9: {  	s3 =	sand.u32 $0x4000, s31;
	s1 =	sadd.s32 s1, s30  }
0xba: {  	s0 =	sor.u32 s3, s0;
	s1 =	sshll.u32 s1, $0x11  }
0xbb: {  	s0 =	sor.u32 s1, s0  }
0xbc: {  	s0 =	sadd.s32 $0x8F2B, s0  }
0xbd: {  	[sflag:s0] =	ssyncadd.remote.s32 $0x1  }
0xbe: {  	_ =	sfence.sel $0xFFFF  }
0xbf: {  	[dreg:$0x0] =	wrdreg $0xFFFFFFFF;
	(pc) =	sbr.abs _section_cstart, $3  }
0xc0: {  	[dreg:$0x1] =	wrdreg $0xFFFFFFFF  }
0xc1: {  	_ =	task.clear_ibuf [dreg:s6], $0x2FFFF;
	_ =	strace $0x9FFFFFFF  }
0xc2: {  	(tm) =	ssettm $0x7FFFFFFF  }
0xc3: {  	_ =	shalt  }
tec
execute0_lowered:
.L_overlay_start_1:
0x0: {  	(tag) =	ssettag $0x1  }
0x1: {  	s0 =	rddreg [dreg:$0x0];
	s1 =	srdreg.scid  }
0x2: {  	s9 =	stileid.u32;
	s2 =	rddreg [dreg:$0x1]  }
0x3: {  	s3 =	simm.s32 $0x0;
	s28 =	simm.s32 $0x80;
	s29 =	simm.s32 $0x7400  }
0x4: {  	s30 =	simm.s32 $0x1;
	s31 =	simm.s32 $0x2;
	s1 =	sand.u32 $0x1, s1  }
0x5: {  	s4 =	sshll.u32 s9, $0x1;
	[smem:$0x7FF] =	sst s3;
	s5 =	sadd.s32 $0x83A00, s0  }
0x6: {  	s17 =	sadd.s32 $0xBEE00, s0;
	s12 =	smul.u32 $0x9E00, s9;
	s4 =	sor.u32 s1, s4  }
0x7: {  	_ =	strace $0x8000004A;
	s24 =	ssub.s32 $0x2, s1;
	s1 =	smul.u32 $0x9E000, s1  }
0x8: {  	s6 =	smul.u32 $0x540, s4;
	s4 =	sadd.s32 $0x6FE00, s0;
	s8 =	sshrl.u32 s24, $0x1  }
0x9: {  	s13 =	sadd.s32 $0x2000, s12;
	s15 =	sadd.s32 $0x4000, s12;
	s16 =	sadd.s32 $0x6000, s12  }
0xa: {  	s18 =	sadd.s32 $0x8000, s12;
	s23 =	ssub.s32 s24, s8;
	s8 =	sadd.s32 s12, s2  }
0xb: {  	s9 =	sadd.s32 s13, s2;
	s10 =	sadd.s32 s15, s2;
	s11 =	sadd.s32 s16, s2  }
0xc: {  	s14 =	sadd.s32 s12, s1;
	s26 =	sadd.s32 s1, s13;
	s12 =	sadd.s32 s18, s2  }
0xd: {  	s15 =	sadd.s32 s1, s15;
	s16 =	sadd.s32 s1, s16;
	s1 =	sadd.s32 s1, s18  }
0xe: {  	s24 =	simm.s32 $0x3;
	s7 =	sadd.s32 s6, s0;
	s0 =	sadd.s32 $0x97600, s0  }
0xf: {  	s19 =	sshrl.u32 s14, $0x3;
	s20 =	sshrl.u32 s26, $0x3;
	s21 =	sshrl.u32 s15, $0x3  }
0x10: {  	s22 =	sshrl.u32 s16, $0x3;
	s1 =	sshrl.u32 s1, $0x3;
	s23 =	smax.u32 s23, $0x1  }
0x11: {  	s26 =	simm.s32 $0x5400;
	s25 =	sadd.s32 $0xC800, s7;
	s7 =	sadd.s32 $0x2000, s7  }
0x12: {  	s13 =	sadd.s32 s17, s19;
	s14 =	sadd.s32 s17, s20;
	s15 =	sadd.s32 s17, s21  }
0x13: {  	s16 =	sadd.s32 s17, s22;
	s17 =	sadd.s32 s17, s1;
	s18 =	sadd.s32 s0, s19  }
0x14: {  	s19 =	sadd.s32 s0, s20;
	s20 =	sadd.s32 s0, s21;
	s21 =	sadd.s32 s0, s22  }
0x15: {  	v0 =	vimm.f32 $0.0e+00;
	s22 =	sadd.s32 s0, s1;
	s1 =	simm.s32 $0x0;
	[dreg:$0x3] =	wrdreg s25  }
.LBB2_1:
0x16: {  	s0 =	rddreg [dreg:$0x3]  }
0x17: {  	[tilespmem:s3], [sflag:$0x3] =	stream.linear.gather [hbm4b:s0+s3], $0x2A00, $0x38;
	[tilespmem:$0x13200] =	vst v63  }
0x18: {  	_ =	swait.ge [sflag:s24], $0x2A00  }
0x19: {  	[sflag:s24] =	ssyncset.done $0x0  }
0x1a: {  	s25 =	simm.s32 $0x2A00;
	[sflag:s24] =	ssyncadd.s32 $0xFFFFD600  }
0x1b: {  	[tilespmem:s25], [sflag:$0x3] =	stream.linear.gather [hbm4b:s7+s3], $0x2A00, $0x38;
	[tilespmem:$0x13200] =	vst v63  }
0x1c: {  	_ =	swait.ge [sflag:s24], $0x2A00  }
0x1d: {  	[sflag:s24] =	ssyncset.done $0x0  }
0x1e: {  	s0 =	simm.s32 $0x0;
	s25 =	simm.s32 $0x100;
	[sflag:s24] =	ssyncadd.s32 $0xFFFFD600  }
.LBB2_2:
0x1f: {  	p0 =	sne.s32 s25, $0x7F00;
	[tilespmem:s0+$0x5430] =	vst v0;
	s6 =	smov.u32 s25;
	s25 =	sadd.s32 $0x100, s25  }
.Ltmp0:
0x20: {  	[tilespmem:s0+$0x5420] =	vst v0;
	(pc) =	sbr.rel @p0 .LBB2_2-.Ltmp0, $3  }
0x21: {  	[tilespmem:s0+$0x5400] =	vst v0  }
0x22: {  	[tilespmem:s0+$0x5410] =	vst v0;
	_ =	sdelay $0x1  }
0x23: {  	s0 =	sshra.s32 s6, $0x2  }
0x24: {  	[tilespmem:s0+$0x5430] =	vst v0  }
0x25: {  	[tilespmem:s0+$0x5420] =	vst v0  }
0x26: {  	[tilespmem:s0+$0x5400] =	vst v0  }
0x27: {  	[tilespmem:s0+$0x5410] =	vst v0  }
0x28: {  	[spmem:s8] =	stream.linear.scatter [tilespmem:s26], [sflag:$0x3], $0x2000, $0x38;
	[tilespmem:$0x13200] =	vst v63  }
0x29: {  	_ =	swait.ge [sflag:s24], $0x2000  }
0x2a: {  	[sflag:s24] =	ssyncset.done $0x0  }
0x2b: {  	[sflag:s24] =	ssyncadd.s32 $0xFFFFE000  }
0x2c: {  	[spmem:s9] =	stream.linear.scatter [tilespmem:s26], [sflag:$0x3], $0x2000, $0x38;
	[tilespmem:$0x13200] =	vst v63  }
0x2d: {  	_ =	swait.ge [sflag:s24], $0x2000  }
0x2e: {  	[sflag:s24] =	ssyncset.done $0x0  }
0x2f: {  	[sflag:s24] =	ssyncadd.s32 $0xFFFFE000  }
0x30: {  	[spmem:s10] =	stream.linear.scatter [tilespmem:s26], [sflag:$0x3], $0x2000, $0x38;
	[tilespmem:$0x13200] =	vst v63  }
0x31: {  	_ =	swait.ge [sflag:s24], $0x2000  }
0x32: {  	[sflag:s24] =	ssyncset.done $0x0  }
0x33: {  	[sflag:s24] =	ssyncadd.s32 $0xFFFFE000  }
0x34: {  	[spmem:s11] =	stream.linear.scatter [tilespmem:s26], [sflag:$0x3], $0x2000, $0x38;
	[tilespmem:$0x13200] =	vst v63  }
0x35: {  	_ =	swait.ge [sflag:s24], $0x2000  }
0x36: {  	[sflag:s24] =	ssyncset.done $0x0  }
0x37: {  	[sflag:s24] =	ssyncadd.s32 $0xFFFFE000  }
0x38: {  	[spmem:s12] =	stream.linear.scatter [tilespmem:s26], [sflag:$0x3], $0x1E00, $0x38;
	[tilespmem:$0x13200] =	vst v63  }
0x39: {  	_ =	swait.ge [sflag:s24], $0x1E00  }
0x3a: {  	[sflag:s24] =	ssyncset.done $0x0  }
0x3b: {  	[sflag:s24] =	ssyncadd.s32 $0xFFFFE200  }
0x3c: {  	s6 =	simm.s32 $0x0;
	[bflag:$0x0] =	sbarrier.arrive $0xFFFF  }
0x3d: {  	[tilespmem:s26], [sflag:$0x1] =	stream.indirect.gather [hbm4b:s4+s28], $0x40, s6, s28, $0xb8;
	[tilespmem:$0x13200] =	vst v63  }
0x3e: {  	_ = 	snop  }
0x3f: {  	[tilespmem:s29], [sflag:$0x2] =	stream.indirect.gather [hbm4b:s4+s28], $0x40, s28, s28, $0xb8;
	[tilespmem:$0x13200] =	vst v63  }
0x40: {  	_ =	swait.ge [sflag:s30], $0x2000  }
0x41: {  	[sflag:s30] =	ssyncset.done $0x0  }
0x42: {  	s25 =	simm.s32 $0x2A00;
	[sflag:s30] =	ssyncadd.s32 $0xFFFFE000  }
0x43: {  	[spmem:s2] =	stream.indirect.scatter.add.f32 [tilespmem:s26], [sflag:$0x3], $0x40, s25, s28, $0xb8;
	[tilespmem:$0x13200] =	vst v63  }
0x44: {  	_ =	swait.ge [sflag:s24], $0x2000  }
0x45: {  	[sflag:s24] =	ssyncset.done $0x0  }
0x46: {  	s6 =	simm.s32 $0x100;
	[sflag:s24] =	ssyncadd.s32 $0xFFFFE000  }
0x47: {  	[tilespmem:s26], [sflag:$0x1] =	stream.indirect.gather [hbm4b:s4+s28], $0x40, s6, s28, $0xb8;
	[tilespmem:$0x13200] =	vst v63  }
0x48: {  	_ =	swait.ge [sflag:s31], $0x2000  }
0x49: {  	[sflag:s31] =	ssyncset.done $0x0  }
0x4a: {  	s25 =	simm.s32 $0x2A80;
	[sflag:s31] =	ssyncadd.s32 $0xFFFFE000  }
0x4b: {  	[spmem:s2] =	stream.indirect.scatter.add.f32 [tilespmem:s29], [sflag:$0x3], $0x40, s25, s28, $0xb8;
	[tilespmem:$0x13200] =	vst v63  }
0x4c: {  	_ =	swait.ge [sflag:s24], $0x2000  }
0x4d: {  	[sflag:s24] =	ssyncset.done $0x0  }
0x4e: {  	s0 =	simm.s32 $0x400;
	s25 =	simm.s32 $0x180;
	[sflag:s24] =	ssyncadd.s32 $0xFFFFE000  }
.LBB2_4:
0x4f: {  	[tilespmem:s29], [sflag:$0x2] =	stream.indirect.gather [hbm4b:s4+s28], $0x40, s25, s28, $0xb8;
	[tilespmem:$0x13200] =	vst v63  }
0x50: {  	s6 =	smov.u32 s0  }
0x51: {  	p0 =	sne.s32 s0, $0xA000;
	s0 =	sadd.s32 $0x400, s0;
	_ =	swait.ge [sflag:s30], $0x2000  }
0x52: {  	s6 =	sshra.s32 s6, $0x2;
	[sflag:s30] =	ssyncset.done $0x0  }
0x53: {  	s25 =	sadd.s32 $0x2A00, s6;
	[sflag:s30] =	ssyncadd.s32 $0xFFFFE000  }
0x54: {  	[spmem:s2] =	stream.indirect.scatter.add.f32 [tilespmem:s26], [sflag:$0x3], $0x40, s25, s28, $0xb8;
	[tilespmem:$0x13200] =	vst v63  }
0x55: {  	_ =	swait.ge [sflag:s24], $0x2000  }
0x56: {  	[sflag:s24] =	ssyncset.done $0x0  }
0x57: {  	s25 =	sadd.s32 $0x100, s6;
	[sflag:s24] =	ssyncadd.s32 $0xFFFFE000  }
0x58: {  	[tilespmem:s26], [sflag:$0x1] =	stream.indirect.gather [hbm4b:s4+s28], $0x40, s25, s28, $0xb8;
	[tilespmem:$0x13200] =	vst v63  }
0x59: {  	_ =	swait.ge [sflag:s31], $0x2000  }
0x5a: {  	[sflag:s31] =	ssyncset.done $0x0  }
.Ltmp1:
0x5b: {  	s25 =	sadd.s32 $0x2A80, s6;
	[sflag:s31] =	ssyncadd.s32 $0xFFFFE000;
	(pc) =	sbr.rel @p0 .LBB2_4-.Ltmp1, $4  }
0x5c: {  	[spmem:s2] =	stream.indirect.scatter.add.f32 [tilespmem:s29], [sflag:$0x3], $0x40, s25, s28, $0xb8;
	[tilespmem:$0x13200] =	vst v63  }
0x5d: {  	_ =	swait.ge [sflag:s24], $0x2000  }
0x5e: {  	[sflag:s24] =	ssyncset.done $0x0  }
0x5f: {  	s25 =	sadd.s32 $0x180, s6;
	[sflag:s24] =	ssyncadd.s32 $0xFFFFE000  }
0x60: {  	[tilespmem:s29], [sflag:$0x2] =	stream.indirect.gather [hbm4b:s4+s28], $0x40, s25, s28, $0xb8;
	[tilespmem:$0x13200] =	vst v63  }
0x61: {  	_ =	swait.ge [sflag:s30], $0x2000  }
0x62: {  	[sflag:s30] =	ssyncset.done $0x0  }
0x63: {  	[sflag:s30] =	ssyncadd.s32 $0xFFFFE000  }
0x64: {  	_ =	swait.ge [sflag:s31], $0x2000  }
0x65: {  	[sflag:s31] =	ssyncset.done $0x0  }
0x66: {  	[sflag:s31] =	ssyncadd.s32 $0xFFFFE000  }
0x67: {  	[bflag:$0x0] =	sbarrier.arrive $0xFFFF  }
0x68: {  	[tilespmem:s26], [sflag:$0x3] =	stream.linear.gather [spmem:s8], $0x2000, $0x38;
	[tilespmem:$0x13200] =	vst v63  }
0x69: {  	_ =	swait.ge [sflag:s24], $0x2000  }
0x6a: {  	[sflag:s24] =	ssyncset.done $0x0  }
0x6b: {  	s0 =	simm.s32 $0x0;
	[sflag:s24] =	ssyncadd.s32 $0xFFFFE000  }
0x6c: {  	[hbm4b:s13+s0] =	stream.linear.scatter [tilespmem:s26], [sflag:$0x3], $0x2000, $0x38;
	[tilespmem:$0x13200] =	vst v63  }
0x6d: {  	_ =	swait.ge [sflag:s24], $0x2000  }
0x6e: {  	[sflag:s24] =	ssyncset.done $0x0  }
0x6f: {  	[sflag:s24] =	ssyncadd.s32 $0xFFFFE000  }
0x70: {  	[tilespmem:s26], [sflag:$0x3] =	stream.linear.gather [spmem:s9], $0x2000, $0x38;
	[tilespmem:$0x13200] =	vst v63  }
0x71: {  	_ =	swait.ge [sflag:s24], $0x2000  }
0x72: {  	[sflag:s24] =	ssyncset.done $0x0  }
0x73: {  	[sflag:s24] =	ssyncadd.s32 $0xFFFFE000  }
0x74: {  	[hbm4b:s14+s0] =	stream.linear.scatter [tilespmem:s26], [sflag:$0x3], $0x2000, $0x38;
	[tilespmem:$0x13200] =	vst v63  }
0x75: {  	_ =	swait.ge [sflag:s24], $0x2000  }
0x76: {  	[sflag:s24] =	ssyncset.done $0x0  }
0x77: {  	[sflag:s24] =	ssyncadd.s32 $0xFFFFE000  }
0x78: {  	[tilespmem:s26], [sflag:$0x3] =	stream.linear.gather [spmem:s10], $0x2000, $0x38;
	[tilespmem:$0x13200] =	vst v63  }
0x79: {  	_ =	swait.ge [sflag:s24], $0x2000  }
0x7a: {  	[sflag:s24] =	ssyncset.done $0x0  }
0x7b: {  	[sflag:s24] =	ssyncadd.s32 $0xFFFFE000  }
0x7c: {  	[hbm4b:s15+s0] =	stream.linear.scatter [tilespmem:s26], [sflag:$0x3], $0x2000, $0x38;
	[tilespmem:$0x13200] =	vst v63  }
0x7d: {  	_ =	swait.ge [sflag:s24], $0x2000  }
0x7e: {  	[sflag:s24] =	ssyncset.done $0x0  }
0x7f: {  	[sflag:s24] =	ssyncadd.s32 $0xFFFFE000  }
0x80: {  	[tilespmem:s26], [sflag:$0x3] =	stream.linear.gather [spmem:s11], $0x2000, $0x38;
	[tilespmem:$0x13200] =	vst v63  }
0x81: {  	_ =	swait.ge [sflag:s24], $0x2000  }
0x82: {  	[sflag:s24] =	ssyncset.done $0x0  }
0x83: {  	[sflag:s24] =	ssyncadd.s32 $0xFFFFE000  }
0x84: {  	[hbm4b:s16+s0] =	stream.linear.scatter [tilespmem:s26], [sflag:$0x3], $0x2000, $0x38;
	[tilespmem:$0x13200] =	vst v63  }
0x85: {  	_ =	swait.ge [sflag:s24], $0x2000  }
0x86: {  	[sflag:s24] =	ssyncset.done $0x0  }
0x87: {  	[sflag:s24] =	ssyncadd.s32 $0xFFFFE000  }
0x88: {  	[tilespmem:s26], [sflag:$0x3] =	stream.linear.gather [spmem:s12], $0x1E00, $0x38;
	[tilespmem:$0x13200] =	vst v63  }
0x89: {  	_ =	swait.ge [sflag:s24], $0x1E00  }
0x8a: {  	[sflag:s24] =	ssyncset.done $0x0  }
0x8b: {  	[sflag:s24] =	ssyncadd.s32 $0xFFFFE200  }
0x8c: {  	[hbm4b:s17+s0] =	stream.linear.scatter [tilespmem:s26], [sflag:$0x3], $0x1E00, $0x38;
	[tilespmem:$0x13200] =	vst v63  }
0x8d: {  	_ =	swait.ge [sflag:s24], $0x1E00  }
0x8e: {  	[sflag:s24] =	ssyncset.done $0x0  }
0x8f: {  	s25 =	simm.s32 $0x100;
	s0 =	simm.s32 $0x0;
	[sflag:s24] =	ssyncadd.s32 $0xFFFFE200  }
.LBB2_6:
0x90: {  	p0 =	sne.s32 s25, $0x7F00;
	[tilespmem:s0+$0x5430] =	vst v0;
	s6 =	smov.u32 s25;
	s25 =	sadd.s32 $0x100, s25  }
.Ltmp2:
0x91: {  	[tilespmem:s0+$0x5420] =	vst v0;
	(pc) =	sbr.rel @p0 .LBB2_6-.Ltmp2, $3  }
0x92: {  	[tilespmem:s0+$0x5400] =	vst v0  }
0x93: {  	[tilespmem:s0+$0x5410] =	vst v0;
	_ =	sdelay $0x1  }
0x94: {  	s0 =	sshra.s32 s6, $0x2  }
0x95: {  	[tilespmem:s0+$0x5430] =	vst v0  }
0x96: {  	[tilespmem:s0+$0x5420] =	vst v0  }
0x97: {  	[tilespmem:s0+$0x5400] =	vst v0  }
0x98: {  	[tilespmem:s0+$0x5410] =	vst v0  }
0x99: {  	[spmem:s8] =	stream.linear.scatter [tilespmem:s26], [sflag:$0x3], $0x2000, $0x38;
	[tilespmem:$0x13200] =	vst v63  }
0x9a: {  	_ =	swait.ge [sflag:s24], $0x2000  }
0x9b: {  	[sflag:s24] =	ssyncset.done $0x0  }
0x9c: {  	[sflag:s24] =	ssyncadd.s32 $0xFFFFE000  }
0x9d: {  	[spmem:s9] =	stream.linear.scatter [tilespmem:s26], [sflag:$0x3], $0x2000, $0x38;
	[tilespmem:$0x13200] =	vst v63  }
0x9e: {  	_ =	swait.ge [sflag:s24], $0x2000  }
0x9f: {  	[sflag:s24] =	ssyncset.done $0x0  }
0xa0: {  	[sflag:s24] =	ssyncadd.s32 $0xFFFFE000  }
0xa1: {  	[spmem:s10] =	stream.linear.scatter [tilespmem:s26], [sflag:$0x3], $0x2000, $0x38;
	[tilespmem:$0x13200] =	vst v63  }
0xa2: {  	_ =	swait.ge [sflag:s24], $0x2000  }
0xa3: {  	[sflag:s24] =	ssyncset.done $0x0  }
0xa4: {  	[sflag:s24] =	ssyncadd.s32 $0xFFFFE000  }
0xa5: {  	[spmem:s11] =	stream.linear.scatter [tilespmem:s26], [sflag:$0x3], $0x2000, $0x38;
	[tilespmem:$0x13200] =	vst v63  }
0xa6: {  	_ =	swait.ge [sflag:s24], $0x2000  }
0xa7: {  	[sflag:s24] =	ssyncset.done $0x0  }
0xa8: {  	[sflag:s24] =	ssyncadd.s32 $0xFFFFE000  }
0xa9: {  	[spmem:s12] =	stream.linear.scatter [tilespmem:s26], [sflag:$0x3], $0x1E00, $0x38;
	[tilespmem:$0x13200] =	vst v63  }
0xaa: {  	_ =	swait.ge [sflag:s24], $0x1E00  }
0xab: {  	[sflag:s24] =	ssyncset.done $0x0  }
0xac: {  	[sflag:s24] =	ssyncadd.s32 $0xFFFFE200  }
0xad: {  	s6 =	simm.s32 $0x0;
	[bflag:$0x0] =	sbarrier.arrive $0xFFFF  }
0xae: {  	[tilespmem:s26], [sflag:$0x1] =	stream.indirect.gather [hbm4b:s5+s28], $0x40, s6, s28, $0xb8;
	[tilespmem:$0x13200] =	vst v63  }
0xaf: {  	_ = 	snop  }
0xb0: {  	[tilespmem:s29], [sflag:$0x2] =	stream.indirect.gather [hbm4b:s5+s28], $0x40, s28, s28, $0xb8;
	[tilespmem:$0x13200] =	vst v63  }
0xb1: {  	_ =	swait.ge [sflag:s30], $0x2000  }
0xb2: {  	[sflag:s30] =	ssyncset.done $0x0  }
0xb3: {  	s25 =	simm.s32 $0x2A00;
	[sflag:s30] =	ssyncadd.s32 $0xFFFFE000  }
0xb4: {  	[spmem:s2] =	stream.indirect.scatter.add.f32 [tilespmem:s26], [sflag:$0x3], $0x40, s25, s28, $0xb8;
	[tilespmem:$0x13200] =	vst v63  }
0xb5: {  	_ =	swait.ge [sflag:s24], $0x2000  }
0xb6: {  	[sflag:s24] =	ssyncset.done $0x0  }
0xb7: {  	s6 =	simm.s32 $0x100;
	[sflag:s24] =	ssyncadd.s32 $0xFFFFE000  }
0xb8: {  	[tilespmem:s26], [sflag:$0x1] =	stream.indirect.gather [hbm4b:s5+s28], $0x40, s6, s28, $0xb8;
	[tilespmem:$0x13200] =	vst v63  }
0xb9: {  	_ =	swait.ge [sflag:s31], $0x2000  }
0xba: {  	[sflag:s31] =	ssyncset.done $0x0  }
0xbb: {  	s25 =	simm.s32 $0x2A80;
	[sflag:s31] =	ssyncadd.s32 $0xFFFFE000  }
0xbc: {  	[spmem:s2] =	stream.indirect.scatter.add.f32 [tilespmem:s29], [sflag:$0x3], $0x40, s25, s28, $0xb8;
	[tilespmem:$0x13200] =	vst v63  }
0xbd: {  	_ =	swait.ge [sflag:s24], $0x2000  }
0xbe: {  	[sflag:s24] =	ssyncset.done $0x0  }
0xbf: {  	s0 =	simm.s32 $0x400;
	s25 =	simm.s32 $0x180;
	[sflag:s24] =	ssyncadd.s32 $0xFFFFE000  }
.LBB2_8:
0xc0: {  	[tilespmem:s29], [sflag:$0x2] =	stream.indirect.gather [hbm4b:s5+s28], $0x40, s25, s28, $0xb8;
	[tilespmem:$0x13200] =	vst v63  }
0xc1: {  	s6 =	smov.u32 s0  }
0xc2: {  	p0 =	sne.s32 s0, $0xA000;
	s0 =	sadd.s32 $0x400, s0;
	_ =	swait.ge [sflag:s30], $0x2000  }
0xc3: {  	s6 =	sshra.s32 s6, $0x2;
	[sflag:s30] =	ssyncset.done $0x0  }
0xc4: {  	s25 =	sadd.s32 $0x2A00, s6;
	[sflag:s30] =	ssyncadd.s32 $0xFFFFE000  }
0xc5: {  	[spmem:s2] =	stream.indirect.scatter.add.f32 [tilespmem:s26], [sflag:$0x3], $0x40, s25, s28, $0xb8;
	[tilespmem:$0x13200] =	vst v63  }
0xc6: {  	_ =	swait.ge [sflag:s24], $0x2000  }
0xc7: {  	[sflag:s24] =	ssyncset.done $0x0  }
0xc8: {  	s25 =	sadd.s32 $0x100, s6;
	[sflag:s24] =	ssyncadd.s32 $0xFFFFE000  }
0xc9: {  	[tilespmem:s26], [sflag:$0x1] =	stream.indirect.gather [hbm4b:s5+s28], $0x40, s25, s28, $0xb8;
	[tilespmem:$0x13200] =	vst v63  }
0xca: {  	_ =	swait.ge [sflag:s31], $0x2000  }
0xcb: {  	[sflag:s31] =	ssyncset.done $0x0  }
.Ltmp3:
0xcc: {  	s25 =	sadd.s32 $0x2A80, s6;
	[sflag:s31] =	ssyncadd.s32 $0xFFFFE000;
	(pc) =	sbr.rel @p0 .LBB2_8-.Ltmp3, $4  }
0xcd: {  	[spmem:s2] =	stream.indirect.scatter.add.f32 [tilespmem:s29], [sflag:$0x3], $0x40, s25, s28, $0xb8;
	[tilespmem:$0x13200] =	vst v63  }
0xce: {  	_ =	swait.ge [sflag:s24], $0x2000  }
0xcf: {  	[sflag:s24] =	ssyncset.done $0x0  }
0xd0: {  	s25 =	sadd.s32 $0x180, s6;
	[sflag:s24] =	ssyncadd.s32 $0xFFFFE000  }
0xd1: {  	[tilespmem:s29], [sflag:$0x2] =	stream.indirect.gather [hbm4b:s5+s28], $0x40, s25, s28, $0xb8;
	[tilespmem:$0x13200] =	vst v63  }
0xd2: {  	_ =	swait.ge [sflag:s30], $0x2000  }
0xd3: {  	[sflag:s30] =	ssyncset.done $0x0  }
0xd4: {  	[sflag:s30] =	ssyncadd.s32 $0xFFFFE000  }
0xd5: {  	_ =	swait.ge [sflag:s31], $0x2000  }
0xd6: {  	[sflag:s31] =	ssyncset.done $0x0  }
0xd7: {  	[sflag:s31] =	ssyncadd.s32 $0xFFFFE000  }
0xd8: {  	[bflag:$0x0] =	sbarrier.arrive $0xFFFF  }
0xd9: {  	[tilespmem:s26], [sflag:$0x3] =	stream.linear.gather [spmem:s8], $0x2000, $0x38;
	[tilespmem:$0x13200] =	vst v63  }
0xda: {  	_ =	swait.ge [sflag:s24], $0x2000  }
0xdb: {  	[sflag:s24] =	ssyncset.done $0x0  }
0xdc: {  	[sflag:s24] =	ssyncadd.s32 $0xFFFFE000  }
0xdd: {  	[hbm4b:s18+s3] =	stream.linear.scatter [tilespmem:s26], [sflag:$0x3], $0x2000, $0x38;
	[tilespmem:$0x13200] =	vst v63  }
0xde: {  	_ =	swait.ge [sflag:s24], $0x2000  }
0xdf: {  	[sflag:s24] =	ssyncset.done $0x0  }
0xe0: {  	[sflag:s24] =	ssyncadd.s32 $0xFFFFE000  }
0xe1: {  	[tilespmem:s26], [sflag:$0x3] =	stream.linear.gather [spmem:s9], $0x2000, $0x38;
	[tilespmem:$0x13200] =	vst v63  }
0xe2: {  	_ =	swait.ge [sflag:s24], $0x2000  }
0xe3: {  	[sflag:s24] =	ssyncset.done $0x0  }
0xe4: {  	[sflag:s24] =	ssyncadd.s32 $0xFFFFE000  }
0xe5: {  	[hbm4b:s19+s3] =	stream.linear.scatter [tilespmem:s26], [sflag:$0x3], $0x2000, $0x38;
	[tilespmem:$0x13200] =	vst v63  }
0xe6: {  	_ =	swait.ge [sflag:s24], $0x2000  }
0xe7: {  	[sflag:s24] =	ssyncset.done $0x0  }
0xe8: {  	[sflag:s24] =	ssyncadd.s32 $0xFFFFE000  }
0xe9: {  	[tilespmem:s26], [sflag:$0x3] =	stream.linear.gather [spmem:s10], $0x2000, $0x38;
	[tilespmem:$0x13200] =	vst v63  }
0xea: {  	_ =	swait.ge [sflag:s24], $0x2000  }
0xeb: {  	[sflag:s24] =	ssyncset.done $0x0  }
0xec: {  	[sflag:s24] =	ssyncadd.s32 $0xFFFFE000  }
0xed: {  	[hbm4b:s20+s3] =	stream.linear.scatter [tilespmem:s26], [sflag:$0x3], $0x2000, $0x38;
	[tilespmem:$0x13200] =	vst v63  }
0xee: {  	_ =	swait.ge [sflag:s24], $0x2000  }
0xef: {  	[sflag:s24] =	ssyncset.done $0x0  }
0xf0: {  	[sflag:s24] =	ssyncadd.s32 $0xFFFFE000  }
0xf1: {  	[tilespmem:s26], [sflag:$0x3] =	stream.linear.gather [spmem:s11], $0x2000, $0x38;
	[tilespmem:$0x13200] =	vst v63  }
0xf2: {  	_ =	swait.ge [sflag:s24], $0x2000  }
0xf3: {  	[sflag:s24] =	ssyncset.done $0x0  }
0xf4: {  	[sflag:s24] =	ssyncadd.s32 $0xFFFFE000  }
0xf5: {  	[hbm4b:s21+s3] =	stream.linear.scatter [tilespmem:s26], [sflag:$0x3], $0x2000, $0x38;
	[tilespmem:$0x13200] =	vst v63  }
0xf6: {  	_ =	swait.ge [sflag:s24], $0x2000  }
0xf7: {  	[sflag:s24] =	ssyncset.done $0x0  }
0xf8: {  	[sflag:s24] =	ssyncadd.s32 $0xFFFFE000  }
0xf9: {  	[tilespmem:s26], [sflag:$0x3] =	stream.linear.gather [spmem:s12], $0x1E00, $0x38;
	[tilespmem:$0x13200] =	vst v63  }
0xfa: {  	s1 =	sadd.s32 $0x1, s1;
	_ =	swait.ge [sflag:s24], $0x1E00  }
0xfb: {  	p0 =	sne.s32 s1, s23;
	[sflag:s24] =	ssyncset.done $0x0  }
.Ltmp4:
0xfc: {  	[sflag:s24] =	ssyncadd.s32 $0xFFFFE200;
	(pc) =	sbr.rel @p0 .LBB2_1-.Ltmp4, $4  }
0xfd: {  	[hbm4b:s22+s3] =	stream.linear.scatter [tilespmem:s26], [sflag:$0x3], $0x1E00, $0x38;
	[tilespmem:$0x13200] =	vst v63  }
0xfe: {  	_ =	swait.ge [sflag:s24], $0x1E00  }
0xff: {  	[sflag:s24] =	ssyncset.done $0x0  }
0x100: {  	[sflag:s24] =	ssyncadd.s32 $0xFFFFE200  }
0x101: {  	_ =	sfence.sel $0x180000  }
0x102: {  	[bflag:$0x0] =	sbarrier.arrive $0xFFFF  }
0x103: {  	_ =	strace $0x9000004A  }
0x104: {  	s0 =	stileid.u32;
	[bflag:$0x2] =	sbarrier.arrive $0xFFFF  }
0x105: {  	p0 =	sne.s32 s0, $0x0;
	s0 =	rddreg [dreg:$0x2]  }
0x106: {  	s0 =	sadd.s32 @!p0 $0x100000, s0  }
0x107: {  	[sflag:s0] =	ssyncadd.tile.s32 @!p0 $0x1;
	_ =	shalt  }
.Lfunc_end2:
_tile_overlayer_lowered:
.L_overlay_start_2:
0x108: {  	(tag) =	ssettag $0x2  }
0x109: {  	s0 =	rddreg [dreg:$0x0];
	s2 =	stileid.u32  }
0x10a: {  	s1 =	rddreg [dreg:$0x1];
	p0 =	sne.s32 s2, $0x0  }
0x10b: {  	s3 =	rddreg [dreg:$0x2];
	[bflag:$0x3] =	sbarrier.arrive $0xFFFF;
	s2 =	simm.s32 @!p0 $0x1C03  }
0x10c: {  	[timem:s3], [sflag:s2] =	dma.local @!p0 [hbm:s0], s1  }
0x10d: {  	s0 =	simm.s32 @!p0 $0x3  }
0x10e: {  	_ =	swait.ge @!p0 [sflag:s0], s1  }
0x10f: {  	s1 =	ssub.s32 @!p0 $0x0, s1;
	[sflag:s0] =	ssyncset.done @!p0 $0x0  }
0x110: {  	[sflag:s0] =	ssyncadd.s32 @!p0 s1  }
0x111: {  	[bflag:$0x3] =	sbarrier.arrive $0xFFFF  }
0x112: {  	_ =	shalt  }

// kernel: kernel.14.cloned.1.call-start
scs
__scs_entry_jumppad:
0x0: {  	(pc) =	sbr.rel $0x88, $3  }
0x1: {  	(tag) =	ssettag $0x0;
	lr =	simm.s32 $0x1  }
0x2: {  	[smem:$0x3F9B] =	sst lr;
	_ =	strace $0xD0000000  }
0x3: {  	_ = 	snop  }
0x4: {  	_ = 	snop  }
0x5: {  	_ = 	snop  }
0x6: {  	_ = 	snop  }
0x7: {  	_ = 	snop  }
__scs_overlays_trampoline_lowered:
0x8: {  	[smem:$0x3FAA] =	sst s0  }
0x9: {  	[smem:$0x3FAB] =	sst s1  }
0xa: {  	[smem:$0x3FAC] =	sst s2  }
0xb: {  	[smem:$0x3FAD] =	sst s3  }
0xc: {  	[smem:$0x3FAE] =	sst s4  }
0xd: {  	[smem:$0x3FAF] =	sst s5  }
0xe: {  	[smem:$0x3FB0] =	sst s6  }
0xf: {  	[smem:$0x3FB1] =	sst s7  }
0x10: {  	[smem:$0x3FB2] =	sst s8  }
0x11: {  	[smem:$0x3FB3] =	sst s9;
	s0 =	simm.s32 @!p0 $0x0  }
0x12: {  	s1 =	sld [smem:$0x3F99];
	s0 =	simm.s32 @p0 $0x1  }
0x13: {  	[smem:$0x3FB4] =	sst s0;
	s0 =	simm.s32 @!p1 $0x0  }
0x14: {  	s2 =	sld [smem:$0x3F98];
	s0 =	simm.s32 @p1 $0x1  }
0x15: {  	[smem:$0x3FB5] =	sst s0;
	s0 =	simm.s32 @!p2 $0x0  }
0x16: {  	s3 =	sld [smem:$0x3FDB];
	s0 =	simm.s32 @p2 $0x1  }
0x17: {  	s4 =	simm.s32 $0x1BF5;
	[smem:$0x3FB7] =	sst s0  }
0x18: {  	s0 =	sld [smem:$0x3F9A];
	_ =	swait.ge [sflag:s4], $0x0  }
0x19: {  	s7 =	sld [smem:$0x3F9B]  }
0x1a: {  	s8 =	sadd.s32 $0xFFFFE003, lr  }
0x1b: {  	s9 =	sadd.s32 $0xFFFFFEF7, lr;
	s5 =	simm.s32 $0xFFFFFFFF;
	p2 =	slt.u32 s8, $0xFFFFF086  }
0x1c: {  	p1 =	slt.u32 s9, $0xF7A;
	s5 =	simm.s32 @!p2 $0x0  }
0x1d: {  	s5 =	simm.s32 @p1 $0x1;
	p0 =	seq.s32 s7, s2  }
0x1e: {  	s7 =	smul.u32 @!p0 $0xF7A, s2;
	p2 =	seq.s32 @!p0 s5, $0x0  }
0x1f: {  	s9 =	smul.u32 $0xF7A, s1;
	s8 =	simm.s32 @!p0 $0x1BF5;
	p2 =	por !p2, p0  }
0x20: {  	[sflag:s8] =	ssyncset.s32 @!p0 $0xFFFFF086;
	s6 =	sadd.s32 @!p0 s3, s7;
	s7 =	simm.s32 @!p0 $0x108  }
0x21: {  	s3 =	sadd.s32 s3, s9;
	s6 =	sadd.s32 @!p0 $0x88, s6;
	s7 =	simm.s32 @p2 $0x1082  }
0x22: {  	[simem:s7], [sflag:s8] =	dma.local @!p0 [hbm:s6], $0xF7A  }
0x23: {  	s9 =	sor.u32 $0xD0000000, s2;
	s6 =	simm.s32 $0x108;
	_ =	swait.ge @!p0 [sflag:s8], $0x0  }
0x24: {  	s3 =	sadd.s32 $0x88, s3;
	s6 =	simm.s32 @!p1 $0x1082;
	[sflag:s4] =	ssyncset.s32 $0xFFFFF086  }
0x25: {  	[simem:s6], [sflag:s4] =	dma.local [hbm:s3], $0xF7A  }
0x26: {  	[smem:$0x3F9B] =	sst s1;
	(tag) =	ssettag s2;
	_ =	strace s9  }
0x27: {  	s1 =	sld [smem:$0x3FAB]  }
0x28: {  	s2 =	sld [smem:$0x3FAC]  }
0x29: {  	s4 =	sld [smem:$0x3FAE]  }
0x2a: {  	p0 =	seq.s32 s5, $0x0;
	s5 =	sld [smem:$0x3FAF]  }
0x2b: {  	s6 =	sld [smem:$0x3FB0]  }
0x2c: {  	s7 =	sld [smem:$0x3FB1]  }
0x2d: {  	s3 =	simm.s32 $0x108;
	s8 =	sld [smem:$0x3FB2]  }
0x2e: {  	s3 =	simm.s32 @!p0 $0x1082;
	s9 =	sld [smem:$0x3FB3]  }
0x2f: {  	lr =	sadd.s32 s0, s3;
	s0 =	sld [smem:$0x3FAA]  }
0x30: {  	s3 =	sld [smem:$0x3FAD]  }
0x31: {  	[smem:$0x3FB6] =	sst s10  }
0x32: {  	s10 =	sld [smem:$0x3FB4];
	_ =	sdelay $0x3  }
0x33: {  	p0 =	seq.s32 s10, $0x1;
	s10 =	sld [smem:$0x3FB6];
	_ =	sdelay $0x3  }
0x34: {  	[smem:$0x3FB6] =	sst s10  }
0x35: {  	s10 =	sld [smem:$0x3FB5];
	_ =	sdelay $0x3  }
0x36: {  	p1 =	seq.s32 s10, $0x1;
	s10 =	sld [smem:$0x3FB6];
	_ =	sdelay $0x3  }
0x37: {  	[smem:$0x3FB6] =	sst s10  }
0x38: {  	s10 =	sld [smem:$0x3FB7]  }
0x39: {  	_ = 	snop;
	(pc) =	sbr.ind lr, $3  }
0x3a: {  	_ = 	snop  }
0x3b: {  	_ = 	snop  }
0x3c: {  	p2 =	seq.s32 s10, $0x1;
	s10 =	sld [smem:$0x3FB6]  }
0x3d: {  	_ =	shalt  }
0x3e: {  	_ =	shalt  }
0x3f: {  	_ =	shalt  }
0x40: {  	_ =	shalt  }
0x41: {  	_ =	shalt  }
0x42: {  	_ =	shalt  }
0x43: {  	_ =	shalt  }
0x44: {  	_ =	shalt  }
0x45: {  	_ =	shalt  }
0x46: {  	_ =	shalt  }
0x47: {  	_ =	shalt  }
0x48: {  	_ =	shalt  }
0x49: {  	_ =	shalt  }
0x4a: {  	_ =	shalt  }
0x4b: {  	_ =	shalt  }
0x4c: {  	_ =	shalt  }
0x4d: {  	_ =	shalt  }
0x4e: {  	_ =	shalt  }
0x4f: {  	_ =	shalt  }
0x50: {  	_ =	shalt  }
0x51: {  	_ =	shalt  }
0x52: {  	_ =	shalt  }
0x53: {  	_ =	shalt  }
0x54: {  	_ =	shalt  }
0x55: {  	_ =	shalt  }
0x56: {  	_ =	shalt  }
0x57: {  	_ =	shalt  }
0x58: {  	_ =	shalt  }
0x59: {  	_ =	shalt  }
0x5a: {  	_ =	shalt  }
0x5b: {  	_ =	shalt  }
0x5c: {  	_ =	shalt  }
0x5d: {  	_ =	shalt  }
0x5e: {  	_ =	shalt  }
0x5f: {  	_ =	shalt  }
0x60: {  	_ =	shalt  }
0x61: {  	_ =	shalt  }
0x62: {  	_ =	shalt  }
0x63: {  	_ =	shalt  }
0x64: {  	_ =	shalt  }
0x65: {  	_ =	shalt  }
0x66: {  	_ =	shalt  }
0x67: {  	_ =	shalt  }
0x68: {  	_ =	shalt  }
0x69: {  	_ =	shalt  }
0x6a: {  	_ =	shalt  }
0x6b: {  	_ =	shalt  }
0x6c: {  	_ =	shalt  }
0x6d: {  	_ =	shalt  }
0x6e: {  	_ =	shalt  }
0x6f: {  	_ =	shalt  }
0x70: {  	_ =	shalt  }
0x71: {  	_ =	shalt  }
0x72: {  	_ =	shalt  }
0x73: {  	_ =	shalt  }
0x74: {  	_ =	shalt  }
0x75: {  	_ =	shalt  }
0x76: {  	_ =	shalt  }
0x77: {  	_ =	shalt  }
0x78: {  	_ =	shalt  }
0x79: {  	_ =	shalt  }
0x7a: {  	_ =	shalt  }
0x7b: {  	_ =	shalt  }
0x7c: {  	_ =	shalt  }
0x7d: {  	_ =	shalt  }
0x7e: {  	_ =	shalt  }
0x7f: {  	_ =	shalt  }
0x80: {  	_ =	shalt  }
0x81: {  	_ =	shalt  }
0x82: {  	_ =	shalt  }
0x83: {  	_ =	shalt  }
0x84: {  	_ =	shalt  }
0x85: {  	_ =	shalt  }
0x86: {  	_ =	shalt  }
0x87: {  	_ =	shalt  }
.Lfunc_end0:
.L_simem_size_0:
called_computation.2_lowered:
.L_overlay_start_0:
0x88: {  	s2 =	sld [smem:$0x3FD9]  }
0x89: {  	s3 =	sld [smem:$0x3FFE];
	_ =	sdelay $0x1  }
0x8a: {  	s1 =	srdreg.scid  }
0x8b: {  	s0 =	sand.u32 $0x1, s1  }
0x8c: {  	s17 =	sshll.u32 s0, $0xA;
	s2 =	sadd.s32 s3, s2  }
0x8d: {  	s2 =	sadd.s32 s2, s17  }
0x8e: {  	[smem:$0x3FC2] =	sst s2  }
0x8f: {  	_ = 	snop  }
0x90: {  	s2 =	sld [smem:$0x3FD0];
	(tm) =	ssettm $0x1  }
0x91: {  	s18 =	sld [smem:$0x3FFB];
	_ =	sdelay $0x3  }
0x92: {  	_ =	strace s18  }
0x93: {  	s3 =	sld [smem:$0x3FFC];
	_ =	sdelay $0x3  }
0x94: {  	_ =	strace s3  }
0x95: {  	s3 =	sld [smem:$0x3FFD];
	_ =	sdelay $0x3  }
0x96: {  	_ =	strace s3  }
0x97: {  	_ =	strace $0x8FFFFFFF  }
0x98: {  	s19 =	sld [smem:$0x3FDB];
	_ =	sdelay $0x1  }
0x99: {  	s4 =	simm.s32 $_scs_section_size  }
0x9a: {  	s5 =	simm.s32 $_size__tile_overlayer_lowered;
	s6 =	simm.s32 $_tile_overlayer_lowered  }
0x9b: {  	s22 =	simm.s32 $0x1BFF;
	s21 =	sshll.u32 s6, $0x1;
	s3 =	sadd.s32 s4, s19  }
0x9c: {  	s7 =	simm.s32 $0x0;
	s20 =	sshll.u32 s5, $0x1;
	s5 =	sadd.s32 s21, s3  }
0x9d: {  	[timem:s7], [sflag:s22] =	dma.local [hbm:s5], s20  }
0x9e: {  	_ =	swait.ge [sflag:s22], s20  }
0x9f: {  	s4 =	ssub.s32 $0x0, s20;
	[sflag:s22] =	ssyncset.done $0x0  }
0xa0: {  	[sflag:s22] =	ssyncadd.s32 s4;
	_ =	sdelay $0x1  }
0xa1: {  	s23 =	simm.s32 $0x1B8B  }
0xa2: {  	_ =	swait.ge [sflag:s23], $0x1  }
0xa3: {  	[sflag:s23] =	ssyncset.done $0x0  }
0xa4: {  	s25 =	simm.s32 $0x1B8E;
	s24 =	sld [smem:$0x3FFE];
	[sflag:s23] =	ssyncadd.s32 $0xFFFFFFFF  }
0xa5: {  	s26 =	simm.s32 $execute0_lowered;
	[smem:$0x3FD2] =	sst s25  }
0xa6: {  	s5 =	sshll.u32 s26, $0x1;
	_ =	strace $0x8000004C;
	[dreg:$0x1] =	wrdreg $0xFFFFFFFF  }
0xa7: {  	s28 =	simm.s32 $_size_execute0_lowered;
	s3 =	sadd.s32 s3, s5;
	[dreg:$0x0] =	wrdreg $0x0  }
0xa8: {  	s5 =	sshll.u32 s28, $0x1;
	[dreg:$0x2] =	wrdreg s3  }
0xa9: {  	[dreg:$0x3] =	wrdreg s5  }
0xaa: {  	[dreg:$0x4] =	wrdreg $0xC0  }
0xab: {  	_ =	task [dreg:s7], $0x5FFFF  }
0xac: {  	[dreg:$0x1] =	wrdreg $0xFFFFFFFF  }
0xad: {  	[dreg:$0x0] =	wrdreg $0x60  }
0xae: {  	[dreg:$0x2] =	wrdreg s2  }
0xaf: {  	[dreg:$0x3] =	wrdreg s24  }
0xb0: {  	[dreg:$0x4] =	wrdreg $0x64000  }
0xb1: {  	[dreg:$0x5] =	wrdreg $0x9  }
0xb2: {  	_ =	task.clear_ibuf [dreg:s7], $0x6FFFF;
	_ =	strace $0x9000004C  }
0xb3: {  	s29 =	simm.s32 $0x9;
	_ =	strace $0x8000004E  }
0xb4: {  	_ =	swait.ge [sflag:s29], $0x1  }
0xb5: {  	[sflag:s29] =	ssyncadd.s32 $0xFFFFFFFF  }
0xb6: {  	_ =	strace $0x9000004E  }
0xb7: {  	_ =	sfence  }
0xb8: {  	s30 =	sld [smem:$0x0];
	_ =	sdelay $0x2  }
0xb9: {  	s31 =	sshll.u32 s1, $0xD;
	s1 =	sshrl.u32 s1, $0x2  }
0xba: {  	s3 =	sand.u32 $0x4000, s31;
	s1 =	sadd.s32 s1, s30  }
0xbb: {  	s0 =	sor.u32 s3, s0;
	s1 =	sshll.u32 s1, $0x11  }
0xbc: {  	s0 =	sor.u32 s1, s0  }
0xbd: {  	s0 =	sadd.s32 $0x8F2B, s0  }
0xbe: {  	[sflag:s0] =	ssyncadd.remote.s32 $0x1  }
0xbf: {  	_ =	sfence.sel $0xFFFF  }
0xc0: {  	[dreg:$0x0] =	wrdreg $0xFFFFFFFF;
	(pc) =	sbr.abs _section_cstart, $3  }
0xc1: {  	[dreg:$0x1] =	wrdreg $0xFFFFFFFF  }
0xc2: {  	_ =	task.clear_ibuf [dreg:s7], $0x2FFFF;
	_ =	strace $0x9FFFFFFF  }
0xc3: {  	(tm) =	ssettm $0x7FFFFFFF  }
tec
execute0_lowered:
.L_overlay_start_1:
0x0: {  	(tag) =	ssettag $0x1  }
0x1: {  	s1 =	rddreg [dreg:$0x0]  }
0x2: {  	s5 =	rddreg [dreg:$0x1]  }
0x3: {  	s2 =	srdreg.scid;
	s0 =	stileid.u32  }
0x4: {  	s3 =	rddreg [dreg:$0x2];
	s4 =	simm.s32 $0x0;
	s21 =	simm.s32 $0x80  }
0x5: {  	s22 =	simm.s32 $0x5C00;
	s23 =	simm.s32 $0x1;
	s24 =	simm.s32 $0x2  }
0x6: {  	s25 =	simm.s32 $0x0;
	s8 =	sand.u32 $0x1, s2;
	s2 =	rddreg [dreg:$0x3]  }
0x7: {  	s6 =	sshll.u32 s0, $0x1;
	[smem:$0x7FF] =	sst s4;
	s11 =	smul.u32 $0x2780, s0  }
0x8: {  	s16 =	sadd.s32 $0x17000, s5;
	s6 =	sor.u32 s8, s6;
	s15 =	smul.u32 $0x27800, s8  }
0x9: {  	s7 =	ssub.s32 $0x2, s8;
	_ =	strace $0x8000004D;
	s6 =	smul.u32 $0x540, s6  }
0xa: {  	s9 =	sshrl.u32 s7, $0x1;
	s12 =	sadd.s32 $0x800, s11;
	s14 =	sadd.s32 $0x1000, s11  }
0xb: {  	s18 =	sadd.s32 $0x1800, s11;
	s19 =	sadd.s32 $0x2000, s11;
	s17 =	ssub.s32 s7, s9  }
0xc: {  	s7 =	sadd.s32 s11, s3;
	s8 =	sadd.s32 s12, s3;
	s9 =	sadd.s32 s14, s3  }
0xd: {  	s10 =	sadd.s32 s18, s3;
	s13 =	sadd.s32 s11, s15;
	s12 =	sadd.s32 s15, s12  }
0xe: {  	s11 =	sadd.s32 s19, s3;
	s14 =	sadd.s32 s15, s14;
	s18 =	sadd.s32 s15, s18  }
0xf: {  	s15 =	sadd.s32 s15, s19;
	s6 =	sadd.s32 s6, s5;
	s13 =	sshrl.u32 s13, $0x3  }
0x10: {  	s20 =	sshrl.u32 s12, $0x3;
	s14 =	sshrl.u32 s14, $0x3;
	s18 =	sshrl.u32 s18, $0x3  }
0x11: {  	s19 =	sshrl.u32 s15, $0x3;
	s17 =	smax.u32 s17, $0x1;
	s5 =	sadd.s32 $0xC800, s6  }
0x12: {  	s6 =	sadd.s32 $0x2000, s6;
	s12 =	sadd.s32 s16, s13;
	s13 =	sadd.s32 s16, s20  }
0x13: {  	s14 =	sadd.s32 s16, s14;
	s15 =	sadd.s32 s16, s18;
	s16 =	sadd.s32 s16, s19  }
0x14: {  	v0 =	vimm.f32 $0.0e+00;
	s18 =	simm.s32 $0x3;
	s19 =	simm.s32 $0x2A00;
	s20 =	simm.s32 $0x5400  }
.LBB2_1:
0x15: {  	[tilespmem:s4], [sflag:$0x3] =	stream.linear.gather [hbm4b:s5+s4], $0x2A00, $0x38;
	[tilespmem:$0x8B80] =	vst v63  }
0x16: {  	_ =	swait.ge [sflag:s18], $0x2A00  }
0x17: {  	[sflag:s18] =	ssyncset.done $0x0  }
0x18: {  	[sflag:s18] =	ssyncadd.s32 $0xFFFFD600  }
0x19: {  	[tilespmem:s19], [sflag:$0x3] =	stream.linear.gather [hbm4b:s6+s4], $0x2A00, $0x38;
	[tilespmem:$0x8B80] =	vst v63  }
0x1a: {  	_ =	swait.ge [sflag:s18], $0x2A00  }
0x1b: {  	[sflag:s18] =	ssyncset.done $0x0  }
0x1c: {  	s26 =	simm.s32 $0x40;
	s28 =	simm.s32 $0x0;
	[sflag:s18] =	ssyncadd.s32 $0xFFFFD600  }
.LBB2_2:
0x1d: {  	p0 =	sne.s32 s26, $0x1FC0;
	[tilespmem:s28+$0x5400] =	vst v0;
	s28 =	smov.u32 s26;
	s26 =	sadd.s32 $0x40, s26  }
.Ltmp0:
0x1e: {  	(pc) =	sbr.rel @p0 .LBB2_2-.Ltmp0, $2  }
0x1f: {  	_ =	sdelay $0x2  }
0x20: {  	s28 =	sshra.s32 s28, $0x2  }
0x21: {  	[tilespmem:s28+$0x5400] =	vst v0  }
0x22: {  	[spmem:s7] =	stream.linear.scatter [tilespmem:s20], [sflag:$0x3], $0x800, $0x38;
	[tilespmem:$0x8B80] =	vst v63  }
0x23: {  	_ =	swait.ge [sflag:s18], $0x800  }
0x24: {  	[sflag:s18] =	ssyncset.done $0x0  }
0x25: {  	[sflag:s18] =	ssyncadd.s32 $0xFFFFF800  }
0x26: {  	[spmem:s8] =	stream.linear.scatter [tilespmem:s20], [sflag:$0x3], $0x800, $0x38;
	[tilespmem:$0x8B80] =	vst v63  }
0x27: {  	_ =	swait.ge [sflag:s18], $0x800  }
0x28: {  	[sflag:s18] =	ssyncset.done $0x0  }
0x29: {  	[sflag:s18] =	ssyncadd.s32 $0xFFFFF800  }
0x2a: {  	[spmem:s9] =	stream.linear.scatter [tilespmem:s20], [sflag:$0x3], $0x800, $0x38;
	[tilespmem:$0x8B80] =	vst v63  }
0x2b: {  	_ =	swait.ge [sflag:s18], $0x800  }
0x2c: {  	[sflag:s18] =	ssyncset.done $0x0  }
0x2d: {  	[sflag:s18] =	ssyncadd.s32 $0xFFFFF800  }
0x2e: {  	[spmem:s10] =	stream.linear.scatter [tilespmem:s20], [sflag:$0x3], $0x800, $0x38;
	[tilespmem:$0x8B80] =	vst v63  }
0x2f: {  	_ =	swait.ge [sflag:s18], $0x800  }
0x30: {  	[sflag:s18] =	ssyncset.done $0x0  }
0x31: {  	[sflag:s18] =	ssyncadd.s32 $0xFFFFF800  }
0x32: {  	[spmem:s11] =	stream.linear.scatter [tilespmem:s20], [sflag:$0x3], $0x780, $0x38;
	[tilespmem:$0x8B80] =	vst v63  }
0x33: {  	_ =	swait.ge [sflag:s18], $0x780  }
0x34: {  	[sflag:s18] =	ssyncset.done $0x0  }
0x35: {  	[sflag:s18] =	ssyncadd.s32 $0xFFFFF880  }
0x36: {  	s26 =	simm.s32 $0x0;
	[bflag:$0x0] =	sbarrier.arrive $0xFFFF  }
0x37: {  	[tilespmem:s20], [sflag:$0x1] =	stream.indirect.gather [hbm4b:s1+s21], $0x10, s26, s21, $0xb8;
	[tilespmem:$0x8B80] =	vst v63  }
0x38: {  	_ = 	snop  }
0x39: {  	[tilespmem:s22], [sflag:$0x2] =	stream.indirect.gather [hbm4b:s1+s21], $0x10, s21, s21, $0xb8;
	[tilespmem:$0x8B80] =	vst v63  }
0x3a: {  	_ =	swait.ge [sflag:s23], $0x800  }
0x3b: {  	[sflag:s23] =	ssyncset.done $0x0  }
0x3c: {  	s29 =	simm.s32 $0x2A00;
	[sflag:s23] =	ssyncadd.s32 $0xFFFFF800  }
0x3d: {  	[spmem:s3] =	stream.indirect.scatter.add.f32 [tilespmem:s20], [sflag:$0x3], $0x10, s29, s21, $0xb8;
	[tilespmem:$0x8B80] =	vst v63  }
0x3e: {  	_ =	swait.ge [sflag:s18], $0x800  }
0x3f: {  	[sflag:s18] =	ssyncset.done $0x0  }
0x40: {  	s30 =	simm.s32 $0x100;
	[sflag:s18] =	ssyncadd.s32 $0xFFFFF800  }
0x41: {  	[tilespmem:s20], [sflag:$0x1] =	stream.indirect.gather [hbm4b:s1+s21], $0x10, s30, s21, $0xb8;
	[tilespmem:$0x8B80] =	vst v63  }
0x42: {  	_ =	swait.ge [sflag:s24], $0x800  }
0x43: {  	[sflag:s24] =	ssyncset.done $0x0  }
0x44: {  	s31 =	simm.s32 $0x2A80;
	[sflag:s24] =	ssyncadd.s32 $0xFFFFF800  }
0x45: {  	[spmem:s3] =	stream.indirect.scatter.add.f32 [tilespmem:s22], [sflag:$0x3], $0x10, s31, s21, $0xb8;
	[tilespmem:$0x8B80] =	vst v63  }
0x46: {  	_ =	swait.ge [sflag:s18], $0x800  }
0x47: {  	[sflag:s18] =	ssyncset.done $0x0  }
0x48: {  	s28 =	simm.s32 $0x180;
	s26 =	simm.s32 $0x400;
	[sflag:s18] =	ssyncadd.s32 $0xFFFFF800  }
.LBB2_4:
0x49: {  	[tilespmem:s22], [sflag:$0x2] =	stream.indirect.gather [hbm4b:s1+s21], $0x10, s28, s21, $0xb8;
	[tilespmem:$0x8B80] =	vst v63  }
0x4a: {  	s28 =	smov.u32 s26  }
0x4b: {  	p0 =	sne.s32 s26, $0xA000;
	s26 =	sadd.s32 $0x400, s26;
	_ =	swait.ge [sflag:s23], $0x800  }
0x4c: {  	s28 =	sshra.s32 s28, $0x2;
	[sflag:s23] =	ssyncset.done $0x0  }
0x4d: {  	s29 =	sadd.s32 $0x2A00, s28;
	[sflag:s23] =	ssyncadd.s32 $0xFFFFF800  }
0x4e: {  	[spmem:s3] =	stream.indirect.scatter.add.f32 [tilespmem:s20], [sflag:$0x3], $0x10, s29, s21, $0xb8;
	[tilespmem:$0x8B80] =	vst v63  }
0x4f: {  	_ =	swait.ge [sflag:s18], $0x800  }
0x50: {  	[sflag:s18] =	ssyncset.done $0x0  }
0x51: {  	s29 =	sadd.s32 $0x100, s28;
	[sflag:s18] =	ssyncadd.s32 $0xFFFFF800  }
0x52: {  	[tilespmem:s20], [sflag:$0x1] =	stream.indirect.gather [hbm4b:s1+s21], $0x10, s29, s21, $0xb8;
	[tilespmem:$0x8B80] =	vst v63  }
0x53: {  	_ =	swait.ge [sflag:s24], $0x800  }
0x54: {  	[sflag:s24] =	ssyncset.done $0x0  }
.Ltmp1:
0x55: {  	s29 =	sadd.s32 $0x2A80, s28;
	[sflag:s24] =	ssyncadd.s32 $0xFFFFF800;
	(pc) =	sbr.rel @p0 .LBB2_4-.Ltmp1, $4  }
0x56: {  	[spmem:s3] =	stream.indirect.scatter.add.f32 [tilespmem:s22], [sflag:$0x3], $0x10, s29, s21, $0xb8;
	[tilespmem:$0x8B80] =	vst v63  }
0x57: {  	_ =	swait.ge [sflag:s18], $0x800  }
0x58: {  	[sflag:s18] =	ssyncset.done $0x0  }
0x59: {  	s28 =	sadd.s32 $0x180, s28;
	[sflag:s18] =	ssyncadd.s32 $0xFFFFF800  }
0x5a: {  	[tilespmem:s22], [sflag:$0x2] =	stream.indirect.gather [hbm4b:s1+s21], $0x10, s28, s21, $0xb8;
	[tilespmem:$0x8B80] =	vst v63  }
0x5b: {  	_ =	swait.ge [sflag:s23], $0x800  }
0x5c: {  	[sflag:s23] =	ssyncset.done $0x0  }
0x5d: {  	[sflag:s23] =	ssyncadd.s32 $0xFFFFF800  }
0x5e: {  	_ =	swait.ge [sflag:s24], $0x800  }
0x5f: {  	[sflag:s24] =	ssyncset.done $0x0  }
0x60: {  	[sflag:s24] =	ssyncadd.s32 $0xFFFFF800  }
0x61: {  	[bflag:$0x0] =	sbarrier.arrive $0xFFFF  }
0x62: {  	[tilespmem:s20], [sflag:$0x3] =	stream.linear.gather [spmem:s7], $0x800, $0x38;
	[tilespmem:$0x8B80] =	vst v63  }
0x63: {  	_ =	swait.ge [sflag:s18], $0x800  }
0x64: {  	[sflag:s18] =	ssyncset.done $0x0  }
0x65: {  	[sflag:s18] =	ssyncadd.s32 $0xFFFFF800  }
0x66: {  	[hbm4b:s12+s4] =	stream.linear.scatter [tilespmem:s20], [sflag:$0x3], $0x800, $0x38;
	[tilespmem:$0x8B80] =	vst v63  }
0x67: {  	_ =	swait.ge [sflag:s18], $0x800  }
0x68: {  	[sflag:s18] =	ssyncset.done $0x0  }
0x69: {  	[sflag:s18] =	ssyncadd.s32 $0xFFFFF800  }
0x6a: {  	[tilespmem:s20], [sflag:$0x3] =	stream.linear.gather [spmem:s8], $0x800, $0x38;
	[tilespmem:$0x8B80] =	vst v63  }
0x6b: {  	_ =	swait.ge [sflag:s18], $0x800  }
0x6c: {  	[sflag:s18] =	ssyncset.done $0x0  }
0x6d: {  	[sflag:s18] =	ssyncadd.s32 $0xFFFFF800  }
0x6e: {  	[hbm4b:s13+s4] =	stream.linear.scatter [tilespmem:s20], [sflag:$0x3], $0x800, $0x38;
	[tilespmem:$0x8B80] =	vst v63  }
0x6f: {  	_ =	swait.ge [sflag:s18], $0x800  }
0x70: {  	[sflag:s18] =	ssyncset.done $0x0  }
0x71: {  	[sflag:s18] =	ssyncadd.s32 $0xFFFFF800  }
0x72: {  	[tilespmem:s20], [sflag:$0x3] =	stream.linear.gather [spmem:s9], $0x800, $0x38;
	[tilespmem:$0x8B80] =	vst v63  }
0x73: {  	_ =	swait.ge [sflag:s18], $0x800  }
0x74: {  	[sflag:s18] =	ssyncset.done $0x0  }
0x75: {  	[sflag:s18] =	ssyncadd.s32 $0xFFFFF800  }
0x76: {  	[hbm4b:s14+s4] =	stream.linear.scatter [tilespmem:s20], [sflag:$0x3], $0x800, $0x38;
	[tilespmem:$0x8B80] =	vst v63  }
0x77: {  	_ =	swait.ge [sflag:s18], $0x800  }
0x78: {  	[sflag:s18] =	ssyncset.done $0x0  }
0x79: {  	[sflag:s18] =	ssyncadd.s32 $0xFFFFF800  }
0x7a: {  	[tilespmem:s20], [sflag:$0x3] =	stream.linear.gather [spmem:s10], $0x800, $0x38;
	[tilespmem:$0x8B80] =	vst v63  }
0x7b: {  	_ =	swait.ge [sflag:s18], $0x800  }
0x7c: {  	[sflag:s18] =	ssyncset.done $0x0  }
0x7d: {  	[sflag:s18] =	ssyncadd.s32 $0xFFFFF800  }
0x7e: {  	[hbm4b:s15+s4] =	stream.linear.scatter [tilespmem:s20], [sflag:$0x3], $0x800, $0x38;
	[tilespmem:$0x8B80] =	vst v63  }
0x7f: {  	_ =	swait.ge [sflag:s18], $0x800  }
0x80: {  	[sflag:s18] =	ssyncset.done $0x0  }
0x81: {  	[sflag:s18] =	ssyncadd.s32 $0xFFFFF800  }
0x82: {  	[tilespmem:s20], [sflag:$0x3] =	stream.linear.gather [spmem:s11], $0x780, $0x38;
	[tilespmem:$0x8B80] =	vst v63  }
0x83: {  	s25 =	sadd.s32 $0x1, s25;
	_ =	swait.ge [sflag:s18], $0x780  }
0x84: {  	p0 =	sne.s32 s25, s17;
	[sflag:s18] =	ssyncset.done $0x0  }
.Ltmp2:
0x85: {  	[sflag:s18] =	ssyncadd.s32 $0xFFFFF880;
	(pc) =	sbr.rel @p0 .LBB2_1-.Ltmp2, $4  }
0x86: {  	[hbm4b:s16+s4] =	stream.linear.scatter [tilespmem:s20], [sflag:$0x3], $0x780, $0x38;
	[tilespmem:$0x8B80] =	vst v63  }
0x87: {  	_ =	swait.ge [sflag:s18], $0x780  }
0x88: {  	[sflag:s18] =	ssyncset.done $0x0  }
0x89: {  	[sflag:s18] =	ssyncadd.s32 $0xFFFFF880  }
0x8a: {  	_ =	sfence.sel $0x180000  }
0x8b: {  	[bflag:$0x0] =	sbarrier.arrive $0xFFFF  }
0x8c: {  	p0 =	sne.s32 s0, $0x0;
	_ =	strace $0x9000004D  }
0x8d: {  	s0 =	sadd.s32 @!p0 $0x100000, s2;
	[bflag:$0x2] =	sbarrier.arrive $0xFFFF  }
0x8e: {  	[sflag:s0] =	ssyncadd.tile.s32 @!p0 $0x1;
	_ =	shalt  }
.Lfunc_end2:
_tile_overlayer_lowered:
.L_overlay_start_2:
0x8f: {  	(tag) =	ssettag $0x2  }
0x90: {  	s0 =	rddreg [dreg:$0x0];
	s2 =	stileid.u32  }
0x91: {  	s1 =	rddreg [dreg:$0x1];
	p0 =	sne.s32 s2, $0x0  }
0x92: {  	s3 =	rddreg [dreg:$0x2];
	[bflag:$0x3] =	sbarrier.arrive $0xFFFF;
	s2 =	simm.s32 @!p0 $0x1C03  }
0x93: {  	[timem:s3], [sflag:s2] =	dma.local @!p0 [hbm:s0], s1  }
0x94: {  	s0 =	simm.s32 @!p0 $0x3  }
0x95: {  	_ =	swait.ge @!p0 [sflag:s0], s1  }
0x96: {  	s1 =	ssub.s32 @!p0 $0x0, s1;
	[sflag:s0] =	ssyncset.done @!p0 $0x0  }
0x97: {  	[sflag:s0] =	ssyncadd.s32 @!p0 s1  }
0x98: {  	[bflag:$0x3] =	sbarrier.arrive $0xFFFF  }
0x99: {  	_ =	shalt  }

// kernel: kernel.8.cloned.1.call-start
scs
__scs_entry_jumppad:
0x0: {  	(pc) =	sbr.rel $0x88, $3  }
0x1: {  	(tag) =	ssettag $0x0;
	lr =	simm.s32 $0x1  }
0x2: {  	[smem:$0x3F9B] =	sst lr;
	_ =	strace $0xD0000000  }
0x3: {  	_ = 	snop  }
0x4: {  	_ = 	snop  }
0x5: {  	_ = 	snop  }
0x6: {  	_ = 	snop  }
0x7: {  	_ = 	snop  }
__scs_overlays_trampoline_lowered:
0x8: {  	[smem:$0x3FAA] =	sst s0  }
0x9: {  	[smem:$0x3FAB] =	sst s1  }
0xa: {  	[smem:$0x3FAC] =	sst s2  }
0xb: {  	[smem:$0x3FAD] =	sst s3  }
0xc: {  	[smem:$0x3FAE] =	sst s4  }
0xd: {  	[smem:$0x3FAF] =	sst s5  }
0xe: {  	[smem:$0x3FB0] =	sst s6  }
0xf: {  	[smem:$0x3FB1] =	sst s7  }
0x10: {  	[smem:$0x3FB2] =	sst s8  }
0x11: {  	[smem:$0x3FB3] =	sst s9;
	s0 =	simm.s32 @!p0 $0x0  }
0x12: {  	s1 =	sld [smem:$0x3F99];
	s0 =	simm.s32 @p0 $0x1  }
0x13: {  	[smem:$0x3FB4] =	sst s0;
	s0 =	simm.s32 @!p1 $0x0  }
0x14: {  	s2 =	sld [smem:$0x3F98];
	s0 =	simm.s32 @p1 $0x1  }
0x15: {  	[smem:$0x3FB5] =	sst s0;
	s0 =	simm.s32 @!p2 $0x0  }
0x16: {  	s3 =	sld [smem:$0x3FDB];
	s0 =	simm.s32 @p2 $0x1  }
0x17: {  	s4 =	simm.s32 $0x1BF5;
	[smem:$0x3FB7] =	sst s0  }
0x18: {  	s0 =	sld [smem:$0x3F9A];
	_ =	swait.ge [sflag:s4], $0x0  }
0x19: {  	s7 =	sld [smem:$0x3F9B]  }
0x1a: {  	s8 =	sadd.s32 $0xFFFFE003, lr  }
0x1b: {  	s9 =	sadd.s32 $0xFFFFFEF7, lr;
	s5 =	simm.s32 $0xFFFFFFFF;
	p2 =	slt.u32 s8, $0xFFFFF086  }
0x1c: {  	p1 =	slt.u32 s9, $0xF7A;
	s5 =	simm.s32 @!p2 $0x0  }
0x1d: {  	s5 =	simm.s32 @p1 $0x1;
	p0 =	seq.s32 s7, s2  }
0x1e: {  	s7 =	smul.u32 @!p0 $0xF7A, s2;
	p2 =	seq.s32 @!p0 s5, $0x0  }
0x1f: {  	s9 =	smul.u32 $0xF7A, s1;
	s8 =	simm.s32 @!p0 $0x1BF5;
	p2 =	por !p2, p0  }
0x20: {  	[sflag:s8] =	ssyncset.s32 @!p0 $0xFFFFF086;
	s6 =	sadd.s32 @!p0 s3, s7;
	s7 =	simm.s32 @!p0 $0x108  }
0x21: {  	s3 =	sadd.s32 s3, s9;
	s6 =	sadd.s32 @!p0 $0x88, s6;
	s7 =	simm.s32 @p2 $0x1082  }
0x22: {  	[simem:s7], [sflag:s8] =	dma.local @!p0 [hbm:s6], $0xF7A  }
0x23: {  	s9 =	sor.u32 $0xD0000000, s2;
	s6 =	simm.s32 $0x108;
	_ =	swait.ge @!p0 [sflag:s8], $0x0  }
0x24: {  	s3 =	sadd.s32 $0x88, s3;
	s6 =	simm.s32 @!p1 $0x1082;
	[sflag:s4] =	ssyncset.s32 $0xFFFFF086  }
0x25: {  	[simem:s6], [sflag:s4] =	dma.local [hbm:s3], $0xF7A  }
0x26: {  	[smem:$0x3F9B] =	sst s1;
	(tag) =	ssettag s2;
	_ =	strace s9  }
0x27: {  	s1 =	sld [smem:$0x3FAB]  }
0x28: {  	s2 =	sld [smem:$0x3FAC]  }
0x29: {  	s4 =	sld [smem:$0x3FAE]  }
0x2a: {  	p0 =	seq.s32 s5, $0x0;
	s5 =	sld [smem:$0x3FAF]  }
0x2b: {  	s6 =	sld [smem:$0x3FB0]  }
0x2c: {  	s7 =	sld [smem:$0x3FB1]  }
0x2d: {  	s3 =	simm.s32 $0x108;
	s8 =	sld [smem:$0x3FB2]  }
0x2e: {  	s3 =	simm.s32 @!p0 $0x1082;
	s9 =	sld [smem:$0x3FB3]  }
0x2f: {  	lr =	sadd.s32 s0, s3;
	s0 =	sld [smem:$0x3FAA]  }
0x30: {  	s3 =	sld [smem:$0x3FAD]  }
0x31: {  	[smem:$0x3FB6] =	sst s10  }
0x32: {  	s10 =	sld [smem:$0x3FB4];
	_ =	sdelay $0x3  }
0x33: {  	p0 =	seq.s32 s10, $0x1;
	s10 =	sld [smem:$0x3FB6];
	_ =	sdelay $0x3  }
0x34: {  	[smem:$0x3FB6] =	sst s10  }
0x35: {  	s10 =	sld [smem:$0x3FB5];
	_ =	sdelay $0x3  }
0x36: {  	p1 =	seq.s32 s10, $0x1;
	s10 =	sld [smem:$0x3FB6];
	_ =	sdelay $0x3  }
0x37: {  	[smem:$0x3FB6] =	sst s10  }
0x38: {  	s10 =	sld [smem:$0x3FB7]  }
0x39: {  	_ = 	snop;
	(pc) =	sbr.ind lr, $3  }
0x3a: {  	_ = 	snop  }
0x3b: {  	_ = 	snop  }
0x3c: {  	p2 =	seq.s32 s10, $0x1;
	s10 =	sld [smem:$0x3FB6]  }
0x3d: {  	_ =	shalt  }
0x3e: {  	_ =	shalt  }
0x3f: {  	_ =	shalt  }
0x40: {  	_ =	shalt  }
0x41: {  	_ =	shalt  }
0x42: {  	_ =	shalt  }
0x43: {  	_ =	shalt  }
0x44: {  	_ =	shalt  }
0x45: {  	_ =	shalt  }
0x46: {  	_ =	shalt  }
0x47: {  	_ =	shalt  }
0x48: {  	_ =	shalt  }
0x49: {  	_ =	shalt  }
0x4a: {  	_ =	shalt  }
0x4b: {  	_ =	shalt  }
0x4c: {  	_ =	shalt  }
0x4d: {  	_ =	shalt  }
0x4e: {  	_ =	shalt  }
0x4f: {  	_ =	shalt  }
0x50: {  	_ =	shalt  }
0x51: {  	_ =	shalt  }
0x52: {  	_ =	shalt  }
0x53: {  	_ =	shalt  }
0x54: {  	_ =	shalt  }
0x55: {  	_ =	shalt  }
0x56: {  	_ =	shalt  }
0x57: {  	_ =	shalt  }
0x58: {  	_ =	shalt  }
0x59: {  	_ =	shalt  }
0x5a: {  	_ =	shalt  }
0x5b: {  	_ =	shalt  }
0x5c: {  	_ =	shalt  }
0x5d: {  	_ =	shalt  }
0x5e: {  	_ =	shalt  }
0x5f: {  	_ =	shalt  }
0x60: {  	_ =	shalt  }
0x61: {  	_ =	shalt  }
0x62: {  	_ =	shalt  }
0x63: {  	_ =	shalt  }
0x64: {  	_ =	shalt  }
0x65: {  	_ =	shalt  }
0x66: {  	_ =	shalt  }
0x67: {  	_ =	shalt  }
0x68: {  	_ =	shalt  }
0x69: {  	_ =	shalt  }
0x6a: {  	_ =	shalt  }
0x6b: {  	_ =	shalt  }
0x6c: {  	_ =	shalt  }
0x6d: {  	_ =	shalt  }
0x6e: {  	_ =	shalt  }
0x6f: {  	_ =	shalt  }
0x70: {  	_ =	shalt  }
0x71: {  	_ =	shalt  }
0x72: {  	_ =	shalt  }
0x73: {  	_ =	shalt  }
0x74: {  	_ =	shalt  }
0x75: {  	_ =	shalt  }
0x76: {  	_ =	shalt  }
0x77: {  	_ =	shalt  }
0x78: {  	_ =	shalt  }
0x79: {  	_ =	shalt  }
0x7a: {  	_ =	shalt  }
0x7b: {  	_ =	shalt  }
0x7c: {  	_ =	shalt  }
0x7d: {  	_ =	shalt  }
0x7e: {  	_ =	shalt  }
0x7f: {  	_ =	shalt  }
0x80: {  	_ =	shalt  }
0x81: {  	_ =	shalt  }
0x82: {  	_ =	shalt  }
0x83: {  	_ =	shalt  }
0x84: {  	_ =	shalt  }
0x85: {  	_ =	shalt  }
0x86: {  	_ =	shalt  }
0x87: {  	_ =	shalt  }
.Lfunc_end0:
.L_simem_size_0:
called_computation_lowered:
.L_overlay_start_0:
0x88: {  	s2 =	sld [smem:$0x3FD9]  }
0x89: {  	s3 =	sld [smem:$0x3FFE];
	_ =	sdelay $0x1  }
0x8a: {  	s1 =	srdreg.scid  }
0x8b: {  	s0 =	sand.u32 $0x1, s1  }
0x8c: {  	s16 =	sshll.u32 s0, $0xA;
	s2 =	sadd.s32 s3, s2  }
0x8d: {  	s2 =	sadd.s32 s2, s16  }
0x8e: {  	[smem:$0x3FC2] =	sst s2  }
0x8f: {  	_ = 	snop  }
0x90: {  	(tm) =	ssettm $0x1  }
0x91: {  	s17 =	sld [smem:$0x3FFB];
	_ =	sdelay $0x3  }
0x92: {  	_ =	strace s17  }
0x93: {  	s2 =	sld [smem:$0x3FFC];
	_ =	sdelay $0x3  }
0x94: {  	_ =	strace s2  }
0x95: {  	s2 =	sld [smem:$0x3FFD];
	_ =	sdelay $0x3  }
0x96: {  	_ =	strace s2  }
0x97: {  	_ =	strace $0x8FFFFFFF  }
0x98: {  	s18 =	sld [smem:$0x3FDB];
	_ =	sdelay $0x1  }
0x99: {  	s19 =	simm.s32 $_scs_section_size  }
0x9a: {  	s4 =	simm.s32 $_size__tile_overlayer_lowered;
	s5 =	simm.s32 $_tile_overlayer_lowered  }
0x9b: {  	s22 =	simm.s32 $0x1BFF;
	s21 =	sshll.u32 s5, $0x1;
	s2 =	sadd.s32 s19, s18  }
0x9c: {  	s6 =	simm.s32 $0x0;
	s20 =	sshll.u32 s4, $0x1;
	s4 =	sadd.s32 s21, s2  }
0x9d: {  	[timem:s6], [sflag:s22] =	dma.local [hbm:s4], s20  }
0x9e: {  	_ =	swait.ge [sflag:s22], s20  }
0x9f: {  	s3 =	ssub.s32 $0x0, s20;
	[sflag:s22] =	ssyncset.done $0x0  }
0xa0: {  	[sflag:s22] =	ssyncadd.s32 s3;
	_ =	sdelay $0x1  }
0xa1: {  	s23 =	simm.s32 $0x1B8B  }
0xa2: {  	_ =	swait.ge [sflag:s23], $0x1  }
0xa3: {  	[sflag:s23] =	ssyncset.done $0x0  }
0xa4: {  	s25 =	simm.s32 $0x1B8E;
	s24 =	sld [smem:$0x3FFE];
	[sflag:s23] =	ssyncadd.s32 $0xFFFFFFFF  }
0xa5: {  	s26 =	simm.s32 $execute0_lowered;
	[smem:$0x3FD2] =	sst s25  }
0xa6: {  	s4 =	sshll.u32 s26, $0x1;
	_ =	strace $0x80000046;
	[dreg:$0x1] =	wrdreg $0xFFFFFFFF  }
0xa7: {  	s28 =	simm.s32 $_size_execute0_lowered;
	s2 =	sadd.s32 s2, s4;
	[dreg:$0x0] =	wrdreg $0x0  }
0xa8: {  	s4 =	sshll.u32 s28, $0x1;
	[dreg:$0x2] =	wrdreg s2  }
0xa9: {  	[dreg:$0x3] =	wrdreg s4  }
0xaa: {  	[dreg:$0x4] =	wrdreg $0xC0  }
0xab: {  	_ =	task [dreg:s6], $0x5FFFF  }
0xac: {  	[dreg:$0x1] =	wrdreg $0xFFFFFFFF  }
0xad: {  	[dreg:$0x0] =	wrdreg $0x60  }
0xae: {  	[dreg:$0x2] =	wrdreg s24  }
0xaf: {  	[dreg:$0x3] =	wrdreg $0x8B800  }
0xb0: {  	[dreg:$0x4] =	wrdreg $0x9  }
0xb1: {  	_ =	task.clear_ibuf [dreg:s6], $0x5FFFF;
	_ =	strace $0x90000046  }
0xb2: {  	s29 =	simm.s32 $0x9;
	_ =	strace $0x80000048  }
0xb3: {  	_ =	swait.ge [sflag:s29], $0x1  }
0xb4: {  	[sflag:s29] =	ssyncadd.s32 $0xFFFFFFFF  }
0xb5: {  	_ =	strace $0x90000048  }
0xb6: {  	_ =	sfence  }
0xb7: {  	s30 =	sld [smem:$0x0];
	_ =	sdelay $0x2  }
0xb8: {  	s31 =	sshll.u32 s1, $0xD;
	s1 =	sshrl.u32 s1, $0x2  }
0xb9: {  	s3 =	sand.u32 $0x4000, s31;
	s1 =	sadd.s32 s1, s30  }
0xba: {  	s0 =	sor.u32 s3, s0;
	s1 =	sshll.u32 s1, $0x11  }
0xbb: {  	s0 =	sor.u32 s1, s0  }
0xbc: {  	s0 =	sadd.s32 $0x8F2B, s0  }
0xbd: {  	[sflag:s0] =	ssyncadd.remote.s32 $0x1  }
0xbe: {  	_ =	sfence.sel $0xFFFF  }
0xbf: {  	[dreg:$0x0] =	wrdreg $0xFFFFFFFF;
	(pc) =	sbr.abs _section_cstart, $3  }
0xc0: {  	[dreg:$0x1] =	wrdreg $0xFFFFFFFF  }
0xc1: {  	_ =	task.clear_ibuf [dreg:s6], $0x2FFFF;
	_ =	strace $0x9FFFFFFF  }
0xc2: {  	(tm) =	ssettm $0x7FFFFFFF  }
0xc3: {  	_ =	shalt  }
tec
execute0_lowered:
.L_overlay_start_1:
0x0: {  	(tag) =	ssettag $0x1  }
0x1: {  	s4 =	rddreg [dreg:$0x0]  }
0x2: {  	s2 =	rddreg [dreg:$0x1];
	s3 =	srdreg.scid  }
0x3: {  	s1 =	stileid.u32;
	s0 =	rddreg [dreg:$0x2];
	s10 =	simm.s32 $0x2A00  }
0x4: {  	s11 =	simm.s32 $0x6400;
	s12 =	simm.s32 $0x80;
	s13 =	simm.s32 $0x5400  }
0x5: {  	s14 =	simm.s32 $0x5C00;
	s15 =	simm.s32 $0x0;
	s5 =	sand.u32 $0x1, s3  }
0x6: {  	s6 =	smul.u32 $0x2780, s1;
	s3 =	simm.s32 $0x0;
	s7 =	sshll.u32 s1, $0x1  }
0x7: {  	s8 =	smul.u32 $0x27800, s5;
	s7 =	sor.u32 s5, s7;
	s5 =	ssub.s32 $0x2, s5  }
0x8: {  	[smem:$0x7FF] =	sst s3;
	s7 =	smul.u32 $0x540, s7;
	s9 =	sshrl.u32 s5, $0x1  }
0x9: {  	_ =	strace $0x80000047;
	s8 =	sadd.s32 s6, s8;
	s9 =	ssub.s32 s5, s9  }
0xa: {  	s6 =	sadd.s32 s6, s2;
	s8 =	sshrl.u32 s8, $0x3;
	s7 =	sadd.s32 s7, s4  }
0xb: {  	vm0 =	vcmask $0x1F00;
	v0 =	vimm.f32 $0.0e+00;
	v2 =	vimm.f32 $1.000000000e+00;
	s8 =	sadd.s32 s8, s4;
	s4 =	sadd.s32 $0xC800, s7;
	s5 =	sadd.s32 $0x2000, s7  }
0xc: {  	v1 =	vsel vm0, $0x3F800000, v0;
	v2 =	vsel vm0, $0x0, v2;
	s7 =	sadd.s32 $0x17000, s8;
	s8 =	smax.u32 s9, $0x1;
	s9 =	simm.s32 $0x1  }
.LBB2_1:
0xd: {  	[tilespmem:s3], [sflag:$0x1] =	stream.linear.gather [hbm4b:s4+s3], $0x2A00, $0x38;
	[tilespmem:$0xB300] =	vst v63  }
0xe: {  	_ =	swait.ge [sflag:s9], $0x2A00  }
0xf: {  	[sflag:s9] =	ssyncset.done $0x0  }
0x10: {  	[sflag:s9] =	ssyncadd.s32 $0xFFFFD600  }
0x11: {  	[tilespmem:s10], [sflag:$0x1] =	stream.linear.gather [hbm4b:s5+s3], $0x2A00, $0x38;
	[tilespmem:$0xB300] =	vst v63  }
0x12: {  	_ =	swait.ge [sflag:s9], $0x2A00  }
0x13: {  	[sflag:s9] =	ssyncset.done $0x0  }
0x14: {  	s16 =	simm.s32 $0x0;
	[sflag:s9] =	ssyncadd.s32 $0xFFFFD600  }
.LBB2_2:
0x15: {  	p0 =	sne.s32 s16, $0x1FC0  }
.Ltmp0:
0x16: {  	_ = 	snop;
	(pc) =	sbr.rel @p0 .LBB2_2-.Ltmp0, $4  }
0x17: {  	_ = 	snop  }
0x18: {  	s17 =	sshra.s32 s16, $0x2  }
0x19: {  	[tilespmem:s17+$0x5400] =	vst v1  }
0x1a: {  	s16 =	sadd.s32 $0x40, s16;
	[tilespmem:s17+$0x5C00] =	vst v2  }
0x1b: {  	s16 =	simm.s32 $0x40;
	s17 =	simm.s32 $0x0  }
.LBB2_4:
0x1c: {  	p0 =	sne.s32 s16, $0x9DC0;
	[tilespmem:s17+$0x6400] =	vst v0;
	s17 =	smov.u32 s16;
	s16 =	sadd.s32 $0x40, s16  }
.Ltmp1:
0x1d: {  	(pc) =	sbr.rel @p0 .LBB2_4-.Ltmp1, $2  }
0x1e: {  	_ =	sdelay $0x2  }
0x1f: {  	s17 =	sshra.s32 s17, $0x2  }
0x20: {  	[tilespmem:s17+$0x6400] =	vst v0  }
0x21: {  	[spmem:s6] =	stream.linear.scatter [tilespmem:s11], [sflag:$0x1], $0x2780, $0x38;
	[tilespmem:$0xB300] =	vst v63  }
0x22: {  	_ =	swait.ge [sflag:s9], $0x2780  }
0x23: {  	[sflag:s9] =	ssyncset.done $0x0  }
0x24: {  	[sflag:s9] =	ssyncadd.s32 $0xFFFFD880  }
0x25: {  	s16 =	simm.s32 $0x0;
	[bflag:$0x0] =	sbarrier.arrive $0xFFFF  }
0x26: {  	[spmem:s2] =	stream.indirect.scatter.add.f32 [tilespmem:s13], [sflag:$0x1], $0x10, s16, s12, $0xb8;
	[tilespmem:$0xB300] =	vst v63  }
0x27: {  	_ =	swait.ge [sflag:s9], $0x800  }
0x28: {  	[sflag:s9] =	ssyncset.done $0x0  }
0x29: {  	s31 =	simm.s32 $0x2A00;
	[sflag:s9] =	ssyncadd.s32 $0xFFFFF800  }
0x2a: {  	[spmem:s2] =	stream.indirect.scatter.add.f32 [tilespmem:s14], [sflag:$0x1], $0x10, s31, s12, $0xb8;
	[tilespmem:$0xB300] =	vst v63  }
0x2b: {  	_ =	swait.ge [sflag:s9], $0x800  }
0x2c: {  	s17 =	simm.s32 $0x400;
	s16 =	simm.s32 $0x200;
	[sflag:s9] =	ssyncset.done $0x0  }
.LBB2_6:
0x2d: {  	s18 =	sshra.s32 s16, $0x2  }
0x2e: {  	[sflag:s9] =	ssyncadd.s32 $0xFFFFF800;
	s16 =	smov.u32 s17;
	s19 =	sadd.s32 $0x200, s17  }
0x2f: {  	[spmem:s2] =	stream.indirect.scatter.add.f32 [tilespmem:s13], [sflag:$0x1], $0x10, s18, s12, $0xb8;
	[tilespmem:$0xB300] =	vst v63  }
0x30: {  	p0 =	sne.s32 s17, $0xA600;
	_ =	swait.ge [sflag:s9], $0x800  }
.Ltmp2:
0x31: {  	[sflag:s9] =	ssyncset.done $0x0;
	(pc) =	sbr.rel @p0 .LBB2_6-.Ltmp2, $4  }
0x32: {  	s17 =	sadd.s32 $0x2A00, s18;
	[sflag:s9] =	ssyncadd.s32 $0xFFFFF800  }
0x33: {  	[spmem:s2] =	stream.indirect.scatter.add.f32 [tilespmem:s14], [sflag:$0x1], $0x10, s17, s12, $0xb8;
	[tilespmem:$0xB300] =	vst v63  }
0x34: {  	_ =	swait.ge [sflag:s9], $0x800  }
0x35: {  	s17 =	smov.u32 s19;
	[sflag:s9] =	ssyncset.done $0x0  }
0x36: {  	s16 =	sshra.s32 s16, $0x2;
	[sflag:s9] =	ssyncadd.s32 $0xFFFFF800  }
0x37: {  	[spmem:s2] =	stream.indirect.scatter.add.f32 [tilespmem:s13], [sflag:$0x1], $0x10, s16, s12, $0xb8;
	[tilespmem:$0xB300] =	vst v63  }
0x38: {  	_ =	swait.ge [sflag:s9], $0x800  }
0x39: {  	[sflag:s9] =	ssyncset.done $0x0  }
0x3a: {  	s16 =	sadd.s32 $0x2A00, s16;
	[sflag:s9] =	ssyncadd.s32 $0xFFFFF800  }
0x3b: {  	[spmem:s2] =	stream.indirect.scatter.add.f32 [tilespmem:s14], [sflag:$0x1], $0x10, s16, s12, $0xb8;
	[tilespmem:$0xB300] =	vst v63  }
0x3c: {  	_ =	swait.ge [sflag:s9], $0x800  }
0x3d: {  	[sflag:s9] =	ssyncset.done $0x0  }
0x3e: {  	[sflag:s9] =	ssyncadd.s32 $0xFFFFF800  }
0x3f: {  	[bflag:$0x0] =	sbarrier.arrive $0xFFFF  }
0x40: {  	[tilespmem:s11], [sflag:$0x1] =	stream.linear.gather [spmem:s6], $0x2780, $0x38;
	[tilespmem:$0xB300] =	vst v63  }
0x41: {  	s15 =	sadd.s32 $0x1, s15;
	_ =	swait.ge [sflag:s9], $0x2780  }
0x42: {  	p0 =	sne.s32 s15, s8;
	[sflag:s9] =	ssyncset.done $0x0  }
.Ltmp3:
0x43: {  	[sflag:s9] =	ssyncadd.s32 $0xFFFFD880;
	(pc) =	sbr.rel @p0 .LBB2_1-.Ltmp3, $4  }
0x44: {  	[hbm4b:s7+s3] =	stream.linear.scatter [tilespmem:s11], [sflag:$0x1], $0x2780, $0x38;
	[tilespmem:$0xB300] =	vst v63  }
0x45: {  	_ =	swait.ge [sflag:s9], $0x2780  }
0x46: {  	[sflag:s9] =	ssyncset.done $0x0  }
0x47: {  	[sflag:s9] =	ssyncadd.s32 $0xFFFFD880  }
0x48: {  	_ =	sfence.sel $0x180000  }
0x49: {  	[bflag:$0x0] =	sbarrier.arrive $0xFFFF  }
0x4a: {  	p0 =	sne.s32 s1, $0x0;
	_ =	strace $0x90000047  }
0x4b: {  	s0 =	sadd.s32 @!p0 $0x100000, s0;
	[bflag:$0x2] =	sbarrier.arrive $0xFFFF  }
0x4c: {  	[sflag:s0] =	ssyncadd.tile.s32 @!p0 $0x1;
	_ =	shalt  }
.Lfunc_end2:
_tile_overlayer_lowered:
.L_overlay_start_2:
0x4d: {  	(tag) =	ssettag $0x2  }
0x4e: {  	s0 =	rddreg [dreg:$0x0];
	s2 =	stileid.u32  }
0x4f: {  	s1 =	rddreg [dreg:$0x1];
	p0 =	sne.s32 s2, $0x0  }
0x50: {  	s3 =	rddreg [dreg:$0x2];
	[bflag:$0x3] =	sbarrier.arrive $0xFFFF;
	s2 =	simm.s32 @!p0 $0x1C01  }
0x51: {  	[timem:s3], [sflag:s2] =	dma.local @!p0 [hbm:s0], s1  }
0x52: {  	s0 =	simm.s32 @!p0 $0x1  }
0x53: {  	_ =	swait.ge @!p0 [sflag:s0], s1  }
0x54: {  	s1 =	ssub.s32 @!p0 $0x0, s1;
	[sflag:s0] =	ssyncset.done @!p0 $0x0  }
0x55: {  	[sflag:s0] =	ssyncadd.s32 @!p0 s1  }
0x56: {  	[bflag:$0x3] =	sbarrier.arrive $0xFFFF  }
0x57: {  	_ =	shalt  }

</sc_bundles>
